<compile_context>
chip_gen: v7x
topology: tpu7x:2x2x1
jax: 0.10.2.dev20260603
libtpu: 0.0.44.dev20260713+nightly
codegen_flags: <defaults>
</compile_context>

<pallas_src>
import dataclasses

import jax
import jax.numpy as jnp
from jax import lax
from jax.experimental import pallas as pl
from jax.experimental.pallas import tpu as pltpu
from jax.experimental.pallas import tpu_sc as plsc

D_FEAT = 128
D_PACK = D_FEAT // 2
N_EDGES = 320000

N_CORES = 2
N_SUBCORES = 16
N_TILES = N_CORES * N_SUBCORES
EDGES_PER_TILE = N_EDGES // N_TILES
CHUNK = 80
N_CHUNKS = EDGES_PER_TILE // CHUNK
LANES = 16
NBUF = 5


def _tile_body(xt_hbm, xp_hbm, ti_hbm, pi_hbm, out_hbm,
               ti_v, pi_v, t_rows, p_rows, out_v, *sems):
    c = lax.axis_index("c")
    s = lax.axis_index("s")
    wid = s * N_CORES + c
    base = wid * EDGES_PER_TILE

    pltpu.sync_copy(ti_hbm.at[wid], ti_v)
    pltpu.sync_copy(pi_hbm.at[wid], pi_v)

    lane = lax.iota(jnp.int32, LANES)

    def start(ch, buf):
        sem = sems[buf]
        pltpu.make_async_copy(xt_hbm.at[ti_v.at[ch]], t_rows.at[buf], sem).start()
        pltpu.make_async_copy(xp_hbm.at[pi_v.at[ch]], p_rows.at[buf], sem).start()

    def wait(ch, buf):
        sem = sems[buf]
        pltpu.make_async_copy(xt_hbm.at[ti_v.at[ch]], t_rows.at[buf], sem).wait()
        pltpu.make_async_copy(xp_hbm.at[pi_v.at[ch]], p_rows.at[buf], sem).wait()

    zero = jnp.zeros((LANES,), jnp.float32)
    col0 = jnp.zeros((LANES,), jnp.int32)

    def compute(ch, buf):
        tb = t_rows.at[buf]
        pb = p_rows.at[buf]

        @pl.loop(0, CHUNK, step=LANES)
        def _grp(g):
            row = g + lane

            @plsc.parallel_loop(0, D_PACK, step=2, unroll=2,
                                carry=(zero, zero, zero, zero, col0))
            def _feat(_, state):
                a0, a1, a2, a3, col = state
                accs = [a0, a1, a2, a3]
                for k in range(2):
                    ck = col + k
                    tv = plsc.load_gather(tb, [row, ck])
                    pv = plsc.load_gather(pb, [row, ck])
                    prod = plsc.bitcast(tv, jnp.bfloat16) * plsc.bitcast(pv, jnp.bfloat16)
                    e0, e1 = plsc.unpack(prod, format=plsc.PackFormat.INTERLEAVED)
                    accs[2 * k] = accs[2 * k] + e0
                    accs[2 * k + 1] = accs[2 * k + 1] + e1
                return (accs[0], accs[1], accs[2], accs[3], col + 2)

            a0, a1, a2, a3, _ = _feat
            tot = (a0 + a1) + (a2 + a3)
            out_v[pl.ds(ch * CHUNK + g, LANES)] = tot

    for b in range(NBUF - 1):
        start(b, b)

    @pl.loop(0, N_CHUNKS - NBUF, step=NBUF)
    def _ring(ch):
        for b in range(NBUF):
            start(ch + b + NBUF - 1, (b + NBUF - 1) % NBUF)
            wait(ch + b, b)
            compute(ch + b, b)

    start(N_CHUNKS - 1, (N_CHUNKS - 1) % NBUF)
    for b in range(NBUF):
        ch = N_CHUNKS - NBUF + b
        wait(ch, ch % NBUF)
        compute(ch, ch % NBUF)

    pltpu.sync_copy(out_v, out_hbm.at[pl.ds(base, EDGES_PER_TILE)])


def _pack_bf16(x):
    xb = x.astype(jnp.bfloat16).reshape(x.shape[0], x.shape[1] // 2, 2)
    return lax.bitcast_convert_type(xb, jnp.int32)


def kernel(x_track, x_playlist, track_playlist_edge):
    ti = track_playlist_edge[0].reshape(N_TILES, N_CHUNKS, CHUNK)
    pi = track_playlist_edge[1].reshape(N_TILES, N_CHUNKS, CHUNK)
    xt = _pack_bf16(x_track)
    xp = _pack_bf16(x_playlist)

    mesh = plsc.VectorSubcoreMesh(core_axis_name="c", subcore_axis_name="s")
    cp = pltpu.CompilerParams()
    if "needs_layout_passes" in pltpu.CompilerParams.__dataclass_fields__:
        cp = dataclasses.replace(cp, needs_layout_passes=False)
    if "use_tc_tiling_on_sc" in pltpu.CompilerParams.__dataclass_fields__:
        cp = dataclasses.replace(cp, use_tc_tiling_on_sc=False)
    k = pl.kernel(
        _tile_body,
        out_type=jax.ShapeDtypeStruct((N_EDGES,), jnp.float32),
        mesh=mesh,
        scratch_types=[
            pltpu.VMEM((N_CHUNKS, CHUNK), jnp.int32),
            pltpu.VMEM((N_CHUNKS, CHUNK), jnp.int32),
            pltpu.VMEM((NBUF, CHUNK, D_PACK), jnp.int32),
            pltpu.VMEM((NBUF, CHUNK, D_PACK), jnp.int32),
            pltpu.VMEM((EDGES_PER_TILE,), jnp.float32),
        ] + [pltpu.SemaphoreType.DMA] * NBUF,
        compiler_params=cp,
    )
    return k(xt, xp, ti, pi)

# --- scband reference (transcript-rebuilt; emitter-appended) ---
"""Pipeline reference for scband-link-predictor-927712936633 (READ-ONLY COPY).

The authoritative reference and input builder live on the scoring server;
editing this copy changes nothing except your own understanding.
"""

import jax, jax.numpy as jnp
import numpy as np

N_TRACK = 10000
N_PLAYLIST = 10000
D_FEAT = 128
N_EDGES = 320000


def setup_inputs(seed: int = 0) -> dict:
    key = jax.random.key(seed)
    k1, k2, k3 = jax.random.split(key, 3)
    x_track = jax.random.normal(k1, (N_TRACK, D_FEAT), dtype=jnp.float32)
    x_playlist = jax.random.normal(k2, (N_PLAYLIST, D_FEAT), dtype=jnp.float32)
    track_playlist_edge = jax.random.randint(k3, (2, N_EDGES), 0, N_TRACK, dtype=jnp.int32)
    return {
        "x_track": x_track,
        "x_playlist": x_playlist,
        "track_playlist_edge": track_playlist_edge,
    }


def reference(x_track, x_playlist, track_playlist_edge):
    # gather per-edge embeddings (SparseCore gather)
    track_embedding = jnp.take(x_track, track_playlist_edge[0], axis=0)
    playlist_embedding = jnp.take(x_playlist, track_playlist_edge[1], axis=0)
    # elementwise product + reduce over feature dim -> per-edge dot product score
    return (track_embedding * playlist_embedding).sum(axis=-1)

if __name__ == "__main__":
    import jax
    _d = setup_inputs()
    print(jax.jit(kernel)(*tuple(_d.values())))

</pallas_src>

<mosaic_0001>
#map = affine_map<(d0, d1) -> (0, 0)>
#map1 = affine_map<(d0, d1) -> (0, 0, 0)>
#map2 = affine_map<(d0, d1) -> (0)>
module attributes {stable_mosaic.version = 14 : i64} {
  func.func @_tile_body(%arg0: i32, %arg1: i32, %arg2: memref<10000x64xi32, #tpu.memory_space<hbm>>, %arg3: memref<10000x64xi32, #tpu.memory_space<hbm>>, %arg4: memref<32x125x80xi32, #tpu.memory_space<hbm>>, %arg5: memref<32x125x80xi32, #tpu.memory_space<hbm>>, %arg6: memref<320000xf32, #tpu.memory_space<hbm>>, %arg7: memref<125x80xi32, #tpu.memory_space<vmem>>, %arg8: memref<125x80xi32, #tpu.memory_space<vmem>>, %arg9: memref<5x80x64xi32, #tpu.memory_space<vmem>>, %arg10: memref<5x80x64xi32, #tpu.memory_space<vmem>>, %arg11: memref<10000xf32, #tpu.memory_space<vmem>>, %arg12: memref<!tpu.dma_semaphore, #tpu.memory_space<semaphore_mem>>, %arg13: memref<!tpu.dma_semaphore, #tpu.memory_space<semaphore_mem>>, %arg14: memref<!tpu.dma_semaphore, #tpu.memory_space<semaphore_mem>>, %arg15: memref<!tpu.dma_semaphore, #tpu.memory_space<semaphore_mem>>, %arg16: memref<!tpu.dma_semaphore, #tpu.memory_space<semaphore_mem>>) attributes {dimension_semantics = [#tpu.dimension_semantics<core_parallel>, #tpu.dimension_semantics<subcore_parallel>], iteration_bounds = array<i64: 2, 16>, scalar_prefetch = 0 : i64, scratch_operands = 10 : i64, tpu.core_type = #tpu.core_type<sc_vector_subcore>, window_params = [{transform_indices = #map}, {transform_indices = #map}, {transform_indices = #map1}, {transform_indices = #map1}, {transform_indices = #map2}]} {
    %mul3A = arith.constant 2 : i32
    %mul3A_0 = arith.muli %arg1, %mul3A : i32
    %add3A = arith.addi %mul3A_0, %arg0 : i32
    %mul3A_1 = arith.constant 10000 : i32
    %mul3A_2 = arith.muli %add3A, %mul3A_1 : i32
    "tpu.region"() ({
      %run_scoped3A = tpu.sem_alloc : memref<!tpu.dma_semaphore, #tpu.memory_space<semaphore_mem>>
      %dma_start3A_283 = arith.constant 0 : i32
      %dma_start3A_284 = arith.constant 0 : i32
      %dma_start3A_285 = tpu.memref_slice %arg4[%add3A, %dma_start3A_283, %dma_start3A_284] : memref<32x125x80xi32, #tpu.memory_space<hbm>> -> memref<1x125x80xi32, #tpu.memory_space<hbm>>
      %dma_start3A_286 = tpu.memref_squeeze %dma_start3A_285 : memref<1x125x80xi32, #tpu.memory_space<hbm>> -> memref<125x80xi32, #tpu.memory_space<hbm>>
      %dma_start3A_287 = arith.constant 0 : i32
      %dma_start3A_288 = arith.constant 0 : i32
      %dma_start3A_289 = tpu.memref_slice %arg4[%add3A, %dma_start3A_287, %dma_start3A_288] : memref<32x125x80xi32, #tpu.memory_space<hbm>> -> memref<1x125x80xi32, #tpu.memory_space<hbm>>
      %dma_start3A_290 = tpu.memref_squeeze %dma_start3A_289 : memref<1x125x80xi32, #tpu.memory_space<hbm>> -> memref<125x80xi32, #tpu.memory_space<hbm>>
      tpu.enqueue_dma source(%dma_start3A_290 : memref<125x80xi32, #tpu.memory_space<hbm>>) target(%arg7 : memref<125x80xi32, #tpu.memory_space<vmem>>) target_semaphore(%run_scoped3A : memref<!tpu.dma_semaphore, #tpu.memory_space<semaphore_mem>>)
      %dma_wait3A_291 = arith.constant 0 : i32
      %dma_wait3A_292 = arith.constant 0 : i32
      %dma_wait3A_293 = tpu.memref_slice %arg4[%add3A, %dma_wait3A_291, %dma_wait3A_292] : memref<32x125x80xi32, #tpu.memory_space<hbm>> -> memref<1x125x80xi32, #tpu.memory_space<hbm>>
      %dma_wait3A_294 = tpu.memref_squeeze %dma_wait3A_293 : memref<1x125x80xi32, #tpu.memory_space<hbm>> -> memref<125x80xi32, #tpu.memory_space<hbm>>
      %dma_wait3A_295 = arith.constant 0 : i32
      %dma_wait3A_296 = arith.constant 0 : i32
      %dma_wait3A_297 = tpu.memref_slice %arg4[%add3A, %dma_wait3A_295, %dma_wait3A_296] : memref<32x125x80xi32, #tpu.memory_space<hbm>> -> memref<1x125x80xi32, #tpu.memory_space<hbm>>
      %dma_wait3A_298 = tpu.memref_squeeze %dma_wait3A_297 : memref<1x125x80xi32, #tpu.memory_space<hbm>> -> memref<125x80xi32, #tpu.memory_space<hbm>>
      tpu.wait_dma2 semaphore(%run_scoped3A : memref<!tpu.dma_semaphore, #tpu.memory_space<semaphore_mem>>) src(%dma_wait3A_298 : memref<125x80xi32, #tpu.memory_space<hbm>>) dst(%arg7 : memref<125x80xi32, #tpu.memory_space<vmem>>)
      tpu.yield
    }) : () -> ()
    "tpu.region"() ({
      %run_scoped3A = tpu.sem_alloc : memref<!tpu.dma_semaphore, #tpu.memory_space<semaphore_mem>>
      %dma_start3A_283 = arith.constant 0 : i32
      %dma_start3A_284 = arith.constant 0 : i32
      %dma_start3A_285 = tpu.memref_slice %arg5[%add3A, %dma_start3A_283, %dma_start3A_284] : memref<32x125x80xi32, #tpu.memory_space<hbm>> -> memref<1x125x80xi32, #tpu.memory_space<hbm>>
      %dma_start3A_286 = tpu.memref_squeeze %dma_start3A_285 : memref<1x125x80xi32, #tpu.memory_space<hbm>> -> memref<125x80xi32, #tpu.memory_space<hbm>>
      %dma_start3A_287 = arith.constant 0 : i32
      %dma_start3A_288 = arith.constant 0 : i32
      %dma_start3A_289 = tpu.memref_slice %arg5[%add3A, %dma_start3A_287, %dma_start3A_288] : memref<32x125x80xi32, #tpu.memory_space<hbm>> -> memref<1x125x80xi32, #tpu.memory_space<hbm>>
      %dma_start3A_290 = tpu.memref_squeeze %dma_start3A_289 : memref<1x125x80xi32, #tpu.memory_space<hbm>> -> memref<125x80xi32, #tpu.memory_space<hbm>>
      tpu.enqueue_dma source(%dma_start3A_290 : memref<125x80xi32, #tpu.memory_space<hbm>>) target(%arg8 : memref<125x80xi32, #tpu.memory_space<vmem>>) target_semaphore(%run_scoped3A : memref<!tpu.dma_semaphore, #tpu.memory_space<semaphore_mem>>)
      %dma_wait3A_291 = arith.constant 0 : i32
      %dma_wait3A_292 = arith.constant 0 : i32
      %dma_wait3A_293 = tpu.memref_slice %arg5[%add3A, %dma_wait3A_291, %dma_wait3A_292] : memref<32x125x80xi32, #tpu.memory_space<hbm>> -> memref<1x125x80xi32, #tpu.memory_space<hbm>>
      %dma_wait3A_294 = tpu.memref_squeeze %dma_wait3A_293 : memref<1x125x80xi32, #tpu.memory_space<hbm>> -> memref<125x80xi32, #tpu.memory_space<hbm>>
      %dma_wait3A_295 = arith.constant 0 : i32
      %dma_wait3A_296 = arith.constant 0 : i32
      %dma_wait3A_297 = tpu.memref_slice %arg5[%add3A, %dma_wait3A_295, %dma_wait3A_296] : memref<32x125x80xi32, #tpu.memory_space<hbm>> -> memref<1x125x80xi32, #tpu.memory_space<hbm>>
      %dma_wait3A_298 = tpu.memref_squeeze %dma_wait3A_297 : memref<1x125x80xi32, #tpu.memory_space<hbm>> -> memref<125x80xi32, #tpu.memory_space<hbm>>
      tpu.wait_dma2 semaphore(%run_scoped3A : memref<!tpu.dma_semaphore, #tpu.memory_space<semaphore_mem>>) src(%dma_wait3A_298 : memref<125x80xi32, #tpu.memory_space<hbm>>) dst(%arg8 : memref<125x80xi32, #tpu.memory_space<vmem>>)
      tpu.yield
    }) : () -> ()
    %iota3A = tpu.iota {dimensions = array<i32: 0>} : vector<16xi32>
    %broadcast_in_dim3A = arith.constant 0.000000e+00 : f32
    %broadcast_in_dim3A_3 = vector.broadcast %broadcast_in_dim3A : f32 to vector<16xf32>
    %broadcast_in_dim3A_4 = arith.constant 0 : i32
    %broadcast_in_dim3A_5 = vector.broadcast %broadcast_in_dim3A_4 : i32 to vector<16xi32>
    %dma_start3A = arith.constant 0 : i32
    %dma_start3A_6 = arith.constant 0 : i32
    %dma_start3A_7 = arith.constant 0 : i32
    %dma_start3A_8 = arith.constant 0 : i32
    %dma_start3A_9 = tpu.memref_slice %arg9[%dma_start3A_6, %dma_start3A_7, %dma_start3A_8] : memref<5x80x64xi32, #tpu.memory_space<vmem>> -> memref<1x80x64xi32, #tpu.memory_space<vmem>>
    %dma_start3A_10 = tpu.memref_squeeze %dma_start3A_9 : memref<1x80x64xi32, #tpu.memory_space<vmem>> -> memref<80x64xi32, #tpu.memory_space<vmem>>
    %dma_start3A_11 = arith.constant 0 : i32
    %dma_start3A_12 = tpu.memref_slice %arg7[%dma_start3A, %dma_start3A_11] : memref<125x80xi32, #tpu.memory_space<vmem>> -> memref<1x80xi32, #tpu.memory_space<vmem>>
    %dma_start3A_13 = tpu.memref_squeeze %dma_start3A_12 : memref<1x80xi32, #tpu.memory_space<vmem>> -> memref<80xi32, #tpu.memory_space<vmem>>
    %dma_start3A_14 = arith.constant 0 : i32
    %dma_start3A_15 = arith.constant 0 : i32
    %dma_start3A_16 = tpu.memref_slice %arg2[%dma_start3A_14, %dma_start3A_15] : memref<10000x64xi32, #tpu.memory_space<hbm>> -> memref<10000x64xi32, #tpu.memory_space<hbm>>
    tpu.enqueue_indirect_dma source(%dma_start3A_16 : memref<10000x64xi32, #tpu.memory_space<hbm>>) target(%dma_start3A_10 : memref<80x64xi32, #tpu.memory_space<vmem>>) offsets(%dma_start3A_13 : memref<80xi32, #tpu.memory_space<vmem>>) semaphore(%arg12 : memref<!tpu.dma_semaphore, #tpu.memory_space<semaphore_mem>>)
    %dma_start3A_17 = arith.constant 0 : i32
    %dma_start3A_18 = arith.constant 0 : i32
    %dma_start3A_19 = arith.constant 0 : i32
    %dma_start3A_20 = arith.constant 0 : i32
    %dma_start3A_21 = tpu.memref_slice %arg10[%dma_start3A_18, %dma_start3A_19, %dma_start3A_20] : memref<5x80x64xi32, #tpu.memory_space<vmem>> -> memref<1x80x64xi32, #tpu.memory_space<vmem>>
    %dma_start3A_22 = tpu.memref_squeeze %dma_start3A_21 : memref<1x80x64xi32, #tpu.memory_space<vmem>> -> memref<80x64xi32, #tpu.memory_space<vmem>>
    %dma_start3A_23 = arith.constant 0 : i32
    %dma_start3A_24 = tpu.memref_slice %arg8[%dma_start3A_17, %dma_start3A_23] : memref<125x80xi32, #tpu.memory_space<vmem>> -> memref<1x80xi32, #tpu.memory_space<vmem>>
    %dma_start3A_25 = tpu.memref_squeeze %dma_start3A_24 : memref<1x80xi32, #tpu.memory_space<vmem>> -> memref<80xi32, #tpu.memory_space<vmem>>
    %dma_start3A_26 = arith.constant 0 : i32
    %dma_start3A_27 = arith.constant 0 : i32
    %dma_start3A_28 = tpu.memref_slice %arg3[%dma_start3A_26, %dma_start3A_27] : memref<10000x64xi32, #tpu.memory_space<hbm>> -> memref<10000x64xi32, #tpu.memory_space<hbm>>
    tpu.enqueue_indirect_dma source(%dma_start3A_28 : memref<10000x64xi32, #tpu.memory_space<hbm>>) target(%dma_start3A_22 : memref<80x64xi32, #tpu.memory_space<vmem>>) offsets(%dma_start3A_25 : memref<80xi32, #tpu.memory_space<vmem>>) semaphore(%arg12 : memref<!tpu.dma_semaphore, #tpu.memory_space<semaphore_mem>>)
    %dma_start3A_29 = arith.constant 1 : i32
    %dma_start3A_30 = arith.constant 1 : i32
    %dma_start3A_31 = arith.constant 0 : i32
    %dma_start3A_32 = arith.constant 0 : i32
    %dma_start3A_33 = tpu.memref_slice %arg9[%dma_start3A_30, %dma_start3A_31, %dma_start3A_32] : memref<5x80x64xi32, #tpu.memory_space<vmem>> -> memref<1x80x64xi32, #tpu.memory_space<vmem>>
    %dma_start3A_34 = tpu.memref_squeeze %dma_start3A_33 : memref<1x80x64xi32, #tpu.memory_space<vmem>> -> memref<80x64xi32, #tpu.memory_space<vmem>>
    %dma_start3A_35 = arith.constant 0 : i32
    %dma_start3A_36 = tpu.memref_slice %arg7[%dma_start3A_29, %dma_start3A_35] : memref<125x80xi32, #tpu.memory_space<vmem>> -> memref<1x80xi32, #tpu.memory_space<vmem>>
    %dma_start3A_37 = tpu.memref_squeeze %dma_start3A_36 : memref<1x80xi32, #tpu.memory_space<vmem>> -> memref<80xi32, #tpu.memory_space<vmem>>
    %dma_start3A_38 = arith.constant 0 : i32
    %dma_start3A_39 = arith.constant 0 : i32
    %dma_start3A_40 = tpu.memref_slice %arg2[%dma_start3A_38, %dma_start3A_39] : memref<10000x64xi32, #tpu.memory_space<hbm>> -> memref<10000x64xi32, #tpu.memory_space<hbm>>
    tpu.enqueue_indirect_dma source(%dma_start3A_40 : memref<10000x64xi32, #tpu.memory_space<hbm>>) target(%dma_start3A_34 : memref<80x64xi32, #tpu.memory_space<vmem>>) offsets(%dma_start3A_37 : memref<80xi32, #tpu.memory_space<vmem>>) semaphore(%arg13 : memref<!tpu.dma_semaphore, #tpu.memory_space<semaphore_mem>>)
    %dma_start3A_41 = arith.constant 1 : i32
    %dma_start3A_42 = arith.constant 1 : i32
    %dma_start3A_43 = arith.constant 0 : i32
    %dma_start3A_44 = arith.constant 0 : i32
    %dma_start3A_45 = tpu.memref_slice %arg10[%dma_start3A_42, %dma_start3A_43, %dma_start3A_44] : memref<5x80x64xi32, #tpu.memory_space<vmem>> -> memref<1x80x64xi32, #tpu.memory_space<vmem>>
    %dma_start3A_46 = tpu.memref_squeeze %dma_start3A_45 : memref<1x80x64xi32, #tpu.memory_space<vmem>> -> memref<80x64xi32, #tpu.memory_space<vmem>>
    %dma_start3A_47 = arith.constant 0 : i32
    %dma_start3A_48 = tpu.memref_slice %arg8[%dma_start3A_41, %dma_start3A_47] : memref<125x80xi32, #tpu.memory_space<vmem>> -> memref<1x80xi32, #tpu.memory_space<vmem>>
    %dma_start3A_49 = tpu.memref_squeeze %dma_start3A_48 : memref<1x80xi32, #tpu.memory_space<vmem>> -> memref<80xi32, #tpu.memory_space<vmem>>
    %dma_start3A_50 = arith.constant 0 : i32
    %dma_start3A_51 = arith.constant 0 : i32
    %dma_start3A_52 = tpu.memref_slice %arg3[%dma_start3A_50, %dma_start3A_51] : memref<10000x64xi32, #tpu.memory_space<hbm>> -> memref<10000x64xi32, #tpu.memory_space<hbm>>
    tpu.enqueue_indirect_dma source(%dma_start3A_52 : memref<10000x64xi32, #tpu.memory_space<hbm>>) target(%dma_start3A_46 : memref<80x64xi32, #tpu.memory_space<vmem>>) offsets(%dma_start3A_49 : memref<80xi32, #tpu.memory_space<vmem>>) semaphore(%arg13 : memref<!tpu.dma_semaphore, #tpu.memory_space<semaphore_mem>>)
    %dma_start3A_53 = arith.constant 2 : i32
    %dma_start3A_54 = arith.constant 2 : i32
    %dma_start3A_55 = arith.constant 0 : i32
    %dma_start3A_56 = arith.constant 0 : i32
    %dma_start3A_57 = tpu.memref_slice %arg9[%dma_start3A_54, %dma_start3A_55, %dma_start3A_56] : memref<5x80x64xi32, #tpu.memory_space<vmem>> -> memref<1x80x64xi32, #tpu.memory_space<vmem>>
    %dma_start3A_58 = tpu.memref_squeeze %dma_start3A_57 : memref<1x80x64xi32, #tpu.memory_space<vmem>> -> memref<80x64xi32, #tpu.memory_space<vmem>>
    %dma_start3A_59 = arith.constant 0 : i32
    %dma_start3A_60 = tpu.memref_slice %arg7[%dma_start3A_53, %dma_start3A_59] : memref<125x80xi32, #tpu.memory_space<vmem>> -> memref<1x80xi32, #tpu.memory_space<vmem>>
    %dma_start3A_61 = tpu.memref_squeeze %dma_start3A_60 : memref<1x80xi32, #tpu.memory_space<vmem>> -> memref<80xi32, #tpu.memory_space<vmem>>
    %dma_start3A_62 = arith.constant 0 : i32
    %dma_start3A_63 = arith.constant 0 : i32
    %dma_start3A_64 = tpu.memref_slice %arg2[%dma_start3A_62, %dma_start3A_63] : memref<10000x64xi32, #tpu.memory_space<hbm>> -> memref<10000x64xi32, #tpu.memory_space<hbm>>
    tpu.enqueue_indirect_dma source(%dma_start3A_64 : memref<10000x64xi32, #tpu.memory_space<hbm>>) target(%dma_start3A_58 : memref<80x64xi32, #tpu.memory_space<vmem>>) offsets(%dma_start3A_61 : memref<80xi32, #tpu.memory_space<vmem>>) semaphore(%arg14 : memref<!tpu.dma_semaphore, #tpu.memory_space<semaphore_mem>>)
    %dma_start3A_65 = arith.constant 2 : i32
    %dma_start3A_66 = arith.constant 2 : i32
    %dma_start3A_67 = arith.constant 0 : i32
    %dma_start3A_68 = arith.constant 0 : i32
    %dma_start3A_69 = tpu.memref_slice %arg10[%dma_start3A_66, %dma_start3A_67, %dma_start3A_68] : memref<5x80x64xi32, #tpu.memory_space<vmem>> -> memref<1x80x64xi32, #tpu.memory_space<vmem>>
    %dma_start3A_70 = tpu.memref_squeeze %dma_start3A_69 : memref<1x80x64xi32, #tpu.memory_space<vmem>> -> memref<80x64xi32, #tpu.memory_space<vmem>>
    %dma_start3A_71 = arith.constant 0 : i32
    %dma_start3A_72 = tpu.memref_slice %arg8[%dma_start3A_65, %dma_start3A_71] : memref<125x80xi32, #tpu.memory_space<vmem>> -> memref<1x80xi32, #tpu.memory_space<vmem>>
    %dma_start3A_73 = tpu.memref_squeeze %dma_start3A_72 : memref<1x80xi32, #tpu.memory_space<vmem>> -> memref<80xi32, #tpu.memory_space<vmem>>
    %dma_start3A_74 = arith.constant 0 : i32
    %dma_start3A_75 = arith.constant 0 : i32
    %dma_start3A_76 = tpu.memref_slice %arg3[%dma_start3A_74, %dma_start3A_75] : memref<10000x64xi32, #tpu.memory_space<hbm>> -> memref<10000x64xi32, #tpu.memory_space<hbm>>
    tpu.enqueue_indirect_dma source(%dma_start3A_76 : memref<10000x64xi32, #tpu.memory_space<hbm>>) target(%dma_start3A_70 : memref<80x64xi32, #tpu.memory_space<vmem>>) offsets(%dma_start3A_73 : memref<80xi32, #tpu.memory_space<vmem>>) semaphore(%arg14 : memref<!tpu.dma_semaphore, #tpu.memory_space<semaphore_mem>>)
    %dma_start3A_77 = arith.constant 3 : i32
    %dma_start3A_78 = arith.constant 3 : i32
    %dma_start3A_79 = arith.constant 0 : i32
    %dma_start3A_80 = arith.constant 0 : i32
    %dma_start3A_81 = tpu.memref_slice %arg9[%dma_start3A_78, %dma_start3A_79, %dma_start3A_80] : memref<5x80x64xi32, #tpu.memory_space<vmem>> -> memref<1x80x64xi32, #tpu.memory_space<vmem>>
    %dma_start3A_82 = tpu.memref_squeeze %dma_start3A_81 : memref<1x80x64xi32, #tpu.memory_space<vmem>> -> memref<80x64xi32, #tpu.memory_space<vmem>>
    %dma_start3A_83 = arith.constant 0 : i32
    %dma_start3A_84 = tpu.memref_slice %arg7[%dma_start3A_77, %dma_start3A_83] : memref<125x80xi32, #tpu.memory_space<vmem>> -> memref<1x80xi32, #tpu.memory_space<vmem>>
    %dma_start3A_85 = tpu.memref_squeeze %dma_start3A_84 : memref<1x80xi32, #tpu.memory_space<vmem>> -> memref<80xi32, #tpu.memory_space<vmem>>
    %dma_start3A_86 = arith.constant 0 : i32
    %dma_start3A_87 = arith.constant 0 : i32
    %dma_start3A_88 = tpu.memref_slice %arg2[%dma_start3A_86, %dma_start3A_87] : memref<10000x64xi32, #tpu.memory_space<hbm>> -> memref<10000x64xi32, #tpu.memory_space<hbm>>
    tpu.enqueue_indirect_dma source(%dma_start3A_88 : memref<10000x64xi32, #tpu.memory_space<hbm>>) target(%dma_start3A_82 : memref<80x64xi32, #tpu.memory_space<vmem>>) offsets(%dma_start3A_85 : memref<80xi32, #tpu.memory_space<vmem>>) semaphore(%arg15 : memref<!tpu.dma_semaphore, #tpu.memory_space<semaphore_mem>>)
    %dma_start3A_89 = arith.constant 3 : i32
    %dma_start3A_90 = arith.constant 3 : i32
    %dma_start3A_91 = arith.constant 0 : i32
    %dma_start3A_92 = arith.constant 0 : i32
    %dma_start3A_93 = tpu.memref_slice %arg10[%dma_start3A_90, %dma_start3A_91, %dma_start3A_92] : memref<5x80x64xi32, #tpu.memory_space<vmem>> -> memref<1x80x64xi32, #tpu.memory_space<vmem>>
    %dma_start3A_94 = tpu.memref_squeeze %dma_start3A_93 : memref<1x80x64xi32, #tpu.memory_space<vmem>> -> memref<80x64xi32, #tpu.memory_space<vmem>>
    %dma_start3A_95 = arith.constant 0 : i32
    %dma_start3A_96 = tpu.memref_slice %arg8[%dma_start3A_89, %dma_start3A_95] : memref<125x80xi32, #tpu.memory_space<vmem>> -> memref<1x80xi32, #tpu.memory_space<vmem>>
    %dma_start3A_97 = tpu.memref_squeeze %dma_start3A_96 : memref<1x80xi32, #tpu.memory_space<vmem>> -> memref<80xi32, #tpu.memory_space<vmem>>
    %dma_start3A_98 = arith.constant 0 : i32
    %dma_start3A_99 = arith.constant 0 : i32
    %dma_start3A_100 = tpu.memref_slice %arg3[%dma_start3A_98, %dma_start3A_99] : memref<10000x64xi32, #tpu.memory_space<hbm>> -> memref<10000x64xi32, #tpu.memory_space<hbm>>
    tpu.enqueue_indirect_dma source(%dma_start3A_100 : memref<10000x64xi32, #tpu.memory_space<hbm>>) target(%dma_start3A_94 : memref<80x64xi32, #tpu.memory_space<vmem>>) offsets(%dma_start3A_97 : memref<80xi32, #tpu.memory_space<vmem>>) semaphore(%arg15 : memref<!tpu.dma_semaphore, #tpu.memory_space<semaphore_mem>>)
    %scan3A = arith.constant 0 : i32
    %scan3A_101 = arith.constant 24 : i32
    %scan3A_102 = arith.addi %scan3A, %scan3A_101 : i32
    %scan3A_103 = arith.constant 1 : i32
    scf.for %scan3A_283 = %scan3A to %scan3A_102 step %scan3A_103  : i32 {
      %mul3A_284 = arith.constant 5 : i32
      %mul3A_285 = arith.muli %scan3A_283, %mul3A_284 : i32
      %add3A_286 = arith.constant 0 : i32
      %add3A_287 = arith.addi %add3A_286, %mul3A_285 : i32
      %add3A_288 = arith.constant 0 : i32
      %add3A_289 = arith.addi %add3A_287, %add3A_288 : i32
      %add3A_290 = arith.constant 5 : i32
      %add3A_291 = arith.addi %add3A_289, %add3A_290 : i32
      %sub3A = arith.constant 1 : i32
      %sub3A_292 = arith.subi %add3A_291, %sub3A : i32
      %dma_start3A_293 = arith.constant 4 : i32
      %dma_start3A_294 = arith.constant 0 : i32
      %dma_start3A_295 = arith.constant 0 : i32
      %dma_start3A_296 = tpu.memref_slice %arg9[%dma_start3A_293, %dma_start3A_294, %dma_start3A_295] : memref<5x80x64xi32, #tpu.memory_space<vmem>> -> memref<1x80x64xi32, #tpu.memory_space<vmem>>
      %dma_start3A_297 = tpu.memref_squeeze %dma_start3A_296 : memref<1x80x64xi32, #tpu.memory_space<vmem>> -> memref<80x64xi32, #tpu.memory_space<vmem>>
      %dma_start3A_298 = arith.constant 0 : i32
      %dma_start3A_299 = tpu.memref_slice %arg7[%sub3A_292, %dma_start3A_298] : memref<125x80xi32, #tpu.memory_space<vmem>> -> memref<1x80xi32, #tpu.memory_space<vmem>>
      %dma_start3A_300 = tpu.memref_squeeze %dma_start3A_299 : memref<1x80xi32, #tpu.memory_space<vmem>> -> memref<80xi32, #tpu.memory_space<vmem>>
      %dma_start3A_301 = arith.constant 0 : i32
      %dma_start3A_302 = arith.constant 0 : i32
      %dma_start3A_303 = tpu.memref_slice %arg2[%dma_start3A_301, %dma_start3A_302] : memref<10000x64xi32, #tpu.memory_space<hbm>> -> memref<10000x64xi32, #tpu.memory_space<hbm>>
      tpu.enqueue_indirect_dma source(%dma_start3A_303 : memref<10000x64xi32, #tpu.memory_space<hbm>>) target(%dma_start3A_297 : memref<80x64xi32, #tpu.memory_space<vmem>>) offsets(%dma_start3A_300 : memref<80xi32, #tpu.memory_space<vmem>>) semaphore(%arg16 : memref<!tpu.dma_semaphore, #tpu.memory_space<semaphore_mem>>)
      %dma_start3A_304 = arith.constant 4 : i32
      %dma_start3A_305 = arith.constant 0 : i32
      %dma_start3A_306 = arith.constant 0 : i32
      %dma_start3A_307 = tpu.memref_slice %arg10[%dma_start3A_304, %dma_start3A_305, %dma_start3A_306] : memref<5x80x64xi32, #tpu.memory_space<vmem>> -> memref<1x80x64xi32, #tpu.memory_space<vmem>>
      %dma_start3A_308 = tpu.memref_squeeze %dma_start3A_307 : memref<1x80x64xi32, #tpu.memory_space<vmem>> -> memref<80x64xi32, #tpu.memory_space<vmem>>
      %dma_start3A_309 = arith.constant 0 : i32
      %dma_start3A_310 = tpu.memref_slice %arg8[%sub3A_292, %dma_start3A_309] : memref<125x80xi32, #tpu.memory_space<vmem>> -> memref<1x80xi32, #tpu.memory_space<vmem>>
      %dma_start3A_311 = tpu.memref_squeeze %dma_start3A_310 : memref<1x80xi32, #tpu.memory_space<vmem>> -> memref<80xi32, #tpu.memory_space<vmem>>
      %dma_start3A_312 = arith.constant 0 : i32
      %dma_start3A_313 = arith.constant 0 : i32
      %dma_start3A_314 = tpu.memref_slice %arg3[%dma_start3A_312, %dma_start3A_313] : memref<10000x64xi32, #tpu.memory_space<hbm>> -> memref<10000x64xi32, #tpu.memory_space<hbm>>
      tpu.enqueue_indirect_dma source(%dma_start3A_314 : memref<10000x64xi32, #tpu.memory_space<hbm>>) target(%dma_start3A_308 : memref<80x64xi32, #tpu.memory_space<vmem>>) offsets(%dma_start3A_311 : memref<80xi32, #tpu.memory_space<vmem>>) semaphore(%arg16 : memref<!tpu.dma_semaphore, #tpu.memory_space<semaphore_mem>>)
      %add3A_315 = arith.constant 0 : i32
      %add3A_316 = arith.addi %add3A_287, %add3A_315 : i32
      %dma_wait3A_317 = arith.constant 0 : i32
      %dma_wait3A_318 = arith.constant 0 : i32
      %dma_wait3A_319 = arith.constant 0 : i32
      %dma_wait3A_320 = tpu.memref_slice %arg9[%dma_wait3A_317, %dma_wait3A_318, %dma_wait3A_319] : memref<5x80x64xi32, #tpu.memory_space<vmem>> -> memref<1x80x64xi32, #tpu.memory_space<vmem>>
      %dma_wait3A_321 = tpu.memref_squeeze %dma_wait3A_320 : memref<1x80x64xi32, #tpu.memory_space<vmem>> -> memref<80x64xi32, #tpu.memory_space<vmem>>
      %dma_wait3A_322 = arith.constant 0 : i32
      %dma_wait3A_323 = tpu.memref_slice %arg7[%add3A_316, %dma_wait3A_322] : memref<125x80xi32, #tpu.memory_space<vmem>> -> memref<1x80xi32, #tpu.memory_space<vmem>>
      %dma_wait3A_324 = tpu.memref_squeeze %dma_wait3A_323 : memref<1x80xi32, #tpu.memory_space<vmem>> -> memref<80xi32, #tpu.memory_space<vmem>>
      %dma_wait3A_325 = arith.constant 0 : i32
      %dma_wait3A_326 = arith.constant 0 : i32
      %dma_wait3A_327 = tpu.memref_slice %arg2[%dma_wait3A_325, %dma_wait3A_326] : memref<10000x64xi32, #tpu.memory_space<hbm>> -> memref<10000x64xi32, #tpu.memory_space<hbm>>
      tpu.wait_indirect_dma semaphore(%arg12 : memref<!tpu.dma_semaphore, #tpu.memory_space<semaphore_mem>>) src(%dma_wait3A_327 : memref<10000x64xi32, #tpu.memory_space<hbm>>) dst(%dma_wait3A_321 : memref<80x64xi32, #tpu.memory_space<vmem>>)
      %dma_wait3A_328 = arith.constant 0 : i32
      %dma_wait3A_329 = arith.constant 0 : i32
      %dma_wait3A_330 = arith.constant 0 : i32
      %dma_wait3A_331 = tpu.memref_slice %arg10[%dma_wait3A_328, %dma_wait3A_329, %dma_wait3A_330] : memref<5x80x64xi32, #tpu.memory_space<vmem>> -> memref<1x80x64xi32, #tpu.memory_space<vmem>>
      %dma_wait3A_332 = tpu.memref_squeeze %dma_wait3A_331 : memref<1x80x64xi32, #tpu.memory_space<vmem>> -> memref<80x64xi32, #tpu.memory_space<vmem>>
      %dma_wait3A_333 = arith.constant 0 : i32
      %dma_wait3A_334 = tpu.memref_slice %arg8[%add3A_316, %dma_wait3A_333] : memref<125x80xi32, #tpu.memory_space<vmem>> -> memref<1x80xi32, #tpu.memory_space<vmem>>
      %dma_wait3A_335 = tpu.memref_squeeze %dma_wait3A_334 : memref<1x80xi32, #tpu.memory_space<vmem>> -> memref<80xi32, #tpu.memory_space<vmem>>
      %dma_wait3A_336 = arith.constant 0 : i32
      %dma_wait3A_337 = arith.constant 0 : i32
      %dma_wait3A_338 = tpu.memref_slice %arg3[%dma_wait3A_336, %dma_wait3A_337] : memref<10000x64xi32, #tpu.memory_space<hbm>> -> memref<10000x64xi32, #tpu.memory_space<hbm>>
      tpu.wait_indirect_dma semaphore(%arg12 : memref<!tpu.dma_semaphore, #tpu.memory_space<semaphore_mem>>) src(%dma_wait3A_338 : memref<10000x64xi32, #tpu.memory_space<hbm>>) dst(%dma_wait3A_332 : memref<80x64xi32, #tpu.memory_space<vmem>>)
      %add3A_339 = arith.constant 0 : i32
      %add3A_340 = arith.addi %add3A_287, %add3A_339 : i32
      %scan3A_341 = arith.constant 0 : i32
      %scan3A_342 = arith.constant 0 : i32
      %scan3A_343 = arith.constant 0 : i32
      %scan3A_344 = arith.constant 5 : i32
      %scan3A_345 = arith.addi %scan3A_343, %scan3A_344 : i32
      %scan3A_346 = arith.constant 1 : i32
      scf.for %scan3A_592 = %scan3A_343 to %scan3A_345 step %scan3A_346  : i32 {
        %mul3A_593 = arith.constant 16 : i32
        %mul3A_594 = arith.muli %scan3A_592, %mul3A_593 : i32
        %add3A_595 = arith.constant 0 : i32
        %add3A_596 = arith.addi %add3A_595, %mul3A_594 : i32
        %add3A_597 = vector.broadcast %add3A_596 : i32 to vector<16xi32>
        %add3A_598 = arith.addi %add3A_597, %iota3A : vector<16xi32>
        %parallel_loop3A = arith.constant 0 : i32
        %parallel_loop3A_599 = arith.constant 64 : i32
        %parallel_loop3A_600 = arith.constant 2 : i32
        %parallel_loop3A_601:5 = scf.for %parallel_loop3A_609 = %parallel_loop3A to %parallel_loop3A_599 step %parallel_loop3A_600 iter_args(%parallel_loop3A_610 = %broadcast_in_dim3A_3, %parallel_loop3A_611 = %broadcast_in_dim3A_3, %parallel_loop3A_612 = %broadcast_in_dim3A_3, %parallel_loop3A_613 = %broadcast_in_dim3A_3, %parallel_loop3A_614 = %broadcast_in_dim3A_5) -> (vector<16xf32>, vector<16xf32>, vector<16xf32>, vector<16xf32>, vector<16xi32>)  : i32 {
          %parallel_loop3A_615 = arith.constant 0 : i32
          %parallel_loop3A_616 = vector.broadcast %parallel_loop3A_615 : i32 to vector<16xi32>
          %parallel_loop3A_617 = arith.addi %parallel_loop3A_614, %parallel_loop3A_616 : vector<16xi32>
          %parallel_loop3A_618 = arith.constant 0 : i32
          %parallel_loop3A_619 = arith.constant 0 : i32
          %parallel_loop3A_620 = tpu.memref_slice %arg9[%scan3A_341, %parallel_loop3A_618, %parallel_loop3A_619] : memref<5x80x64xi32, #tpu.memory_space<vmem>> -> memref<1x80x64xi32, #tpu.memory_space<vmem>>
          %parallel_loop3A_621 = tpu.memref_squeeze %parallel_loop3A_620 : memref<1x80x64xi32, #tpu.memory_space<vmem>> -> memref<80x64xi32, #tpu.memory_space<vmem>>
          %parallel_loop3A_622 = tpu.vector_load_idx %parallel_loop3A_621[%add3A_598, %parallel_loop3A_617] : memref<80x64xi32, #tpu.memory_space<vmem>>[vector<16xi32>, vector<16xi32>], vector<16xi32>,
          %parallel_loop3A_623 = arith.constant 0 : i32
          %parallel_loop3A_624 = arith.constant 0 : i32
          %parallel_loop3A_625 = tpu.memref_slice %arg10[%scan3A_342, %parallel_loop3A_623, %parallel_loop3A_624] : memref<5x80x64xi32, #tpu.memory_space<vmem>> -> memref<1x80x64xi32, #tpu.memory_space<vmem>>
          %parallel_loop3A_626 = tpu.memref_squeeze %parallel_loop3A_625 : memref<1x80x64xi32, #tpu.memory_space<vmem>> -> memref<80x64xi32, #tpu.memory_space<vmem>>
          %parallel_loop3A_627 = tpu.vector_load_idx %parallel_loop3A_626[%add3A_598, %parallel_loop3A_617] : memref<80x64xi32, #tpu.memory_space<vmem>>[vector<16xi32>, vector<16xi32>], vector<16xi32>,
          %parallel_loop3A_628 = vector.bitcast %parallel_loop3A_622 : vector<16xi32> to vector<32xbf16>
          %parallel_loop3A_629 = vector.bitcast %parallel_loop3A_627 : vector<16xi32> to vector<32xbf16>
          %parallel_loop3A_630 = arith.mulf %parallel_loop3A_628, %parallel_loop3A_629 : vector<32xbf16>
          %parallel_loop3A_631 = tpu.unpack_subelements %parallel_loop3A_630, 0 {pack_format = #tpu.pack_format<interleaved>} : vector<32xbf16> -> vector<16xf32>
          %parallel_loop3A_632 = tpu.unpack_subelements %parallel_loop3A_630, 1 {pack_format = #tpu.pack_format<interleaved>} : vector<32xbf16> -> vector<16xf32>
          %parallel_loop3A_633 = arith.addf %parallel_loop3A_610, %parallel_loop3A_631 : vector<16xf32>
          %parallel_loop3A_634 = arith.addf %parallel_loop3A_611, %parallel_loop3A_632 : vector<16xf32>
          %parallel_loop3A_635 = arith.constant 1 : i32
          %parallel_loop3A_636 = vector.broadcast %parallel_loop3A_635 : i32 to vector<16xi32>
          %parallel_loop3A_637 = arith.addi %parallel_loop3A_614, %parallel_loop3A_636 : vector<16xi32>
          %parallel_loop3A_638 = arith.constant 0 : i32
          %parallel_loop3A_639 = arith.constant 0 : i32
          %parallel_loop3A_640 = tpu.memref_slice %arg9[%scan3A_341, %parallel_loop3A_638, %parallel_loop3A_639] : memref<5x80x64xi32, #tpu.memory_space<vmem>> -> memref<1x80x64xi32, #tpu.memory_space<vmem>>
          %parallel_loop3A_641 = tpu.memref_squeeze %parallel_loop3A_640 : memref<1x80x64xi32, #tpu.memory_space<vmem>> -> memref<80x64xi32, #tpu.memory_space<vmem>>
          %parallel_loop3A_642 = tpu.vector_load_idx %parallel_loop3A_641[%add3A_598, %parallel_loop3A_637] : memref<80x64xi32, #tpu.memory_space<vmem>>[vector<16xi32>, vector<16xi32>], vector<16xi32>,
          %parallel_loop3A_643 = arith.constant 0 : i32
          %parallel_loop3A_644 = arith.constant 0 : i32
          %parallel_loop3A_645 = tpu.memref_slice %arg10[%scan3A_342, %parallel_loop3A_643, %parallel_loop3A_644] : memref<5x80x64xi32, #tpu.memory_space<vmem>> -> memref<1x80x64xi32, #tpu.memory_space<vmem>>
          %parallel_loop3A_646 = tpu.memref_squeeze %parallel_loop3A_645 : memref<1x80x64xi32, #tpu.memory_space<vmem>> -> memref<80x64xi32, #tpu.memory_space<vmem>>
          %parallel_loop3A_647 = tpu.vector_load_idx %parallel_loop3A_646[%add3A_598, %parallel_loop3A_637] : memref<80x64xi32, #tpu.memory_space<vmem>>[vector<16xi32>, vector<16xi32>], vector<16xi32>,
          %parallel_loop3A_648 = vector.bitcast %parallel_loop3A_642 : vector<16xi32> to vector<32xbf16>
          %parallel_loop3A_649 = vector.bitcast %parallel_loop3A_647 : vector<16xi32> to vector<32xbf16>
          %parallel_loop3A_650 = arith.mulf %parallel_loop3A_648, %parallel_loop3A_649 : vector<32xbf16>
          %parallel_loop3A_651 = tpu.unpack_subelements %parallel_loop3A_650, 0 {pack_format = #tpu.pack_format<interleaved>} : vector<32xbf16> -> vector<16xf32>
          %parallel_loop3A_652 = tpu.unpack_subelements %parallel_loop3A_650, 1 {pack_format = #tpu.pack_format<interleaved>} : vector<32xbf16> -> vector<16xf32>
          %parallel_loop3A_653 = arith.addf %parallel_loop3A_612, %parallel_loop3A_651 : vector<16xf32>
          %parallel_loop3A_654 = arith.addf %parallel_loop3A_613, %parallel_loop3A_652 : vector<16xf32>
          %parallel_loop3A_655 = arith.constant 2 : i32
          %parallel_loop3A_656 = vector.broadcast %parallel_loop3A_655 : i32 to vector<16xi32>
          %parallel_loop3A_657 = arith.addi %parallel_loop3A_614, %parallel_loop3A_656 : vector<16xi32>
          scf.yield %parallel_loop3A_633, %parallel_loop3A_634, %parallel_loop3A_653, %parallel_loop3A_654, %parallel_loop3A_657 : vector<16xf32>, vector<16xf32>, vector<16xf32>, vector<16xf32>, vector<16xi32>
        } {sc.loop_unroll_factor = 2 : i64, sc.parallel_access}
        %add3A_602 = arith.addf %parallel_loop3A_601#0, %parallel_loop3A_601#1 : vector<16xf32>
        %add3A_603 = arith.addf %parallel_loop3A_601#2, %parallel_loop3A_601#3 : vector<16xf32>
        %add3A_604 = arith.addf %add3A_602, %add3A_603 : vector<16xf32>
        %mul3A_605 = arith.constant 80 : i32
        %mul3A_606 = arith.muli %add3A_340, %mul3A_605 : i32
        %add3A_607 = arith.addi %mul3A_606, %add3A_596 : i32
        %swap3A = arith.index_cast %add3A_607 : i32 to index
        %swap3A_608 = tpu.vector_load %arg11[%swap3A] {strides = array<i32>} : memref<10000xf32, #tpu.memory_space<vmem>>, vector<16xf32>,
        tpu.vector_store %arg11[%swap3A], %add3A_604 {strides = array<i32>} : memref<10000xf32, #tpu.memory_space<vmem>>, vector<16xf32>,
      }
      %scan3A_347 = arith.constant 5 : i32
      %add3A_348 = arith.constant 1 : i32
      %add3A_349 = arith.addi %add3A_287, %add3A_348 : i32
      %add3A_350 = arith.constant 5 : i32
      %add3A_351 = arith.addi %add3A_349, %add3A_350 : i32
      %sub3A_352 = arith.constant 1 : i32
      %sub3A_353 = arith.subi %add3A_351, %sub3A_352 : i32
      %dma_start3A_354 = arith.constant 0 : i32
      %dma_start3A_355 = arith.constant 0 : i32
      %dma_start3A_356 = arith.constant 0 : i32
      %dma_start3A_357 = tpu.memref_slice %arg9[%dma_start3A_354, %dma_start3A_355, %dma_start3A_356] : memref<5x80x64xi32, #tpu.memory_space<vmem>> -> memref<1x80x64xi32, #tpu.memory_space<vmem>>
      %dma_start3A_358 = tpu.memref_squeeze %dma_start3A_357 : memref<1x80x64xi32, #tpu.memory_space<vmem>> -> memref<80x64xi32, #tpu.memory_space<vmem>>
      %dma_start3A_359 = arith.constant 0 : i32
      %dma_start3A_360 = tpu.memref_slice %arg7[%sub3A_353, %dma_start3A_359] : memref<125x80xi32, #tpu.memory_space<vmem>> -> memref<1x80xi32, #tpu.memory_space<vmem>>
      %dma_start3A_361 = tpu.memref_squeeze %dma_start3A_360 : memref<1x80xi32, #tpu.memory_space<vmem>> -> memref<80xi32, #tpu.memory_space<vmem>>
      %dma_start3A_362 = arith.constant 0 : i32
      %dma_start3A_363 = arith.constant 0 : i32
      %dma_start3A_364 = tpu.memref_slice %arg2[%dma_start3A_362, %dma_start3A_363] : memref<10000x64xi32, #tpu.memory_space<hbm>> -> memref<10000x64xi32, #tpu.memory_space<hbm>>
      tpu.enqueue_indirect_dma source(%dma_start3A_364 : memref<10000x64xi32, #tpu.memory_space<hbm>>) target(%dma_start3A_358 : memref<80x64xi32, #tpu.memory_space<vmem>>) offsets(%dma_start3A_361 : memref<80xi32, #tpu.memory_space<vmem>>) semaphore(%arg12 : memref<!tpu.dma_semaphore, #tpu.memory_space<semaphore_mem>>)
      %dma_start3A_365 = arith.constant 0 : i32
      %dma_start3A_366 = arith.constant 0 : i32
      %dma_start3A_367 = arith.constant 0 : i32
      %dma_start3A_368 = tpu.memref_slice %arg10[%dma_start3A_365, %dma_start3A_366, %dma_start3A_367] : memref<5x80x64xi32, #tpu.memory_space<vmem>> -> memref<1x80x64xi32, #tpu.memory_space<vmem>>
      %dma_start3A_369 = tpu.memref_squeeze %dma_start3A_368 : memref<1x80x64xi32, #tpu.memory_space<vmem>> -> memref<80x64xi32, #tpu.memory_space<vmem>>
      %dma_start3A_370 = arith.constant 0 : i32
      %dma_start3A_371 = tpu.memref_slice %arg8[%sub3A_353, %dma_start3A_370] : memref<125x80xi32, #tpu.memory_space<vmem>> -> memref<1x80xi32, #tpu.memory_space<vmem>>
      %dma_start3A_372 = tpu.memref_squeeze %dma_start3A_371 : memref<1x80xi32, #tpu.memory_space<vmem>> -> memref<80xi32, #tpu.memory_space<vmem>>
      %dma_start3A_373 = arith.constant 0 : i32
      %dma_start3A_374 = arith.constant 0 : i32
      %dma_start3A_375 = tpu.memref_slice %arg3[%dma_start3A_373, %dma_start3A_374] : memref<10000x64xi32, #tpu.memory_space<hbm>> -> memref<10000x64xi32, #tpu.memory_space<hbm>>
      tpu.enqueue_indirect_dma source(%dma_start3A_375 : memref<10000x64xi32, #tpu.memory_space<hbm>>) target(%dma_start3A_369 : memref<80x64xi32, #tpu.memory_space<vmem>>) offsets(%dma_start3A_372 : memref<80xi32, #tpu.memory_space<vmem>>) semaphore(%arg12 : memref<!tpu.dma_semaphore, #tpu.memory_space<semaphore_mem>>)
      %add3A_376 = arith.constant 1 : i32
      %add3A_377 = arith.addi %add3A_287, %add3A_376 : i32
      %dma_wait3A_378 = arith.constant 1 : i32
      %dma_wait3A_379 = arith.constant 0 : i32
      %dma_wait3A_380 = arith.constant 0 : i32
      %dma_wait3A_381 = tpu.memref_slice %arg9[%dma_wait3A_378, %dma_wait3A_379, %dma_wait3A_380] : memref<5x80x64xi32, #tpu.memory_space<vmem>> -> memref<1x80x64xi32, #tpu.memory_space<vmem>>
      %dma_wait3A_382 = tpu.memref_squeeze %dma_wait3A_381 : memref<1x80x64xi32, #tpu.memory_space<vmem>> -> memref<80x64xi32, #tpu.memory_space<vmem>>
      %dma_wait3A_383 = arith.constant 0 : i32
      %dma_wait3A_384 = tpu.memref_slice %arg7[%add3A_377, %dma_wait3A_383] : memref<125x80xi32, #tpu.memory_space<vmem>> -> memref<1x80xi32, #tpu.memory_space<vmem>>
      %dma_wait3A_385 = tpu.memref_squeeze %dma_wait3A_384 : memref<1x80xi32, #tpu.memory_space<vmem>> -> memref<80xi32, #tpu.memory_space<vmem>>
      %dma_wait3A_386 = arith.constant 0 : i32
      %dma_wait3A_387 = arith.constant 0 : i32
      %dma_wait3A_388 = tpu.memref_slice %arg2[%dma_wait3A_386, %dma_wait3A_387] : memref<10000x64xi32, #tpu.memory_space<hbm>> -> memref<10000x64xi32, #tpu.memory_space<hbm>>
      tpu.wait_indirect_dma semaphore(%arg13 : memref<!tpu.dma_semaphore, #tpu.memory_space<semaphore_mem>>) src(%dma_wait3A_388 : memref<10000x64xi32, #tpu.memory_space<hbm>>) dst(%dma_wait3A_382 : memref<80x64xi32, #tpu.memory_space<vmem>>)
      %dma_wait3A_389 = arith.constant 1 : i32
      %dma_wait3A_390 = arith.constant 0 : i32
      %dma_wait3A_391 = arith.constant 0 : i32
      %dma_wait3A_392 = tpu.memref_slice %arg10[%dma_wait3A_389, %dma_wait3A_390, %dma_wait3A_391] : memref<5x80x64xi32, #tpu.memory_space<vmem>> -> memref<1x80x64xi32, #tpu.memory_space<vmem>>
      %dma_wait3A_393 = tpu.memref_squeeze %dma_wait3A_392 : memref<1x80x64xi32, #tpu.memory_space<vmem>> -> memref<80x64xi32, #tpu.memory_space<vmem>>
      %dma_wait3A_394 = arith.constant 0 : i32
      %dma_wait3A_395 = tpu.memref_slice %arg8[%add3A_377, %dma_wait3A_394] : memref<125x80xi32, #tpu.memory_space<vmem>> -> memref<1x80xi32, #tpu.memory_space<vmem>>
      %dma_wait3A_396 = tpu.memref_squeeze %dma_wait3A_395 : memref<1x80xi32, #tpu.memory_space<vmem>> -> memref<80xi32, #tpu.memory_space<vmem>>
      %dma_wait3A_397 = arith.constant 0 : i32
      %dma_wait3A_398 = arith.constant 0 : i32
      %dma_wait3A_399 = tpu.memref_slice %arg3[%dma_wait3A_397, %dma_wait3A_398] : memref<10000x64xi32, #tpu.memory_space<hbm>> -> memref<10000x64xi32, #tpu.memory_space<hbm>>
      tpu.wait_indirect_dma semaphore(%arg13 : memref<!tpu.dma_semaphore, #tpu.memory_space<semaphore_mem>>) src(%dma_wait3A_399 : memref<10000x64xi32, #tpu.memory_space<hbm>>) dst(%dma_wait3A_393 : memref<80x64xi32, #tpu.memory_space<vmem>>)
      %add3A_400 = arith.constant 1 : i32
      %add3A_401 = arith.addi %add3A_287, %add3A_400 : i32
      %scan3A_402 = arith.constant 1 : i32
      %scan3A_403 = arith.constant 1 : i32
      %scan3A_404 = arith.constant 0 : i32
      %scan3A_405 = arith.constant 5 : i32
      %scan3A_406 = arith.addi %scan3A_404, %scan3A_405 : i32
      %scan3A_407 = arith.constant 1 : i32
      scf.for %scan3A_592 = %scan3A_404 to %scan3A_406 step %scan3A_407  : i32 {
        %mul3A_593 = arith.constant 16 : i32
        %mul3A_594 = arith.muli %scan3A_592, %mul3A_593 : i32
        %add3A_595 = arith.constant 0 : i32
        %add3A_596 = arith.addi %add3A_595, %mul3A_594 : i32
        %add3A_597 = vector.broadcast %add3A_596 : i32 to vector<16xi32>
        %add3A_598 = arith.addi %add3A_597, %iota3A : vector<16xi32>
        %parallel_loop3A = arith.constant 0 : i32
        %parallel_loop3A_599 = arith.constant 64 : i32
        %parallel_loop3A_600 = arith.constant 2 : i32
        %parallel_loop3A_601:5 = scf.for %parallel_loop3A_609 = %parallel_loop3A to %parallel_loop3A_599 step %parallel_loop3A_600 iter_args(%parallel_loop3A_610 = %broadcast_in_dim3A_3, %parallel_loop3A_611 = %broadcast_in_dim3A_3, %parallel_loop3A_612 = %broadcast_in_dim3A_3, %parallel_loop3A_613 = %broadcast_in_dim3A_3, %parallel_loop3A_614 = %broadcast_in_dim3A_5) -> (vector<16xf32>, vector<16xf32>, vector<16xf32>, vector<16xf32>, vector<16xi32>)  : i32 {
          %parallel_loop3A_615 = arith.constant 0 : i32
          %parallel_loop3A_616 = vector.broadcast %parallel_loop3A_615 : i32 to vector<16xi32>
          %parallel_loop3A_617 = arith.addi %parallel_loop3A_614, %parallel_loop3A_616 : vector<16xi32>
          %parallel_loop3A_618 = arith.constant 0 : i32
          %parallel_loop3A_619 = arith.constant 0 : i32
          %parallel_loop3A_620 = tpu.memref_slice %arg9[%scan3A_402, %parallel_loop3A_618, %parallel_loop3A_619] : memref<5x80x64xi32, #tpu.memory_space<vmem>> -> memref<1x80x64xi32, #tpu.memory_space<vmem>>
          %parallel_loop3A_621 = tpu.memref_squeeze %parallel_loop3A_620 : memref<1x80x64xi32, #tpu.memory_space<vmem>> -> memref<80x64xi32, #tpu.memory_space<vmem>>
          %parallel_loop3A_622 = tpu.vector_load_idx %parallel_loop3A_621[%add3A_598, %parallel_loop3A_617] : memref<80x64xi32, #tpu.memory_space<vmem>>[vector<16xi32>, vector<16xi32>], vector<16xi32>,
          %parallel_loop3A_623 = arith.constant 0 : i32
          %parallel_loop3A_624 = arith.constant 0 : i32
          %parallel_loop3A_625 = tpu.memref_slice %arg10[%scan3A_403, %parallel_loop3A_623, %parallel_loop3A_624] : memref<5x80x64xi32, #tpu.memory_space<vmem>> -> memref<1x80x64xi32, #tpu.memory_space<vmem>>
          %parallel_loop3A_626 = tpu.memref_squeeze %parallel_loop3A_625 : memref<1x80x64xi32, #tpu.memory_space<vmem>> -> memref<80x64xi32, #tpu.memory_space<vmem>>
          %parallel_loop3A_627 = tpu.vector_load_idx %parallel_loop3A_626[%add3A_598, %parallel_loop3A_617] : memref<80x64xi32, #tpu.memory_space<vmem>>[vector<16xi32>, vector<16xi32>], vector<16xi32>,
          %parallel_loop3A_628 = vector.bitcast %parallel_loop3A_622 : vector<16xi32> to vector<32xbf16>
          %parallel_loop3A_629 = vector.bitcast %parallel_loop3A_627 : vector<16xi32> to vector<32xbf16>
          %parallel_loop3A_630 = arith.mulf %parallel_loop3A_628, %parallel_loop3A_629 : vector<32xbf16>
          %parallel_loop3A_631 = tpu.unpack_subelements %parallel_loop3A_630, 0 {pack_format = #tpu.pack_format<interleaved>} : vector<32xbf16> -> vector<16xf32>
          %parallel_loop3A_632 = tpu.unpack_subelements %parallel_loop3A_630, 1 {pack_format = #tpu.pack_format<interleaved>} : vector<32xbf16> -> vector<16xf32>
          %parallel_loop3A_633 = arith.addf %parallel_loop3A_610, %parallel_loop3A_631 : vector<16xf32>
          %parallel_loop3A_634 = arith.addf %parallel_loop3A_611, %parallel_loop3A_632 : vector<16xf32>
          %parallel_loop3A_635 = arith.constant 1 : i32
          %parallel_loop3A_636 = vector.broadcast %parallel_loop3A_635 : i32 to vector<16xi32>
          %parallel_loop3A_637 = arith.addi %parallel_loop3A_614, %parallel_loop3A_636 : vector<16xi32>
          %parallel_loop3A_638 = arith.constant 0 : i32
          %parallel_loop3A_639 = arith.constant 0 : i32
          %parallel_loop3A_640 = tpu.memref_slice %arg9[%scan3A_402, %parallel_loop3A_638, %parallel_loop3A_639] : memref<5x80x64xi32, #tpu.memory_space<vmem>> -> memref<1x80x64xi32, #tpu.memory_space<vmem>>
          %parallel_loop3A_641 = tpu.memref_squeeze %parallel_loop3A_640 : memref<1x80x64xi32, #tpu.memory_space<vmem>> -> memref<80x64xi32, #tpu.memory_space<vmem>>
          %parallel_loop3A_642 = tpu.vector_load_idx %parallel_loop3A_641[%add3A_598, %parallel_loop3A_637] : memref<80x64xi32, #tpu.memory_space<vmem>>[vector<16xi32>, vector<16xi32>], vector<16xi32>,
          %parallel_loop3A_643 = arith.constant 0 : i32
          %parallel_loop3A_644 = arith.constant 0 : i32
          %parallel_loop3A_645 = tpu.memref_slice %arg10[%scan3A_403, %parallel_loop3A_643, %parallel_loop3A_644] : memref<5x80x64xi32, #tpu.memory_space<vmem>> -> memref<1x80x64xi32, #tpu.memory_space<vmem>>
          %parallel_loop3A_646 = tpu.memref_squeeze %parallel_loop3A_645 : memref<1x80x64xi32, #tpu.memory_space<vmem>> -> memref<80x64xi32, #tpu.memory_space<vmem>>
          %parallel_loop3A_647 = tpu.vector_load_idx %parallel_loop3A_646[%add3A_598, %parallel_loop3A_637] : memref<80x64xi32, #tpu.memory_space<vmem>>[vector<16xi32>, vector<16xi32>], vector<16xi32>,
          %parallel_loop3A_648 = vector.bitcast %parallel_loop3A_642 : vector<16xi32> to vector<32xbf16>
          %parallel_loop3A_649 = vector.bitcast %parallel_loop3A_647 : vector<16xi32> to vector<32xbf16>
          %parallel_loop3A_650 = arith.mulf %parallel_loop3A_648, %parallel_loop3A_649 : vector<32xbf16>
          %parallel_loop3A_651 = tpu.unpack_subelements %parallel_loop3A_650, 0 {pack_format = #tpu.pack_format<interleaved>} : vector<32xbf16> -> vector<16xf32>
          %parallel_loop3A_652 = tpu.unpack_subelements %parallel_loop3A_650, 1 {pack_format = #tpu.pack_format<interleaved>} : vector<32xbf16> -> vector<16xf32>
          %parallel_loop3A_653 = arith.addf %parallel_loop3A_612, %parallel_loop3A_651 : vector<16xf32>
          %parallel_loop3A_654 = arith.addf %parallel_loop3A_613, %parallel_loop3A_652 : vector<16xf32>
          %parallel_loop3A_655 = arith.constant 2 : i32
          %parallel_loop3A_656 = vector.broadcast %parallel_loop3A_655 : i32 to vector<16xi32>
          %parallel_loop3A_657 = arith.addi %parallel_loop3A_614, %parallel_loop3A_656 : vector<16xi32>
          scf.yield %parallel_loop3A_633, %parallel_loop3A_634, %parallel_loop3A_653, %parallel_loop3A_654, %parallel_loop3A_657 : vector<16xf32>, vector<16xf32>, vector<16xf32>, vector<16xf32>, vector<16xi32>
        } {sc.loop_unroll_factor = 2 : i64, sc.parallel_access}
        %add3A_602 = arith.addf %parallel_loop3A_601#0, %parallel_loop3A_601#1 : vector<16xf32>
        %add3A_603 = arith.addf %parallel_loop3A_601#2, %parallel_loop3A_601#3 : vector<16xf32>
        %add3A_604 = arith.addf %add3A_602, %add3A_603 : vector<16xf32>
        %mul3A_605 = arith.constant 80 : i32
        %mul3A_606 = arith.muli %add3A_401, %mul3A_605 : i32
        %add3A_607 = arith.addi %mul3A_606, %add3A_596 : i32
        %swap3A = arith.index_cast %add3A_607 : i32 to index
        %swap3A_608 = tpu.vector_load %arg11[%swap3A] {strides = array<i32>} : memref<10000xf32, #tpu.memory_space<vmem>>, vector<16xf32>,
        tpu.vector_store %arg11[%swap3A], %add3A_604 {strides = array<i32>} : memref<10000xf32, #tpu.memory_space<vmem>>, vector<16xf32>,
      }
      %scan3A_408 = arith.constant 5 : i32
      %add3A_409 = arith.constant 2 : i32
      %add3A_410 = arith.addi %add3A_287, %add3A_409 : i32
      %add3A_411 = arith.constant 5 : i32
      %add3A_412 = arith.addi %add3A_410, %add3A_411 : i32
      %sub3A_413 = arith.constant 1 : i32
      %sub3A_414 = arith.subi %add3A_412, %sub3A_413 : i32
      %dma_start3A_415 = arith.constant 1 : i32
      %dma_start3A_416 = arith.constant 0 : i32
      %dma_start3A_417 = arith.constant 0 : i32
      %dma_start3A_418 = tpu.memref_slice %arg9[%dma_start3A_415, %dma_start3A_416, %dma_start3A_417] : memref<5x80x64xi32, #tpu.memory_space<vmem>> -> memref<1x80x64xi32, #tpu.memory_space<vmem>>
      %dma_start3A_419 = tpu.memref_squeeze %dma_start3A_418 : memref<1x80x64xi32, #tpu.memory_space<vmem>> -> memref<80x64xi32, #tpu.memory_space<vmem>>
      %dma_start3A_420 = arith.constant 0 : i32
      %dma_start3A_421 = tpu.memref_slice %arg7[%sub3A_414, %dma_start3A_420] : memref<125x80xi32, #tpu.memory_space<vmem>> -> memref<1x80xi32, #tpu.memory_space<vmem>>
      %dma_start3A_422 = tpu.memref_squeeze %dma_start3A_421 : memref<1x80xi32, #tpu.memory_space<vmem>> -> memref<80xi32, #tpu.memory_space<vmem>>
      %dma_start3A_423 = arith.constant 0 : i32
      %dma_start3A_424 = arith.constant 0 : i32
      %dma_start3A_425 = tpu.memref_slice %arg2[%dma_start3A_423, %dma_start3A_424] : memref<10000x64xi32, #tpu.memory_space<hbm>> -> memref<10000x64xi32, #tpu.memory_space<hbm>>
      tpu.enqueue_indirect_dma source(%dma_start3A_425 : memref<10000x64xi32, #tpu.memory_space<hbm>>) target(%dma_start3A_419 : memref<80x64xi32, #tpu.memory_space<vmem>>) offsets(%dma_start3A_422 : memref<80xi32, #tpu.memory_space<vmem>>) semaphore(%arg13 : memref<!tpu.dma_semaphore, #tpu.memory_space<semaphore_mem>>)
      %dma_start3A_426 = arith.constant 1 : i32
      %dma_start3A_427 = arith.constant 0 : i32
      %dma_start3A_428 = arith.constant 0 : i32
      %dma_start3A_429 = tpu.memref_slice %arg10[%dma_start3A_426, %dma_start3A_427, %dma_start3A_428] : memref<5x80x64xi32, #tpu.memory_space<vmem>> -> memref<1x80x64xi32, #tpu.memory_space<vmem>>
      %dma_start3A_430 = tpu.memref_squeeze %dma_start3A_429 : memref<1x80x64xi32, #tpu.memory_space<vmem>> -> memref<80x64xi32, #tpu.memory_space<vmem>>
      %dma_start3A_431 = arith.constant 0 : i32
      %dma_start3A_432 = tpu.memref_slice %arg8[%sub3A_414, %dma_start3A_431] : memref<125x80xi32, #tpu.memory_space<vmem>> -> memref<1x80xi32, #tpu.memory_space<vmem>>
      %dma_start3A_433 = tpu.memref_squeeze %dma_start3A_432 : memref<1x80xi32, #tpu.memory_space<vmem>> -> memref<80xi32, #tpu.memory_space<vmem>>
      %dma_start3A_434 = arith.constant 0 : i32
      %dma_start3A_435 = arith.constant 0 : i32
      %dma_start3A_436 = tpu.memref_slice %arg3[%dma_start3A_434, %dma_start3A_435] : memref<10000x64xi32, #tpu.memory_space<hbm>> -> memref<10000x64xi32, #tpu.memory_space<hbm>>
      tpu.enqueue_indirect_dma source(%dma_start3A_436 : memref<10000x64xi32, #tpu.memory_space<hbm>>) target(%dma_start3A_430 : memref<80x64xi32, #tpu.memory_space<vmem>>) offsets(%dma_start3A_433 : memref<80xi32, #tpu.memory_space<vmem>>) semaphore(%arg13 : memref<!tpu.dma_semaphore, #tpu.memory_space<semaphore_mem>>)
      %add3A_437 = arith.constant 2 : i32
      %add3A_438 = arith.addi %add3A_287, %add3A_437 : i32
      %dma_wait3A_439 = arith.constant 2 : i32
      %dma_wait3A_440 = arith.constant 0 : i32
      %dma_wait3A_441 = arith.constant 0 : i32
      %dma_wait3A_442 = tpu.memref_slice %arg9[%dma_wait3A_439, %dma_wait3A_440, %dma_wait3A_441] : memref<5x80x64xi32, #tpu.memory_space<vmem>> -> memref<1x80x64xi32, #tpu.memory_space<vmem>>
      %dma_wait3A_443 = tpu.memref_squeeze %dma_wait3A_442 : memref<1x80x64xi32, #tpu.memory_space<vmem>> -> memref<80x64xi32, #tpu.memory_space<vmem>>
      %dma_wait3A_444 = arith.constant 0 : i32
      %dma_wait3A_445 = tpu.memref_slice %arg7[%add3A_438, %dma_wait3A_444] : memref<125x80xi32, #tpu.memory_space<vmem>> -> memref<1x80xi32, #tpu.memory_space<vmem>>
      %dma_wait3A_446 = tpu.memref_squeeze %dma_wait3A_445 : memref<1x80xi32, #tpu.memory_space<vmem>> -> memref<80xi32, #tpu.memory_space<vmem>>
      %dma_wait3A_447 = arith.constant 0 : i32
      %dma_wait3A_448 = arith.constant 0 : i32
      %dma_wait3A_449 = tpu.memref_slice %arg2[%dma_wait3A_447, %dma_wait3A_448] : memref<10000x64xi32, #tpu.memory_space<hbm>> -> memref<10000x64xi32, #tpu.memory_space<hbm>>
      tpu.wait_indirect_dma semaphore(%arg14 : memref<!tpu.dma_semaphore, #tpu.memory_space<semaphore_mem>>) src(%dma_wait3A_449 : memref<10000x64xi32, #tpu.memory_space<hbm>>) dst(%dma_wait3A_443 : memref<80x64xi32, #tpu.memory_space<vmem>>)
      %dma_wait3A_450 = arith.constant 2 : i32
      %dma_wait3A_451 = arith.constant 0 : i32
      %dma_wait3A_452 = arith.constant 0 : i32
      %dma_wait3A_453 = tpu.memref_slice %arg10[%dma_wait3A_450, %dma_wait3A_451, %dma_wait3A_452] : memref<5x80x64xi32, #tpu.memory_space<vmem>> -> memref<1x80x64xi32, #tpu.memory_space<vmem>>
      %dma_wait3A_454 = tpu.memref_squeeze %dma_wait3A_453 : memref<1x80x64xi32, #tpu.memory_space<vmem>> -> memref<80x64xi32, #tpu.memory_space<vmem>>
      %dma_wait3A_455 = arith.constant 0 : i32
      %dma_wait3A_456 = tpu.memref_slice %arg8[%add3A_438, %dma_wait3A_455] : memref<125x80xi32, #tpu.memory_space<vmem>> -> memref<1x80xi32, #tpu.memory_space<vmem>>
      %dma_wait3A_457 = tpu.memref_squeeze %dma_wait3A_456 : memref<1x80xi32, #tpu.memory_space<vmem>> -> memref<80xi32, #tpu.memory_space<vmem>>
      %dma_wait3A_458 = arith.constant 0 : i32
      %dma_wait3A_459 = arith.constant 0 : i32
      %dma_wait3A_460 = tpu.memref_slice %arg3[%dma_wait3A_458, %dma_wait3A_459] : memref<10000x64xi32, #tpu.memory_space<hbm>> -> memref<10000x64xi32, #tpu.memory_space<hbm>>
      tpu.wait_indirect_dma semaphore(%arg14 : memref<!tpu.dma_semaphore, #tpu.memory_space<semaphore_mem>>) src(%dma_wait3A_460 : memref<10000x64xi32, #tpu.memory_space<hbm>>) dst(%dma_wait3A_454 : memref<80x64xi32, #tpu.memory_space<vmem>>)
      %add3A_461 = arith.constant 2 : i32
      %add3A_462 = arith.addi %add3A_287, %add3A_461 : i32
      %scan3A_463 = arith.constant 2 : i32
      %scan3A_464 = arith.constant 2 : i32
      %scan3A_465 = arith.constant 0 : i32
      %scan3A_466 = arith.constant 5 : i32
      %scan3A_467 = arith.addi %scan3A_465, %scan3A_466 : i32
      %scan3A_468 = arith.constant 1 : i32
      scf.for %scan3A_592 = %scan3A_465 to %scan3A_467 step %scan3A_468  : i32 {
        %mul3A_593 = arith.constant 16 : i32
        %mul3A_594 = arith.muli %scan3A_592, %mul3A_593 : i32
        %add3A_595 = arith.constant 0 : i32
        %add3A_596 = arith.addi %add3A_595, %mul3A_594 : i32
        %add3A_597 = vector.broadcast %add3A_596 : i32 to vector<16xi32>
        %add3A_598 = arith.addi %add3A_597, %iota3A : vector<16xi32>
        %parallel_loop3A = arith.constant 0 : i32
        %parallel_loop3A_599 = arith.constant 64 : i32
        %parallel_loop3A_600 = arith.constant 2 : i32
        %parallel_loop3A_601:5 = scf.for %parallel_loop3A_609 = %parallel_loop3A to %parallel_loop3A_599 step %parallel_loop3A_600 iter_args(%parallel_loop3A_610 = %broadcast_in_dim3A_3, %parallel_loop3A_611 = %broadcast_in_dim3A_3, %parallel_loop3A_612 = %broadcast_in_dim3A_3, %parallel_loop3A_613 = %broadcast_in_dim3A_3, %parallel_loop3A_614 = %broadcast_in_dim3A_5) -> (vector<16xf32>, vector<16xf32>, vector<16xf32>, vector<16xf32>, vector<16xi32>)  : i32 {
          %parallel_loop3A_615 = arith.constant 0 : i32
          %parallel_loop3A_616 = vector.broadcast %parallel_loop3A_615 : i32 to vector<16xi32>
          %parallel_loop3A_617 = arith.addi %parallel_loop3A_614, %parallel_loop3A_616 : vector<16xi32>
          %parallel_loop3A_618 = arith.constant 0 : i32
          %parallel_loop3A_619 = arith.constant 0 : i32
          %parallel_loop3A_620 = tpu.memref_slice %arg9[%scan3A_463, %parallel_loop3A_618, %parallel_loop3A_619] : memref<5x80x64xi32, #tpu.memory_space<vmem>> -> memref<1x80x64xi32, #tpu.memory_space<vmem>>
          %parallel_loop3A_621 = tpu.memref_squeeze %parallel_loop3A_620 : memref<1x80x64xi32, #tpu.memory_space<vmem>> -> memref<80x64xi32, #tpu.memory_space<vmem>>
          %parallel_loop3A_622 = tpu.vector_load_idx %parallel_loop3A_621[%add3A_598, %parallel_loop3A_617] : memref<80x64xi32, #tpu.memory_space<vmem>>[vector<16xi32>, vector<16xi32>], vector<16xi32>,
          %parallel_loop3A_623 = arith.constant 0 : i32
          %parallel_loop3A_624 = arith.constant 0 : i32
          %parallel_loop3A_625 = tpu.memref_slice %arg10[%scan3A_464, %parallel_loop3A_623, %parallel_loop3A_624] : memref<5x80x64xi32, #tpu.memory_space<vmem>> -> memref<1x80x64xi32, #tpu.memory_space<vmem>>
          %parallel_loop3A_626 = tpu.memref_squeeze %parallel_loop3A_625 : memref<1x80x64xi32, #tpu.memory_space<vmem>> -> memref<80x64xi32, #tpu.memory_space<vmem>>
          %parallel_loop3A_627 = tpu.vector_load_idx %parallel_loop3A_626[%add3A_598, %parallel_loop3A_617] : memref<80x64xi32, #tpu.memory_space<vmem>>[vector<16xi32>, vector<16xi32>], vector<16xi32>,
          %parallel_loop3A_628 = vector.bitcast %parallel_loop3A_622 : vector<16xi32> to vector<32xbf16>
          %parallel_loop3A_629 = vector.bitcast %parallel_loop3A_627 : vector<16xi32> to vector<32xbf16>
          %parallel_loop3A_630 = arith.mulf %parallel_loop3A_628, %parallel_loop3A_629 : vector<32xbf16>
          %parallel_loop3A_631 = tpu.unpack_subelements %parallel_loop3A_630, 0 {pack_format = #tpu.pack_format<interleaved>} : vector<32xbf16> -> vector<16xf32>
          %parallel_loop3A_632 = tpu.unpack_subelements %parallel_loop3A_630, 1 {pack_format = #tpu.pack_format<interleaved>} : vector<32xbf16> -> vector<16xf32>
          %parallel_loop3A_633 = arith.addf %parallel_loop3A_610, %parallel_loop3A_631 : vector<16xf32>
          %parallel_loop3A_634 = arith.addf %parallel_loop3A_611, %parallel_loop3A_632 : vector<16xf32>
          %parallel_loop3A_635 = arith.constant 1 : i32
          %parallel_loop3A_636 = vector.broadcast %parallel_loop3A_635 : i32 to vector<16xi32>
          %parallel_loop3A_637 = arith.addi %parallel_loop3A_614, %parallel_loop3A_636 : vector<16xi32>
          %parallel_loop3A_638 = arith.constant 0 : i32
          %parallel_loop3A_639 = arith.constant 0 : i32
          %parallel_loop3A_640 = tpu.memref_slice %arg9[%scan3A_463, %parallel_loop3A_638, %parallel_loop3A_639] : memref<5x80x64xi32, #tpu.memory_space<vmem>> -> memref<1x80x64xi32, #tpu.memory_space<vmem>>
          %parallel_loop3A_641 = tpu.memref_squeeze %parallel_loop3A_640 : memref<1x80x64xi32, #tpu.memory_space<vmem>> -> memref<80x64xi32, #tpu.memory_space<vmem>>
          %parallel_loop3A_642 = tpu.vector_load_idx %parallel_loop3A_641[%add3A_598, %parallel_loop3A_637] : memref<80x64xi32, #tpu.memory_space<vmem>>[vector<16xi32>, vector<16xi32>], vector<16xi32>,
          %parallel_loop3A_643 = arith.constant 0 : i32
          %parallel_loop3A_644 = arith.constant 0 : i32
          %parallel_loop3A_645 = tpu.memref_slice %arg10[%scan3A_464, %parallel_loop3A_643, %parallel_loop3A_644] : memref<5x80x64xi32, #tpu.memory_space<vmem>> -> memref<1x80x64xi32, #tpu.memory_space<vmem>>
          %parallel_loop3A_646 = tpu.memref_squeeze %parallel_loop3A_645 : memref<1x80x64xi32, #tpu.memory_space<vmem>> -> memref<80x64xi32, #tpu.memory_space<vmem>>
          %parallel_loop3A_647 = tpu.vector_load_idx %parallel_loop3A_646[%add3A_598, %parallel_loop3A_637] : memref<80x64xi32, #tpu.memory_space<vmem>>[vector<16xi32>, vector<16xi32>], vector<16xi32>,
          %parallel_loop3A_648 = vector.bitcast %parallel_loop3A_642 : vector<16xi32> to vector<32xbf16>
          %parallel_loop3A_649 = vector.bitcast %parallel_loop3A_647 : vector<16xi32> to vector<32xbf16>
          %parallel_loop3A_650 = arith.mulf %parallel_loop3A_648, %parallel_loop3A_649 : vector<32xbf16>
          %parallel_loop3A_651 = tpu.unpack_subelements %parallel_loop3A_650, 0 {pack_format = #tpu.pack_format<interleaved>} : vector<32xbf16> -> vector<16xf32>
          %parallel_loop3A_652 = tpu.unpack_subelements %parallel_loop3A_650, 1 {pack_format = #tpu.pack_format<interleaved>} : vector<32xbf16> -> vector<16xf32>
          %parallel_loop3A_653 = arith.addf %parallel_loop3A_612, %parallel_loop3A_651 : vector<16xf32>
          %parallel_loop3A_654 = arith.addf %parallel_loop3A_613, %parallel_loop3A_652 : vector<16xf32>
          %parallel_loop3A_655 = arith.constant 2 : i32
          %parallel_loop3A_656 = vector.broadcast %parallel_loop3A_655 : i32 to vector<16xi32>
          %parallel_loop3A_657 = arith.addi %parallel_loop3A_614, %parallel_loop3A_656 : vector<16xi32>
          scf.yield %parallel_loop3A_633, %parallel_loop3A_634, %parallel_loop3A_653, %parallel_loop3A_654, %parallel_loop3A_657 : vector<16xf32>, vector<16xf32>, vector<16xf32>, vector<16xf32>, vector<16xi32>
        } {sc.loop_unroll_factor = 2 : i64, sc.parallel_access}
        %add3A_602 = arith.addf %parallel_loop3A_601#0, %parallel_loop3A_601#1 : vector<16xf32>
        %add3A_603 = arith.addf %parallel_loop3A_601#2, %parallel_loop3A_601#3 : vector<16xf32>
        %add3A_604 = arith.addf %add3A_602, %add3A_603 : vector<16xf32>
        %mul3A_605 = arith.constant 80 : i32
        %mul3A_606 = arith.muli %add3A_462, %mul3A_605 : i32
        %add3A_607 = arith.addi %mul3A_606, %add3A_596 : i32
        %swap3A = arith.index_cast %add3A_607 : i32 to index
        %swap3A_608 = tpu.vector_load %arg11[%swap3A] {strides = array<i32>} : memref<10000xf32, #tpu.memory_space<vmem>>, vector<16xf32>,
        tpu.vector_store %arg11[%swap3A], %add3A_604 {strides = array<i32>} : memref<10000xf32, #tpu.memory_space<vmem>>, vector<16xf32>,
      }
      %scan3A_469 = arith.constant 5 : i32
      %add3A_470 = arith.constant 3 : i32
      %add3A_471 = arith.addi %add3A_287, %add3A_470 : i32
      %add3A_472 = arith.constant 5 : i32
      %add3A_473 = arith.addi %add3A_471, %add3A_472 : i32
      %sub3A_474 = arith.constant 1 : i32
      %sub3A_475 = arith.subi %add3A_473, %sub3A_474 : i32
      %dma_start3A_476 = arith.constant 2 : i32
      %dma_start3A_477 = arith.constant 0 : i32
      %dma_start3A_478 = arith.constant 0 : i32
      %dma_start3A_479 = tpu.memref_slice %arg9[%dma_start3A_476, %dma_start3A_477, %dma_start3A_478] : memref<5x80x64xi32, #tpu.memory_space<vmem>> -> memref<1x80x64xi32, #tpu.memory_space<vmem>>
      %dma_start3A_480 = tpu.memref_squeeze %dma_start3A_479 : memref<1x80x64xi32, #tpu.memory_space<vmem>> -> memref<80x64xi32, #tpu.memory_space<vmem>>
      %dma_start3A_481 = arith.constant 0 : i32
      %dma_start3A_482 = tpu.memref_slice %arg7[%sub3A_475, %dma_start3A_481] : memref<125x80xi32, #tpu.memory_space<vmem>> -> memref<1x80xi32, #tpu.memory_space<vmem>>
      %dma_start3A_483 = tpu.memref_squeeze %dma_start3A_482 : memref<1x80xi32, #tpu.memory_space<vmem>> -> memref<80xi32, #tpu.memory_space<vmem>>
      %dma_start3A_484 = arith.constant 0 : i32
      %dma_start3A_485 = arith.constant 0 : i32
      %dma_start3A_486 = tpu.memref_slice %arg2[%dma_start3A_484, %dma_start3A_485] : memref<10000x64xi32, #tpu.memory_space<hbm>> -> memref<10000x64xi32, #tpu.memory_space<hbm>>
      tpu.enqueue_indirect_dma source(%dma_start3A_486 : memref<10000x64xi32, #tpu.memory_space<hbm>>) target(%dma_start3A_480 : memref<80x64xi32, #tpu.memory_space<vmem>>) offsets(%dma_start3A_483 : memref<80xi32, #tpu.memory_space<vmem>>) semaphore(%arg14 : memref<!tpu.dma_semaphore, #tpu.memory_space<semaphore_mem>>)
      %dma_start3A_487 = arith.constant 2 : i32
      %dma_start3A_488 = arith.constant 0 : i32
      %dma_start3A_489 = arith.constant 0 : i32
      %dma_start3A_490 = tpu.memref_slice %arg10[%dma_start3A_487, %dma_start3A_488, %dma_start3A_489] : memref<5x80x64xi32, #tpu.memory_space<vmem>> -> memref<1x80x64xi32, #tpu.memory_space<vmem>>
      %dma_start3A_491 = tpu.memref_squeeze %dma_start3A_490 : memref<1x80x64xi32, #tpu.memory_space<vmem>> -> memref<80x64xi32, #tpu.memory_space<vmem>>
      %dma_start3A_492 = arith.constant 0 : i32
      %dma_start3A_493 = tpu.memref_slice %arg8[%sub3A_475, %dma_start3A_492] : memref<125x80xi32, #tpu.memory_space<vmem>> -> memref<1x80xi32, #tpu.memory_space<vmem>>
      %dma_start3A_494 = tpu.memref_squeeze %dma_start3A_493 : memref<1x80xi32, #tpu.memory_space<vmem>> -> memref<80xi32, #tpu.memory_space<vmem>>
      %dma_start3A_495 = arith.constant 0 : i32
      %dma_start3A_496 = arith.constant 0 : i32
      %dma_start3A_497 = tpu.memref_slice %arg3[%dma_start3A_495, %dma_start3A_496] : memref<10000x64xi32, #tpu.memory_space<hbm>> -> memref<10000x64xi32, #tpu.memory_space<hbm>>
      tpu.enqueue_indirect_dma source(%dma_start3A_497 : memref<10000x64xi32, #tpu.memory_space<hbm>>) target(%dma_start3A_491 : memref<80x64xi32, #tpu.memory_space<vmem>>) offsets(%dma_start3A_494 : memref<80xi32, #tpu.memory_space<vmem>>) semaphore(%arg14 : memref<!tpu.dma_semaphore, #tpu.memory_space<semaphore_mem>>)
      %add3A_498 = arith.constant 3 : i32
      %add3A_499 = arith.addi %add3A_287, %add3A_498 : i32
      %dma_wait3A_500 = arith.constant 3 : i32
      %dma_wait3A_501 = arith.constant 0 : i32
      %dma_wait3A_502 = arith.constant 0 : i32
      %dma_wait3A_503 = tpu.memref_slice %arg9[%dma_wait3A_500, %dma_wait3A_501, %dma_wait3A_502] : memref<5x80x64xi32, #tpu.memory_space<vmem>> -> memref<1x80x64xi32, #tpu.memory_space<vmem>>
      %dma_wait3A_504 = tpu.memref_squeeze %dma_wait3A_503 : memref<1x80x64xi32, #tpu.memory_space<vmem>> -> memref<80x64xi32, #tpu.memory_space<vmem>>
      %dma_wait3A_505 = arith.constant 0 : i32
      %dma_wait3A_506 = tpu.memref_slice %arg7[%add3A_499, %dma_wait3A_505] : memref<125x80xi32, #tpu.memory_space<vmem>> -> memref<1x80xi32, #tpu.memory_space<vmem>>
      %dma_wait3A_507 = tpu.memref_squeeze %dma_wait3A_506 : memref<1x80xi32, #tpu.memory_space<vmem>> -> memref<80xi32, #tpu.memory_space<vmem>>
      %dma_wait3A_508 = arith.constant 0 : i32
      %dma_wait3A_509 = arith.constant 0 : i32
      %dma_wait3A_510 = tpu.memref_slice %arg2[%dma_wait3A_508, %dma_wait3A_509] : memref<10000x64xi32, #tpu.memory_space<hbm>> -> memref<10000x64xi32, #tpu.memory_space<hbm>>
      tpu.wait_indirect_dma semaphore(%arg15 : memref<!tpu.dma_semaphore, #tpu.memory_space<semaphore_mem>>) src(%dma_wait3A_510 : memref<10000x64xi32, #tpu.memory_space<hbm>>) dst(%dma_wait3A_504 : memref<80x64xi32, #tpu.memory_space<vmem>>)
      %dma_wait3A_511 = arith.constant 3 : i32
      %dma_wait3A_512 = arith.constant 0 : i32
      %dma_wait3A_513 = arith.constant 0 : i32
      %dma_wait3A_514 = tpu.memref_slice %arg10[%dma_wait3A_511, %dma_wait3A_512, %dma_wait3A_513] : memref<5x80x64xi32, #tpu.memory_space<vmem>> -> memref<1x80x64xi32, #tpu.memory_space<vmem>>
      %dma_wait3A_515 = tpu.memref_squeeze %dma_wait3A_514 : memref<1x80x64xi32, #tpu.memory_space<vmem>> -> memref<80x64xi32, #tpu.memory_space<vmem>>
      %dma_wait3A_516 = arith.constant 0 : i32
      %dma_wait3A_517 = tpu.memref_slice %arg8[%add3A_499, %dma_wait3A_516] : memref<125x80xi32, #tpu.memory_space<vmem>> -> memref<1x80xi32, #tpu.memory_space<vmem>>
      %dma_wait3A_518 = tpu.memref_squeeze %dma_wait3A_517 : memref<1x80xi32, #tpu.memory_space<vmem>> -> memref<80xi32, #tpu.memory_space<vmem>>
      %dma_wait3A_519 = arith.constant 0 : i32
      %dma_wait3A_520 = arith.constant 0 : i32
      %dma_wait3A_521 = tpu.memref_slice %arg3[%dma_wait3A_519, %dma_wait3A_520] : memref<10000x64xi32, #tpu.memory_space<hbm>> -> memref<10000x64xi32, #tpu.memory_space<hbm>>
      tpu.wait_indirect_dma semaphore(%arg15 : memref<!tpu.dma_semaphore, #tpu.memory_space<semaphore_mem>>) src(%dma_wait3A_521 : memref<10000x64xi32, #tpu.memory_space<hbm>>) dst(%dma_wait3A_515 : memref<80x64xi32, #tpu.memory_space<vmem>>)
      %add3A_522 = arith.constant 3 : i32
      %add3A_523 = arith.addi %add3A_287, %add3A_522 : i32
      %scan3A_524 = arith.constant 3 : i32
      %scan3A_525 = arith.constant 3 : i32
      %scan3A_526 = arith.constant 0 : i32
      %scan3A_527 = arith.constant 5 : i32
      %scan3A_528 = arith.addi %scan3A_526, %scan3A_527 : i32
      %scan3A_529 = arith.constant 1 : i32
      scf.for %scan3A_592 = %scan3A_526 to %scan3A_528 step %scan3A_529  : i32 {
        %mul3A_593 = arith.constant 16 : i32
        %mul3A_594 = arith.muli %scan3A_592, %mul3A_593 : i32
        %add3A_595 = arith.constant 0 : i32
        %add3A_596 = arith.addi %add3A_595, %mul3A_594 : i32
        %add3A_597 = vector.broadcast %add3A_596 : i32 to vector<16xi32>
        %add3A_598 = arith.addi %add3A_597, %iota3A : vector<16xi32>
        %parallel_loop3A = arith.constant 0 : i32
        %parallel_loop3A_599 = arith.constant 64 : i32
        %parallel_loop3A_600 = arith.constant 2 : i32
        %parallel_loop3A_601:5 = scf.for %parallel_loop3A_609 = %parallel_loop3A to %parallel_loop3A_599 step %parallel_loop3A_600 iter_args(%parallel_loop3A_610 = %broadcast_in_dim3A_3, %parallel_loop3A_611 = %broadcast_in_dim3A_3, %parallel_loop3A_612 = %broadcast_in_dim3A_3, %parallel_loop3A_613 = %broadcast_in_dim3A_3, %parallel_loop3A_614 = %broadcast_in_dim3A_5) -> (vector<16xf32>, vector<16xf32>, vector<16xf32>, vector<16xf32>, vector<16xi32>)  : i32 {
          %parallel_loop3A_615 = arith.constant 0 : i32
          %parallel_loop3A_616 = vector.broadcast %parallel_loop3A_615 : i32 to vector<16xi32>
          %parallel_loop3A_617 = arith.addi %parallel_loop3A_614, %parallel_loop3A_616 : vector<16xi32>
          %parallel_loop3A_618 = arith.constant 0 : i32
          %parallel_loop3A_619 = arith.constant 0 : i32
          %parallel_loop3A_620 = tpu.memref_slice %arg9[%scan3A_524, %parallel_loop3A_618, %parallel_loop3A_619] : memref<5x80x64xi32, #tpu.memory_space<vmem>> -> memref<1x80x64xi32, #tpu.memory_space<vmem>>
          %parallel_loop3A_621 = tpu.memref_squeeze %parallel_loop3A_620 : memref<1x80x64xi32, #tpu.memory_space<vmem>> -> memref<80x64xi32, #tpu.memory_space<vmem>>
          %parallel_loop3A_622 = tpu.vector_load_idx %parallel_loop3A_621[%add3A_598, %parallel_loop3A_617] : memref<80x64xi32, #tpu.memory_space<vmem>>[vector<16xi32>, vector<16xi32>], vector<16xi32>,
          %parallel_loop3A_623 = arith.constant 0 : i32
          %parallel_loop3A_624 = arith.constant 0 : i32
          %parallel_loop3A_625 = tpu.memref_slice %arg10[%scan3A_525, %parallel_loop3A_623, %parallel_loop3A_624] : memref<5x80x64xi32, #tpu.memory_space<vmem>> -> memref<1x80x64xi32, #tpu.memory_space<vmem>>
          %parallel_loop3A_626 = tpu.memref_squeeze %parallel_loop3A_625 : memref<1x80x64xi32, #tpu.memory_space<vmem>> -> memref<80x64xi32, #tpu.memory_space<vmem>>
          %parallel_loop3A_627 = tpu.vector_load_idx %parallel_loop3A_626[%add3A_598, %parallel_loop3A_617] : memref<80x64xi32, #tpu.memory_space<vmem>>[vector<16xi32>, vector<16xi32>], vector<16xi32>,
          %parallel_loop3A_628 = vector.bitcast %parallel_loop3A_622 : vector<16xi32> to vector<32xbf16>
          %parallel_loop3A_629 = vector.bitcast %parallel_loop3A_627 : vector<16xi32> to vector<32xbf16>
          %parallel_loop3A_630 = arith.mulf %parallel_loop3A_628, %parallel_loop3A_629 : vector<32xbf16>
          %parallel_loop3A_631 = tpu.unpack_subelements %parallel_loop3A_630, 0 {pack_format = #tpu.pack_format<interleaved>} : vector<32xbf16> -> vector<16xf32>
          %parallel_loop3A_632 = tpu.unpack_subelements %parallel_loop3A_630, 1 {pack_format = #tpu.pack_format<interleaved>} : vector<32xbf16> -> vector<16xf32>
          %parallel_loop3A_633 = arith.addf %parallel_loop3A_610, %parallel_loop3A_631 : vector<16xf32>
          %parallel_loop3A_634 = arith.addf %parallel_loop3A_611, %parallel_loop3A_632 : vector<16xf32>
          %parallel_loop3A_635 = arith.constant 1 : i32
          %parallel_loop3A_636 = vector.broadcast %parallel_loop3A_635 : i32 to vector<16xi32>
          %parallel_loop3A_637 = arith.addi %parallel_loop3A_614, %parallel_loop3A_636 : vector<16xi32>
          %parallel_loop3A_638 = arith.constant 0 : i32
          %parallel_loop3A_639 = arith.constant 0 : i32
          %parallel_loop3A_640 = tpu.memref_slice %arg9[%scan3A_524, %parallel_loop3A_638, %parallel_loop3A_639] : memref<5x80x64xi32, #tpu.memory_space<vmem>> -> memref<1x80x64xi32, #tpu.memory_space<vmem>>
          %parallel_loop3A_641 = tpu.memref_squeeze %parallel_loop3A_640 : memref<1x80x64xi32, #tpu.memory_space<vmem>> -> memref<80x64xi32, #tpu.memory_space<vmem>>
          %parallel_loop3A_642 = tpu.vector_load_idx %parallel_loop3A_641[%add3A_598, %parallel_loop3A_637] : memref<80x64xi32, #tpu.memory_space<vmem>>[vector<16xi32>, vector<16xi32>], vector<16xi32>,
          %parallel_loop3A_643 = arith.constant 0 : i32
          %parallel_loop3A_644 = arith.constant 0 : i32
          %parallel_loop3A_645 = tpu.memref_slice %arg10[%scan3A_525, %parallel_loop3A_643, %parallel_loop3A_644] : memref<5x80x64xi32, #tpu.memory_space<vmem>> -> memref<1x80x64xi32, #tpu.memory_space<vmem>>
          %parallel_loop3A_646 = tpu.memref_squeeze %parallel_loop3A_645 : memref<1x80x64xi32, #tpu.memory_space<vmem>> -> memref<80x64xi32, #tpu.memory_space<vmem>>
          %parallel_loop3A_647 = tpu.vector_load_idx %parallel_loop3A_646[%add3A_598, %parallel_loop3A_637] : memref<80x64xi32, #tpu.memory_space<vmem>>[vector<16xi32>, vector<16xi32>], vector<16xi32>,
          %parallel_loop3A_648 = vector.bitcast %parallel_loop3A_642 : vector<16xi32> to vector<32xbf16>
          %parallel_loop3A_649 = vector.bitcast %parallel_loop3A_647 : vector<16xi32> to vector<32xbf16>
          %parallel_loop3A_650 = arith.mulf %parallel_loop3A_648, %parallel_loop3A_649 : vector<32xbf16>
          %parallel_loop3A_651 = tpu.unpack_subelements %parallel_loop3A_650, 0 {pack_format = #tpu.pack_format<interleaved>} : vector<32xbf16> -> vector<16xf32>
          %parallel_loop3A_652 = tpu.unpack_subelements %parallel_loop3A_650, 1 {pack_format = #tpu.pack_format<interleaved>} : vector<32xbf16> -> vector<16xf32>
          %parallel_loop3A_653 = arith.addf %parallel_loop3A_612, %parallel_loop3A_651 : vector<16xf32>
          %parallel_loop3A_654 = arith.addf %parallel_loop3A_613, %parallel_loop3A_652 : vector<16xf32>
          %parallel_loop3A_655 = arith.constant 2 : i32
          %parallel_loop3A_656 = vector.broadcast %parallel_loop3A_655 : i32 to vector<16xi32>
          %parallel_loop3A_657 = arith.addi %parallel_loop3A_614, %parallel_loop3A_656 : vector<16xi32>
          scf.yield %parallel_loop3A_633, %parallel_loop3A_634, %parallel_loop3A_653, %parallel_loop3A_654, %parallel_loop3A_657 : vector<16xf32>, vector<16xf32>, vector<16xf32>, vector<16xf32>, vector<16xi32>
        } {sc.loop_unroll_factor = 2 : i64, sc.parallel_access}
        %add3A_602 = arith.addf %parallel_loop3A_601#0, %parallel_loop3A_601#1 : vector<16xf32>
        %add3A_603 = arith.addf %parallel_loop3A_601#2, %parallel_loop3A_601#3 : vector<16xf32>
        %add3A_604 = arith.addf %add3A_602, %add3A_603 : vector<16xf32>
        %mul3A_605 = arith.constant 80 : i32
        %mul3A_606 = arith.muli %add3A_523, %mul3A_605 : i32
        %add3A_607 = arith.addi %mul3A_606, %add3A_596 : i32
        %swap3A = arith.index_cast %add3A_607 : i32 to index
        %swap3A_608 = tpu.vector_load %arg11[%swap3A] {strides = array<i32>} : memref<10000xf32, #tpu.memory_space<vmem>>, vector<16xf32>,
        tpu.vector_store %arg11[%swap3A], %add3A_604 {strides = array<i32>} : memref<10000xf32, #tpu.memory_space<vmem>>, vector<16xf32>,
      }
      %scan3A_530 = arith.constant 5 : i32
      %add3A_531 = arith.constant 4 : i32
      %add3A_532 = arith.addi %add3A_287, %add3A_531 : i32
      %add3A_533 = arith.constant 5 : i32
      %add3A_534 = arith.addi %add3A_532, %add3A_533 : i32
      %sub3A_535 = arith.constant 1 : i32
      %sub3A_536 = arith.subi %add3A_534, %sub3A_535 : i32
      %dma_start3A_537 = arith.constant 3 : i32
      %dma_start3A_538 = arith.constant 0 : i32
      %dma_start3A_539 = arith.constant 0 : i32
      %dma_start3A_540 = tpu.memref_slice %arg9[%dma_start3A_537, %dma_start3A_538, %dma_start3A_539] : memref<5x80x64xi32, #tpu.memory_space<vmem>> -> memref<1x80x64xi32, #tpu.memory_space<vmem>>
      %dma_start3A_541 = tpu.memref_squeeze %dma_start3A_540 : memref<1x80x64xi32, #tpu.memory_space<vmem>> -> memref<80x64xi32, #tpu.memory_space<vmem>>
      %dma_start3A_542 = arith.constant 0 : i32
      %dma_start3A_543 = tpu.memref_slice %arg7[%sub3A_536, %dma_start3A_542] : memref<125x80xi32, #tpu.memory_space<vmem>> -> memref<1x80xi32, #tpu.memory_space<vmem>>
      %dma_start3A_544 = tpu.memref_squeeze %dma_start3A_543 : memref<1x80xi32, #tpu.memory_space<vmem>> -> memref<80xi32, #tpu.memory_space<vmem>>
      %dma_start3A_545 = arith.constant 0 : i32
      %dma_start3A_546 = arith.constant 0 : i32
      %dma_start3A_547 = tpu.memref_slice %arg2[%dma_start3A_545, %dma_start3A_546] : memref<10000x64xi32, #tpu.memory_space<hbm>> -> memref<10000x64xi32, #tpu.memory_space<hbm>>
      tpu.enqueue_indirect_dma source(%dma_start3A_547 : memref<10000x64xi32, #tpu.memory_space<hbm>>) target(%dma_start3A_541 : memref<80x64xi32, #tpu.memory_space<vmem>>) offsets(%dma_start3A_544 : memref<80xi32, #tpu.memory_space<vmem>>) semaphore(%arg15 : memref<!tpu.dma_semaphore, #tpu.memory_space<semaphore_mem>>)
      %dma_start3A_548 = arith.constant 3 : i32
      %dma_start3A_549 = arith.constant 0 : i32
      %dma_start3A_550 = arith.constant 0 : i32
      %dma_start3A_551 = tpu.memref_slice %arg10[%dma_start3A_548, %dma_start3A_549, %dma_start3A_550] : memref<5x80x64xi32, #tpu.memory_space<vmem>> -> memref<1x80x64xi32, #tpu.memory_space<vmem>>
      %dma_start3A_552 = tpu.memref_squeeze %dma_start3A_551 : memref<1x80x64xi32, #tpu.memory_space<vmem>> -> memref<80x64xi32, #tpu.memory_space<vmem>>
      %dma_start3A_553 = arith.constant 0 : i32
      %dma_start3A_554 = tpu.memref_slice %arg8[%sub3A_536, %dma_start3A_553] : memref<125x80xi32, #tpu.memory_space<vmem>> -> memref<1x80xi32, #tpu.memory_space<vmem>>
      %dma_start3A_555 = tpu.memref_squeeze %dma_start3A_554 : memref<1x80xi32, #tpu.memory_space<vmem>> -> memref<80xi32, #tpu.memory_space<vmem>>
      %dma_start3A_556 = arith.constant 0 : i32
      %dma_start3A_557 = arith.constant 0 : i32
      %dma_start3A_558 = tpu.memref_slice %arg3[%dma_start3A_556, %dma_start3A_557] : memref<10000x64xi32, #tpu.memory_space<hbm>> -> memref<10000x64xi32, #tpu.memory_space<hbm>>
      tpu.enqueue_indirect_dma source(%dma_start3A_558 : memref<10000x64xi32, #tpu.memory_space<hbm>>) target(%dma_start3A_552 : memref<80x64xi32, #tpu.memory_space<vmem>>) offsets(%dma_start3A_555 : memref<80xi32, #tpu.memory_space<vmem>>) semaphore(%arg15 : memref<!tpu.dma_semaphore, #tpu.memory_space<semaphore_mem>>)
      %add3A_559 = arith.constant 4 : i32
      %add3A_560 = arith.addi %add3A_287, %add3A_559 : i32
      %dma_wait3A_561 = arith.constant 4 : i32
      %dma_wait3A_562 = arith.constant 0 : i32
      %dma_wait3A_563 = arith.constant 0 : i32
      %dma_wait3A_564 = tpu.memref_slice %arg9[%dma_wait3A_561, %dma_wait3A_562, %dma_wait3A_563] : memref<5x80x64xi32, #tpu.memory_space<vmem>> -> memref<1x80x64xi32, #tpu.memory_space<vmem>>
      %dma_wait3A_565 = tpu.memref_squeeze %dma_wait3A_564 : memref<1x80x64xi32, #tpu.memory_space<vmem>> -> memref<80x64xi32, #tpu.memory_space<vmem>>
      %dma_wait3A_566 = arith.constant 0 : i32
      %dma_wait3A_567 = tpu.memref_slice %arg7[%add3A_560, %dma_wait3A_566] : memref<125x80xi32, #tpu.memory_space<vmem>> -> memref<1x80xi32, #tpu.memory_space<vmem>>
      %dma_wait3A_568 = tpu.memref_squeeze %dma_wait3A_567 : memref<1x80xi32, #tpu.memory_space<vmem>> -> memref<80xi32, #tpu.memory_space<vmem>>
      %dma_wait3A_569 = arith.constant 0 : i32
      %dma_wait3A_570 = arith.constant 0 : i32
      %dma_wait3A_571 = tpu.memref_slice %arg2[%dma_wait3A_569, %dma_wait3A_570] : memref<10000x64xi32, #tpu.memory_space<hbm>> -> memref<10000x64xi32, #tpu.memory_space<hbm>>
      tpu.wait_indirect_dma semaphore(%arg16 : memref<!tpu.dma_semaphore, #tpu.memory_space<semaphore_mem>>) src(%dma_wait3A_571 : memref<10000x64xi32, #tpu.memory_space<hbm>>) dst(%dma_wait3A_565 : memref<80x64xi32, #tpu.memory_space<vmem>>)
      %dma_wait3A_572 = arith.constant 4 : i32
      %dma_wait3A_573 = arith.constant 0 : i32
      %dma_wait3A_574 = arith.constant 0 : i32
      %dma_wait3A_575 = tpu.memref_slice %arg10[%dma_wait3A_572, %dma_wait3A_573, %dma_wait3A_574] : memref<5x80x64xi32, #tpu.memory_space<vmem>> -> memref<1x80x64xi32, #tpu.memory_space<vmem>>
      %dma_wait3A_576 = tpu.memref_squeeze %dma_wait3A_575 : memref<1x80x64xi32, #tpu.memory_space<vmem>> -> memref<80x64xi32, #tpu.memory_space<vmem>>
      %dma_wait3A_577 = arith.constant 0 : i32
      %dma_wait3A_578 = tpu.memref_slice %arg8[%add3A_560, %dma_wait3A_577] : memref<125x80xi32, #tpu.memory_space<vmem>> -> memref<1x80xi32, #tpu.memory_space<vmem>>
      %dma_wait3A_579 = tpu.memref_squeeze %dma_wait3A_578 : memref<1x80xi32, #tpu.memory_space<vmem>> -> memref<80xi32, #tpu.memory_space<vmem>>
      %dma_wait3A_580 = arith.constant 0 : i32
      %dma_wait3A_581 = arith.constant 0 : i32
      %dma_wait3A_582 = tpu.memref_slice %arg3[%dma_wait3A_580, %dma_wait3A_581] : memref<10000x64xi32, #tpu.memory_space<hbm>> -> memref<10000x64xi32, #tpu.memory_space<hbm>>
      tpu.wait_indirect_dma semaphore(%arg16 : memref<!tpu.dma_semaphore, #tpu.memory_space<semaphore_mem>>) src(%dma_wait3A_582 : memref<10000x64xi32, #tpu.memory_space<hbm>>) dst(%dma_wait3A_576 : memref<80x64xi32, #tpu.memory_space<vmem>>)
      %add3A_583 = arith.constant 4 : i32
      %add3A_584 = arith.addi %add3A_287, %add3A_583 : i32
      %scan3A_585 = arith.constant 4 : i32
      %scan3A_586 = arith.constant 4 : i32
      %scan3A_587 = arith.constant 0 : i32
      %scan3A_588 = arith.constant 5 : i32
      %scan3A_589 = arith.addi %scan3A_587, %scan3A_588 : i32
      %scan3A_590 = arith.constant 1 : i32
      scf.for %scan3A_592 = %scan3A_587 to %scan3A_589 step %scan3A_590  : i32 {
        %mul3A_593 = arith.constant 16 : i32
        %mul3A_594 = arith.muli %scan3A_592, %mul3A_593 : i32
        %add3A_595 = arith.constant 0 : i32
        %add3A_596 = arith.addi %add3A_595, %mul3A_594 : i32
        %add3A_597 = vector.broadcast %add3A_596 : i32 to vector<16xi32>
        %add3A_598 = arith.addi %add3A_597, %iota3A : vector<16xi32>
        %parallel_loop3A = arith.constant 0 : i32
        %parallel_loop3A_599 = arith.constant 64 : i32
        %parallel_loop3A_600 = arith.constant 2 : i32
        %parallel_loop3A_601:5 = scf.for %parallel_loop3A_609 = %parallel_loop3A to %parallel_loop3A_599 step %parallel_loop3A_600 iter_args(%parallel_loop3A_610 = %broadcast_in_dim3A_3, %parallel_loop3A_611 = %broadcast_in_dim3A_3, %parallel_loop3A_612 = %broadcast_in_dim3A_3, %parallel_loop3A_613 = %broadcast_in_dim3A_3, %parallel_loop3A_614 = %broadcast_in_dim3A_5) -> (vector<16xf32>, vector<16xf32>, vector<16xf32>, vector<16xf32>, vector<16xi32>)  : i32 {
          %parallel_loop3A_615 = arith.constant 0 : i32
          %parallel_loop3A_616 = vector.broadcast %parallel_loop3A_615 : i32 to vector<16xi32>
          %parallel_loop3A_617 = arith.addi %parallel_loop3A_614, %parallel_loop3A_616 : vector<16xi32>
          %parallel_loop3A_618 = arith.constant 0 : i32
          %parallel_loop3A_619 = arith.constant 0 : i32
          %parallel_loop3A_620 = tpu.memref_slice %arg9[%scan3A_585, %parallel_loop3A_618, %parallel_loop3A_619] : memref<5x80x64xi32, #tpu.memory_space<vmem>> -> memref<1x80x64xi32, #tpu.memory_space<vmem>>
          %parallel_loop3A_621 = tpu.memref_squeeze %parallel_loop3A_620 : memref<1x80x64xi32, #tpu.memory_space<vmem>> -> memref<80x64xi32, #tpu.memory_space<vmem>>
          %parallel_loop3A_622 = tpu.vector_load_idx %parallel_loop3A_621[%add3A_598, %parallel_loop3A_617] : memref<80x64xi32, #tpu.memory_space<vmem>>[vector<16xi32>, vector<16xi32>], vector<16xi32>,
          %parallel_loop3A_623 = arith.constant 0 : i32
          %parallel_loop3A_624 = arith.constant 0 : i32
          %parallel_loop3A_625 = tpu.memref_slice %arg10[%scan3A_586, %parallel_loop3A_623, %parallel_loop3A_624] : memref<5x80x64xi32, #tpu.memory_space<vmem>> -> memref<1x80x64xi32, #tpu.memory_space<vmem>>
          %parallel_loop3A_626 = tpu.memref_squeeze %parallel_loop3A_625 : memref<1x80x64xi32, #tpu.memory_space<vmem>> -> memref<80x64xi32, #tpu.memory_space<vmem>>
          %parallel_loop3A_627 = tpu.vector_load_idx %parallel_loop3A_626[%add3A_598, %parallel_loop3A_617] : memref<80x64xi32, #tpu.memory_space<vmem>>[vector<16xi32>, vector<16xi32>], vector<16xi32>,
          %parallel_loop3A_628 = vector.bitcast %parallel_loop3A_622 : vector<16xi32> to vector<32xbf16>
          %parallel_loop3A_629 = vector.bitcast %parallel_loop3A_627 : vector<16xi32> to vector<32xbf16>
          %parallel_loop3A_630 = arith.mulf %parallel_loop3A_628, %parallel_loop3A_629 : vector<32xbf16>
          %parallel_loop3A_631 = tpu.unpack_subelements %parallel_loop3A_630, 0 {pack_format = #tpu.pack_format<interleaved>} : vector<32xbf16> -> vector<16xf32>
          %parallel_loop3A_632 = tpu.unpack_subelements %parallel_loop3A_630, 1 {pack_format = #tpu.pack_format<interleaved>} : vector<32xbf16> -> vector<16xf32>
          %parallel_loop3A_633 = arith.addf %parallel_loop3A_610, %parallel_loop3A_631 : vector<16xf32>
          %parallel_loop3A_634 = arith.addf %parallel_loop3A_611, %parallel_loop3A_632 : vector<16xf32>
          %parallel_loop3A_635 = arith.constant 1 : i32
          %parallel_loop3A_636 = vector.broadcast %parallel_loop3A_635 : i32 to vector<16xi32>
          %parallel_loop3A_637 = arith.addi %parallel_loop3A_614, %parallel_loop3A_636 : vector<16xi32>
          %parallel_loop3A_638 = arith.constant 0 : i32
          %parallel_loop3A_639 = arith.constant 0 : i32
          %parallel_loop3A_640 = tpu.memref_slice %arg9[%scan3A_585, %parallel_loop3A_638, %parallel_loop3A_639] : memref<5x80x64xi32, #tpu.memory_space<vmem>> -> memref<1x80x64xi32, #tpu.memory_space<vmem>>
          %parallel_loop3A_641 = tpu.memref_squeeze %parallel_loop3A_640 : memref<1x80x64xi32, #tpu.memory_space<vmem>> -> memref<80x64xi32, #tpu.memory_space<vmem>>
          %parallel_loop3A_642 = tpu.vector_load_idx %parallel_loop3A_641[%add3A_598, %parallel_loop3A_637] : memref<80x64xi32, #tpu.memory_space<vmem>>[vector<16xi32>, vector<16xi32>], vector<16xi32>,
          %parallel_loop3A_643 = arith.constant 0 : i32
          %parallel_loop3A_644 = arith.constant 0 : i32
          %parallel_loop3A_645 = tpu.memref_slice %arg10[%scan3A_586, %parallel_loop3A_643, %parallel_loop3A_644] : memref<5x80x64xi32, #tpu.memory_space<vmem>> -> memref<1x80x64xi32, #tpu.memory_space<vmem>>
          %parallel_loop3A_646 = tpu.memref_squeeze %parallel_loop3A_645 : memref<1x80x64xi32, #tpu.memory_space<vmem>> -> memref<80x64xi32, #tpu.memory_space<vmem>>
          %parallel_loop3A_647 = tpu.vector_load_idx %parallel_loop3A_646[%add3A_598, %parallel_loop3A_637] : memref<80x64xi32, #tpu.memory_space<vmem>>[vector<16xi32>, vector<16xi32>], vector<16xi32>,
          %parallel_loop3A_648 = vector.bitcast %parallel_loop3A_642 : vector<16xi32> to vector<32xbf16>
          %parallel_loop3A_649 = vector.bitcast %parallel_loop3A_647 : vector<16xi32> to vector<32xbf16>
          %parallel_loop3A_650 = arith.mulf %parallel_loop3A_648, %parallel_loop3A_649 : vector<32xbf16>
          %parallel_loop3A_651 = tpu.unpack_subelements %parallel_loop3A_650, 0 {pack_format = #tpu.pack_format<interleaved>} : vector<32xbf16> -> vector<16xf32>
          %parallel_loop3A_652 = tpu.unpack_subelements %parallel_loop3A_650, 1 {pack_format = #tpu.pack_format<interleaved>} : vector<32xbf16> -> vector<16xf32>
          %parallel_loop3A_653 = arith.addf %parallel_loop3A_612, %parallel_loop3A_651 : vector<16xf32>
          %parallel_loop3A_654 = arith.addf %parallel_loop3A_613, %parallel_loop3A_652 : vector<16xf32>
          %parallel_loop3A_655 = arith.constant 2 : i32
          %parallel_loop3A_656 = vector.broadcast %parallel_loop3A_655 : i32 to vector<16xi32>
          %parallel_loop3A_657 = arith.addi %parallel_loop3A_614, %parallel_loop3A_656 : vector<16xi32>
          scf.yield %parallel_loop3A_633, %parallel_loop3A_634, %parallel_loop3A_653, %parallel_loop3A_654, %parallel_loop3A_657 : vector<16xf32>, vector<16xf32>, vector<16xf32>, vector<16xf32>, vector<16xi32>
        } {sc.loop_unroll_factor = 2 : i64, sc.parallel_access}
        %add3A_602 = arith.addf %parallel_loop3A_601#0, %parallel_loop3A_601#1 : vector<16xf32>
        %add3A_603 = arith.addf %parallel_loop3A_601#2, %parallel_loop3A_601#3 : vector<16xf32>
        %add3A_604 = arith.addf %add3A_602, %add3A_603 : vector<16xf32>
        %mul3A_605 = arith.constant 80 : i32
        %mul3A_606 = arith.muli %add3A_584, %mul3A_605 : i32
        %add3A_607 = arith.addi %mul3A_606, %add3A_596 : i32
        %swap3A = arith.index_cast %add3A_607 : i32 to index
        %swap3A_608 = tpu.vector_load %arg11[%swap3A] {strides = array<i32>} : memref<10000xf32, #tpu.memory_space<vmem>>, vector<16xf32>,
        tpu.vector_store %arg11[%swap3A], %add3A_604 {strides = array<i32>} : memref<10000xf32, #tpu.memory_space<vmem>>, vector<16xf32>,
      }
      %scan3A_591 = arith.constant 5 : i32
    }
    %scan3A_104 = arith.constant 24 : i32
    %dma_start3A_105 = arith.constant 124 : i32
    %dma_start3A_106 = arith.constant 4 : i32
    %dma_start3A_107 = arith.constant 0 : i32
    %dma_start3A_108 = arith.constant 0 : i32
    %dma_start3A_109 = tpu.memref_slice %arg9[%dma_start3A_106, %dma_start3A_107, %dma_start3A_108] : memref<5x80x64xi32, #tpu.memory_space<vmem>> -> memref<1x80x64xi32, #tpu.memory_space<vmem>>
    %dma_start3A_110 = tpu.memref_squeeze %dma_start3A_109 : memref<1x80x64xi32, #tpu.memory_space<vmem>> -> memref<80x64xi32, #tpu.memory_space<vmem>>
    %dma_start3A_111 = arith.constant 0 : i32
    %dma_start3A_112 = tpu.memref_slice %arg7[%dma_start3A_105, %dma_start3A_111] : memref<125x80xi32, #tpu.memory_space<vmem>> -> memref<1x80xi32, #tpu.memory_space<vmem>>
    %dma_start3A_113 = tpu.memref_squeeze %dma_start3A_112 : memref<1x80xi32, #tpu.memory_space<vmem>> -> memref<80xi32, #tpu.memory_space<vmem>>
    %dma_start3A_114 = arith.constant 0 : i32
    %dma_start3A_115 = arith.constant 0 : i32
    %dma_start3A_116 = tpu.memref_slice %arg2[%dma_start3A_114, %dma_start3A_115] : memref<10000x64xi32, #tpu.memory_space<hbm>> -> memref<10000x64xi32, #tpu.memory_space<hbm>>
    tpu.enqueue_indirect_dma source(%dma_start3A_116 : memref<10000x64xi32, #tpu.memory_space<hbm>>) target(%dma_start3A_110 : memref<80x64xi32, #tpu.memory_space<vmem>>) offsets(%dma_start3A_113 : memref<80xi32, #tpu.memory_space<vmem>>) semaphore(%arg16 : memref<!tpu.dma_semaphore, #tpu.memory_space<semaphore_mem>>)
    %dma_start3A_117 = arith.constant 124 : i32
    %dma_start3A_118 = arith.constant 4 : i32
    %dma_start3A_119 = arith.constant 0 : i32
    %dma_start3A_120 = arith.constant 0 : i32
    %dma_start3A_121 = tpu.memref_slice %arg10[%dma_start3A_118, %dma_start3A_119, %dma_start3A_120] : memref<5x80x64xi32, #tpu.memory_space<vmem>> -> memref<1x80x64xi32, #tpu.memory_space<vmem>>
    %dma_start3A_122 = tpu.memref_squeeze %dma_start3A_121 : memref<1x80x64xi32, #tpu.memory_space<vmem>> -> memref<80x64xi32, #tpu.memory_space<vmem>>
    %dma_start3A_123 = arith.constant 0 : i32
    %dma_start3A_124 = tpu.memref_slice %arg8[%dma_start3A_117, %dma_start3A_123] : memref<125x80xi32, #tpu.memory_space<vmem>> -> memref<1x80xi32, #tpu.memory_space<vmem>>
    %dma_start3A_125 = tpu.memref_squeeze %dma_start3A_124 : memref<1x80xi32, #tpu.memory_space<vmem>> -> memref<80xi32, #tpu.memory_space<vmem>>
    %dma_start3A_126 = arith.constant 0 : i32
    %dma_start3A_127 = arith.constant 0 : i32
    %dma_start3A_128 = tpu.memref_slice %arg3[%dma_start3A_126, %dma_start3A_127] : memref<10000x64xi32, #tpu.memory_space<hbm>> -> memref<10000x64xi32, #tpu.memory_space<hbm>>
    tpu.enqueue_indirect_dma source(%dma_start3A_128 : memref<10000x64xi32, #tpu.memory_space<hbm>>) target(%dma_start3A_122 : memref<80x64xi32, #tpu.memory_space<vmem>>) offsets(%dma_start3A_125 : memref<80xi32, #tpu.memory_space<vmem>>) semaphore(%arg16 : memref<!tpu.dma_semaphore, #tpu.memory_space<semaphore_mem>>)
    %dma_wait3A = arith.constant 120 : i32
    %dma_wait3A_129 = arith.constant 0 : i32
    %dma_wait3A_130 = arith.constant 0 : i32
    %dma_wait3A_131 = arith.constant 0 : i32
    %dma_wait3A_132 = tpu.memref_slice %arg9[%dma_wait3A_129, %dma_wait3A_130, %dma_wait3A_131] : memref<5x80x64xi32, #tpu.memory_space<vmem>> -> memref<1x80x64xi32, #tpu.memory_space<vmem>>
    %dma_wait3A_133 = tpu.memref_squeeze %dma_wait3A_132 : memref<1x80x64xi32, #tpu.memory_space<vmem>> -> memref<80x64xi32, #tpu.memory_space<vmem>>
    %dma_wait3A_134 = arith.constant 0 : i32
    %dma_wait3A_135 = tpu.memref_slice %arg7[%dma_wait3A, %dma_wait3A_134] : memref<125x80xi32, #tpu.memory_space<vmem>> -> memref<1x80xi32, #tpu.memory_space<vmem>>
    %dma_wait3A_136 = tpu.memref_squeeze %dma_wait3A_135 : memref<1x80xi32, #tpu.memory_space<vmem>> -> memref<80xi32, #tpu.memory_space<vmem>>
    %dma_wait3A_137 = arith.constant 0 : i32
    %dma_wait3A_138 = arith.constant 0 : i32
    %dma_wait3A_139 = tpu.memref_slice %arg2[%dma_wait3A_137, %dma_wait3A_138] : memref<10000x64xi32, #tpu.memory_space<hbm>> -> memref<10000x64xi32, #tpu.memory_space<hbm>>
    tpu.wait_indirect_dma semaphore(%arg12 : memref<!tpu.dma_semaphore, #tpu.memory_space<semaphore_mem>>) src(%dma_wait3A_139 : memref<10000x64xi32, #tpu.memory_space<hbm>>) dst(%dma_wait3A_133 : memref<80x64xi32, #tpu.memory_space<vmem>>)
    %dma_wait3A_140 = arith.constant 120 : i32
    %dma_wait3A_141 = arith.constant 0 : i32
    %dma_wait3A_142 = arith.constant 0 : i32
    %dma_wait3A_143 = arith.constant 0 : i32
    %dma_wait3A_144 = tpu.memref_slice %arg10[%dma_wait3A_141, %dma_wait3A_142, %dma_wait3A_143] : memref<5x80x64xi32, #tpu.memory_space<vmem>> -> memref<1x80x64xi32, #tpu.memory_space<vmem>>
    %dma_wait3A_145 = tpu.memref_squeeze %dma_wait3A_144 : memref<1x80x64xi32, #tpu.memory_space<vmem>> -> memref<80x64xi32, #tpu.memory_space<vmem>>
    %dma_wait3A_146 = arith.constant 0 : i32
    %dma_wait3A_147 = tpu.memref_slice %arg8[%dma_wait3A_140, %dma_wait3A_146] : memref<125x80xi32, #tpu.memory_space<vmem>> -> memref<1x80xi32, #tpu.memory_space<vmem>>
    %dma_wait3A_148 = tpu.memref_squeeze %dma_wait3A_147 : memref<1x80xi32, #tpu.memory_space<vmem>> -> memref<80xi32, #tpu.memory_space<vmem>>
    %dma_wait3A_149 = arith.constant 0 : i32
    %dma_wait3A_150 = arith.constant 0 : i32
    %dma_wait3A_151 = tpu.memref_slice %arg3[%dma_wait3A_149, %dma_wait3A_150] : memref<10000x64xi32, #tpu.memory_space<hbm>> -> memref<10000x64xi32, #tpu.memory_space<hbm>>
    tpu.wait_indirect_dma semaphore(%arg12 : memref<!tpu.dma_semaphore, #tpu.memory_space<semaphore_mem>>) src(%dma_wait3A_151 : memref<10000x64xi32, #tpu.memory_space<hbm>>) dst(%dma_wait3A_145 : memref<80x64xi32, #tpu.memory_space<vmem>>)
    %scan3A_152 = arith.constant 0 : i32
    %scan3A_153 = arith.constant 0 : i32
    %scan3A_154 = arith.constant 0 : i32
    %scan3A_155 = arith.constant 5 : i32
    %scan3A_156 = arith.addi %scan3A_154, %scan3A_155 : i32
    %scan3A_157 = arith.constant 1 : i32
    scf.for %scan3A_283 = %scan3A_154 to %scan3A_156 step %scan3A_157  : i32 {
      %mul3A_284 = arith.constant 16 : i32
      %mul3A_285 = arith.muli %scan3A_283, %mul3A_284 : i32
      %add3A_286 = arith.constant 0 : i32
      %add3A_287 = arith.addi %add3A_286, %mul3A_285 : i32
      %add3A_288 = vector.broadcast %add3A_287 : i32 to vector<16xi32>
      %add3A_289 = arith.addi %add3A_288, %iota3A : vector<16xi32>
      %parallel_loop3A = arith.constant 0 : i32
      %parallel_loop3A_290 = arith.constant 64 : i32
      %parallel_loop3A_291 = arith.constant 2 : i32
      %parallel_loop3A_292:5 = scf.for %parallel_loop3A_299 = %parallel_loop3A to %parallel_loop3A_290 step %parallel_loop3A_291 iter_args(%parallel_loop3A_300 = %broadcast_in_dim3A_3, %parallel_loop3A_301 = %broadcast_in_dim3A_3, %parallel_loop3A_302 = %broadcast_in_dim3A_3, %parallel_loop3A_303 = %broadcast_in_dim3A_3, %parallel_loop3A_304 = %broadcast_in_dim3A_5) -> (vector<16xf32>, vector<16xf32>, vector<16xf32>, vector<16xf32>, vector<16xi32>)  : i32 {
        %parallel_loop3A_305 = arith.constant 0 : i32
        %parallel_loop3A_306 = vector.broadcast %parallel_loop3A_305 : i32 to vector<16xi32>
        %parallel_loop3A_307 = arith.addi %parallel_loop3A_304, %parallel_loop3A_306 : vector<16xi32>
        %parallel_loop3A_308 = arith.constant 0 : i32
        %parallel_loop3A_309 = arith.constant 0 : i32
        %parallel_loop3A_310 = tpu.memref_slice %arg9[%scan3A_152, %parallel_loop3A_308, %parallel_loop3A_309] : memref<5x80x64xi32, #tpu.memory_space<vmem>> -> memref<1x80x64xi32, #tpu.memory_space<vmem>>
        %parallel_loop3A_311 = tpu.memref_squeeze %parallel_loop3A_310 : memref<1x80x64xi32, #tpu.memory_space<vmem>> -> memref<80x64xi32, #tpu.memory_space<vmem>>
        %parallel_loop3A_312 = tpu.vector_load_idx %parallel_loop3A_311[%add3A_289, %parallel_loop3A_307] : memref<80x64xi32, #tpu.memory_space<vmem>>[vector<16xi32>, vector<16xi32>], vector<16xi32>,
        %parallel_loop3A_313 = arith.constant 0 : i32
        %parallel_loop3A_314 = arith.constant 0 : i32
        %parallel_loop3A_315 = tpu.memref_slice %arg10[%scan3A_153, %parallel_loop3A_313, %parallel_loop3A_314] : memref<5x80x64xi32, #tpu.memory_space<vmem>> -> memref<1x80x64xi32, #tpu.memory_space<vmem>>
        %parallel_loop3A_316 = tpu.memref_squeeze %parallel_loop3A_315 : memref<1x80x64xi32, #tpu.memory_space<vmem>> -> memref<80x64xi32, #tpu.memory_space<vmem>>
        %parallel_loop3A_317 = tpu.vector_load_idx %parallel_loop3A_316[%add3A_289, %parallel_loop3A_307] : memref<80x64xi32, #tpu.memory_space<vmem>>[vector<16xi32>, vector<16xi32>], vector<16xi32>,
        %parallel_loop3A_318 = vector.bitcast %parallel_loop3A_312 : vector<16xi32> to vector<32xbf16>
        %parallel_loop3A_319 = vector.bitcast %parallel_loop3A_317 : vector<16xi32> to vector<32xbf16>
        %parallel_loop3A_320 = arith.mulf %parallel_loop3A_318, %parallel_loop3A_319 : vector<32xbf16>
        %parallel_loop3A_321 = tpu.unpack_subelements %parallel_loop3A_320, 0 {pack_format = #tpu.pack_format<interleaved>} : vector<32xbf16> -> vector<16xf32>
        %parallel_loop3A_322 = tpu.unpack_subelements %parallel_loop3A_320, 1 {pack_format = #tpu.pack_format<interleaved>} : vector<32xbf16> -> vector<16xf32>
        %parallel_loop3A_323 = arith.addf %parallel_loop3A_300, %parallel_loop3A_321 : vector<16xf32>
        %parallel_loop3A_324 = arith.addf %parallel_loop3A_301, %parallel_loop3A_322 : vector<16xf32>
        %parallel_loop3A_325 = arith.constant 1 : i32
        %parallel_loop3A_326 = vector.broadcast %parallel_loop3A_325 : i32 to vector<16xi32>
        %parallel_loop3A_327 = arith.addi %parallel_loop3A_304, %parallel_loop3A_326 : vector<16xi32>
        %parallel_loop3A_328 = arith.constant 0 : i32
        %parallel_loop3A_329 = arith.constant 0 : i32
        %parallel_loop3A_330 = tpu.memref_slice %arg9[%scan3A_152, %parallel_loop3A_328, %parallel_loop3A_329] : memref<5x80x64xi32, #tpu.memory_space<vmem>> -> memref<1x80x64xi32, #tpu.memory_space<vmem>>
        %parallel_loop3A_331 = tpu.memref_squeeze %parallel_loop3A_330 : memref<1x80x64xi32, #tpu.memory_space<vmem>> -> memref<80x64xi32, #tpu.memory_space<vmem>>
        %parallel_loop3A_332 = tpu.vector_load_idx %parallel_loop3A_331[%add3A_289, %parallel_loop3A_327] : memref<80x64xi32, #tpu.memory_space<vmem>>[vector<16xi32>, vector<16xi32>], vector<16xi32>,
        %parallel_loop3A_333 = arith.constant 0 : i32
        %parallel_loop3A_334 = arith.constant 0 : i32
        %parallel_loop3A_335 = tpu.memref_slice %arg10[%scan3A_153, %parallel_loop3A_333, %parallel_loop3A_334] : memref<5x80x64xi32, #tpu.memory_space<vmem>> -> memref<1x80x64xi32, #tpu.memory_space<vmem>>
        %parallel_loop3A_336 = tpu.memref_squeeze %parallel_loop3A_335 : memref<1x80x64xi32, #tpu.memory_space<vmem>> -> memref<80x64xi32, #tpu.memory_space<vmem>>
        %parallel_loop3A_337 = tpu.vector_load_idx %parallel_loop3A_336[%add3A_289, %parallel_loop3A_327] : memref<80x64xi32, #tpu.memory_space<vmem>>[vector<16xi32>, vector<16xi32>], vector<16xi32>,
        %parallel_loop3A_338 = vector.bitcast %parallel_loop3A_332 : vector<16xi32> to vector<32xbf16>
        %parallel_loop3A_339 = vector.bitcast %parallel_loop3A_337 : vector<16xi32> to vector<32xbf16>
        %parallel_loop3A_340 = arith.mulf %parallel_loop3A_338, %parallel_loop3A_339 : vector<32xbf16>
        %parallel_loop3A_341 = tpu.unpack_subelements %parallel_loop3A_340, 0 {pack_format = #tpu.pack_format<interleaved>} : vector<32xbf16> -> vector<16xf32>
        %parallel_loop3A_342 = tpu.unpack_subelements %parallel_loop3A_340, 1 {pack_format = #tpu.pack_format<interleaved>} : vector<32xbf16> -> vector<16xf32>
        %parallel_loop3A_343 = arith.addf %parallel_loop3A_302, %parallel_loop3A_341 : vector<16xf32>
        %parallel_loop3A_344 = arith.addf %parallel_loop3A_303, %parallel_loop3A_342 : vector<16xf32>
        %parallel_loop3A_345 = arith.constant 2 : i32
        %parallel_loop3A_346 = vector.broadcast %parallel_loop3A_345 : i32 to vector<16xi32>
        %parallel_loop3A_347 = arith.addi %parallel_loop3A_304, %parallel_loop3A_346 : vector<16xi32>
        scf.yield %parallel_loop3A_323, %parallel_loop3A_324, %parallel_loop3A_343, %parallel_loop3A_344, %parallel_loop3A_347 : vector<16xf32>, vector<16xf32>, vector<16xf32>, vector<16xf32>, vector<16xi32>
      } {sc.loop_unroll_factor = 2 : i64, sc.parallel_access}
      %add3A_293 = arith.addf %parallel_loop3A_292#0, %parallel_loop3A_292#1 : vector<16xf32>
      %add3A_294 = arith.addf %parallel_loop3A_292#2, %parallel_loop3A_292#3 : vector<16xf32>
      %add3A_295 = arith.addf %add3A_293, %add3A_294 : vector<16xf32>
      %add3A_296 = arith.constant 9600 : i32
      %add3A_297 = arith.addi %add3A_296, %add3A_287 : i32
      %swap3A = arith.index_cast %add3A_297 : i32 to index
      %swap3A_298 = tpu.vector_load %arg11[%swap3A] {strides = array<i32>} : memref<10000xf32, #tpu.memory_space<vmem>>, vector<16xf32>,
      tpu.vector_store %arg11[%swap3A], %add3A_295 {strides = array<i32>} : memref<10000xf32, #tpu.memory_space<vmem>>, vector<16xf32>,
    }
    %scan3A_158 = arith.constant 5 : i32
    %dma_wait3A_159 = arith.constant 121 : i32
    %dma_wait3A_160 = arith.constant 1 : i32
    %dma_wait3A_161 = arith.constant 0 : i32
    %dma_wait3A_162 = arith.constant 0 : i32
    %dma_wait3A_163 = tpu.memref_slice %arg9[%dma_wait3A_160, %dma_wait3A_161, %dma_wait3A_162] : memref<5x80x64xi32, #tpu.memory_space<vmem>> -> memref<1x80x64xi32, #tpu.memory_space<vmem>>
    %dma_wait3A_164 = tpu.memref_squeeze %dma_wait3A_163 : memref<1x80x64xi32, #tpu.memory_space<vmem>> -> memref<80x64xi32, #tpu.memory_space<vmem>>
    %dma_wait3A_165 = arith.constant 0 : i32
    %dma_wait3A_166 = tpu.memref_slice %arg7[%dma_wait3A_159, %dma_wait3A_165] : memref<125x80xi32, #tpu.memory_space<vmem>> -> memref<1x80xi32, #tpu.memory_space<vmem>>
    %dma_wait3A_167 = tpu.memref_squeeze %dma_wait3A_166 : memref<1x80xi32, #tpu.memory_space<vmem>> -> memref<80xi32, #tpu.memory_space<vmem>>
    %dma_wait3A_168 = arith.constant 0 : i32
    %dma_wait3A_169 = arith.constant 0 : i32
    %dma_wait3A_170 = tpu.memref_slice %arg2[%dma_wait3A_168, %dma_wait3A_169] : memref<10000x64xi32, #tpu.memory_space<hbm>> -> memref<10000x64xi32, #tpu.memory_space<hbm>>
    tpu.wait_indirect_dma semaphore(%arg13 : memref<!tpu.dma_semaphore, #tpu.memory_space<semaphore_mem>>) src(%dma_wait3A_170 : memref<10000x64xi32, #tpu.memory_space<hbm>>) dst(%dma_wait3A_164 : memref<80x64xi32, #tpu.memory_space<vmem>>)
    %dma_wait3A_171 = arith.constant 121 : i32
    %dma_wait3A_172 = arith.constant 1 : i32
    %dma_wait3A_173 = arith.constant 0 : i32
    %dma_wait3A_174 = arith.constant 0 : i32
    %dma_wait3A_175 = tpu.memref_slice %arg10[%dma_wait3A_172, %dma_wait3A_173, %dma_wait3A_174] : memref<5x80x64xi32, #tpu.memory_space<vmem>> -> memref<1x80x64xi32, #tpu.memory_space<vmem>>
    %dma_wait3A_176 = tpu.memref_squeeze %dma_wait3A_175 : memref<1x80x64xi32, #tpu.memory_space<vmem>> -> memref<80x64xi32, #tpu.memory_space<vmem>>
    %dma_wait3A_177 = arith.constant 0 : i32
    %dma_wait3A_178 = tpu.memref_slice %arg8[%dma_wait3A_171, %dma_wait3A_177] : memref<125x80xi32, #tpu.memory_space<vmem>> -> memref<1x80xi32, #tpu.memory_space<vmem>>
    %dma_wait3A_179 = tpu.memref_squeeze %dma_wait3A_178 : memref<1x80xi32, #tpu.memory_space<vmem>> -> memref<80xi32, #tpu.memory_space<vmem>>
    %dma_wait3A_180 = arith.constant 0 : i32
    %dma_wait3A_181 = arith.constant 0 : i32
    %dma_wait3A_182 = tpu.memref_slice %arg3[%dma_wait3A_180, %dma_wait3A_181] : memref<10000x64xi32, #tpu.memory_space<hbm>> -> memref<10000x64xi32, #tpu.memory_space<hbm>>
    tpu.wait_indirect_dma semaphore(%arg13 : memref<!tpu.dma_semaphore, #tpu.memory_space<semaphore_mem>>) src(%dma_wait3A_182 : memref<10000x64xi32, #tpu.memory_space<hbm>>) dst(%dma_wait3A_176 : memref<80x64xi32, #tpu.memory_space<vmem>>)
    %scan3A_183 = arith.constant 1 : i32
    %scan3A_184 = arith.constant 1 : i32
    %scan3A_185 = arith.constant 0 : i32
    %scan3A_186 = arith.constant 5 : i32
    %scan3A_187 = arith.addi %scan3A_185, %scan3A_186 : i32
    %scan3A_188 = arith.constant 1 : i32
    scf.for %scan3A_283 = %scan3A_185 to %scan3A_187 step %scan3A_188  : i32 {
      %mul3A_284 = arith.constant 16 : i32
      %mul3A_285 = arith.muli %scan3A_283, %mul3A_284 : i32
      %add3A_286 = arith.constant 0 : i32
      %add3A_287 = arith.addi %add3A_286, %mul3A_285 : i32
      %add3A_288 = vector.broadcast %add3A_287 : i32 to vector<16xi32>
      %add3A_289 = arith.addi %add3A_288, %iota3A : vector<16xi32>
      %parallel_loop3A = arith.constant 0 : i32
      %parallel_loop3A_290 = arith.constant 64 : i32
      %parallel_loop3A_291 = arith.constant 2 : i32
      %parallel_loop3A_292:5 = scf.for %parallel_loop3A_299 = %parallel_loop3A to %parallel_loop3A_290 step %parallel_loop3A_291 iter_args(%parallel_loop3A_300 = %broadcast_in_dim3A_3, %parallel_loop3A_301 = %broadcast_in_dim3A_3, %parallel_loop3A_302 = %broadcast_in_dim3A_3, %parallel_loop3A_303 = %broadcast_in_dim3A_3, %parallel_loop3A_304 = %broadcast_in_dim3A_5) -> (vector<16xf32>, vector<16xf32>, vector<16xf32>, vector<16xf32>, vector<16xi32>)  : i32 {
        %parallel_loop3A_305 = arith.constant 0 : i32
        %parallel_loop3A_306 = vector.broadcast %parallel_loop3A_305 : i32 to vector<16xi32>
        %parallel_loop3A_307 = arith.addi %parallel_loop3A_304, %parallel_loop3A_306 : vector<16xi32>
        %parallel_loop3A_308 = arith.constant 0 : i32
        %parallel_loop3A_309 = arith.constant 0 : i32
        %parallel_loop3A_310 = tpu.memref_slice %arg9[%scan3A_183, %parallel_loop3A_308, %parallel_loop3A_309] : memref<5x80x64xi32, #tpu.memory_space<vmem>> -> memref<1x80x64xi32, #tpu.memory_space<vmem>>
        %parallel_loop3A_311 = tpu.memref_squeeze %parallel_loop3A_310 : memref<1x80x64xi32, #tpu.memory_space<vmem>> -> memref<80x64xi32, #tpu.memory_space<vmem>>
        %parallel_loop3A_312 = tpu.vector_load_idx %parallel_loop3A_311[%add3A_289, %parallel_loop3A_307] : memref<80x64xi32, #tpu.memory_space<vmem>>[vector<16xi32>, vector<16xi32>], vector<16xi32>,
        %parallel_loop3A_313 = arith.constant 0 : i32
        %parallel_loop3A_314 = arith.constant 0 : i32
        %parallel_loop3A_315 = tpu.memref_slice %arg10[%scan3A_184, %parallel_loop3A_313, %parallel_loop3A_314] : memref<5x80x64xi32, #tpu.memory_space<vmem>> -> memref<1x80x64xi32, #tpu.memory_space<vmem>>
        %parallel_loop3A_316 = tpu.memref_squeeze %parallel_loop3A_315 : memref<1x80x64xi32, #tpu.memory_space<vmem>> -> memref<80x64xi32, #tpu.memory_space<vmem>>
        %parallel_loop3A_317 = tpu.vector_load_idx %parallel_loop3A_316[%add3A_289, %parallel_loop3A_307] : memref<80x64xi32, #tpu.memory_space<vmem>>[vector<16xi32>, vector<16xi32>], vector<16xi32>,
        %parallel_loop3A_318 = vector.bitcast %parallel_loop3A_312 : vector<16xi32> to vector<32xbf16>
        %parallel_loop3A_319 = vector.bitcast %parallel_loop3A_317 : vector<16xi32> to vector<32xbf16>
        %parallel_loop3A_320 = arith.mulf %parallel_loop3A_318, %parallel_loop3A_319 : vector<32xbf16>
        %parallel_loop3A_321 = tpu.unpack_subelements %parallel_loop3A_320, 0 {pack_format = #tpu.pack_format<interleaved>} : vector<32xbf16> -> vector<16xf32>
        %parallel_loop3A_322 = tpu.unpack_subelements %parallel_loop3A_320, 1 {pack_format = #tpu.pack_format<interleaved>} : vector<32xbf16> -> vector<16xf32>
        %parallel_loop3A_323 = arith.addf %parallel_loop3A_300, %parallel_loop3A_321 : vector<16xf32>
        %parallel_loop3A_324 = arith.addf %parallel_loop3A_301, %parallel_loop3A_322 : vector<16xf32>
        %parallel_loop3A_325 = arith.constant 1 : i32
        %parallel_loop3A_326 = vector.broadcast %parallel_loop3A_325 : i32 to vector<16xi32>
        %parallel_loop3A_327 = arith.addi %parallel_loop3A_304, %parallel_loop3A_326 : vector<16xi32>
        %parallel_loop3A_328 = arith.constant 0 : i32
        %parallel_loop3A_329 = arith.constant 0 : i32
        %parallel_loop3A_330 = tpu.memref_slice %arg9[%scan3A_183, %parallel_loop3A_328, %parallel_loop3A_329] : memref<5x80x64xi32, #tpu.memory_space<vmem>> -> memref<1x80x64xi32, #tpu.memory_space<vmem>>
        %parallel_loop3A_331 = tpu.memref_squeeze %parallel_loop3A_330 : memref<1x80x64xi32, #tpu.memory_space<vmem>> -> memref<80x64xi32, #tpu.memory_space<vmem>>
        %parallel_loop3A_332 = tpu.vector_load_idx %parallel_loop3A_331[%add3A_289, %parallel_loop3A_327] : memref<80x64xi32, #tpu.memory_space<vmem>>[vector<16xi32>, vector<16xi32>], vector<16xi32>,
        %parallel_loop3A_333 = arith.constant 0 : i32
        %parallel_loop3A_334 = arith.constant 0 : i32
        %parallel_loop3A_335 = tpu.memref_slice %arg10[%scan3A_184, %parallel_loop3A_333, %parallel_loop3A_334] : memref<5x80x64xi32, #tpu.memory_space<vmem>> -> memref<1x80x64xi32, #tpu.memory_space<vmem>>
        %parallel_loop3A_336 = tpu.memref_squeeze %parallel_loop3A_335 : memref<1x80x64xi32, #tpu.memory_space<vmem>> -> memref<80x64xi32, #tpu.memory_space<vmem>>
        %parallel_loop3A_337 = tpu.vector_load_idx %parallel_loop3A_336[%add3A_289, %parallel_loop3A_327] : memref<80x64xi32, #tpu.memory_space<vmem>>[vector<16xi32>, vector<16xi32>], vector<16xi32>,
        %parallel_loop3A_338 = vector.bitcast %parallel_loop3A_332 : vector<16xi32> to vector<32xbf16>
        %parallel_loop3A_339 = vector.bitcast %parallel_loop3A_337 : vector<16xi32> to vector<32xbf16>
        %parallel_loop3A_340 = arith.mulf %parallel_loop3A_338, %parallel_loop3A_339 : vector<32xbf16>
        %parallel_loop3A_341 = tpu.unpack_subelements %parallel_loop3A_340, 0 {pack_format = #tpu.pack_format<interleaved>} : vector<32xbf16> -> vector<16xf32>
        %parallel_loop3A_342 = tpu.unpack_subelements %parallel_loop3A_340, 1 {pack_format = #tpu.pack_format<interleaved>} : vector<32xbf16> -> vector<16xf32>
        %parallel_loop3A_343 = arith.addf %parallel_loop3A_302, %parallel_loop3A_341 : vector<16xf32>
        %parallel_loop3A_344 = arith.addf %parallel_loop3A_303, %parallel_loop3A_342 : vector<16xf32>
        %parallel_loop3A_345 = arith.constant 2 : i32
        %parallel_loop3A_346 = vector.broadcast %parallel_loop3A_345 : i32 to vector<16xi32>
        %parallel_loop3A_347 = arith.addi %parallel_loop3A_304, %parallel_loop3A_346 : vector<16xi32>
        scf.yield %parallel_loop3A_323, %parallel_loop3A_324, %parallel_loop3A_343, %parallel_loop3A_344, %parallel_loop3A_347 : vector<16xf32>, vector<16xf32>, vector<16xf32>, vector<16xf32>, vector<16xi32>
      } {sc.loop_unroll_factor = 2 : i64, sc.parallel_access}
      %add3A_293 = arith.addf %parallel_loop3A_292#0, %parallel_loop3A_292#1 : vector<16xf32>
      %add3A_294 = arith.addf %parallel_loop3A_292#2, %parallel_loop3A_292#3 : vector<16xf32>
      %add3A_295 = arith.addf %add3A_293, %add3A_294 : vector<16xf32>
      %add3A_296 = arith.constant 9680 : i32
      %add3A_297 = arith.addi %add3A_296, %add3A_287 : i32
      %swap3A = arith.index_cast %add3A_297 : i32 to index
      %swap3A_298 = tpu.vector_load %arg11[%swap3A] {strides = array<i32>} : memref<10000xf32, #tpu.memory_space<vmem>>, vector<16xf32>,
      tpu.vector_store %arg11[%swap3A], %add3A_295 {strides = array<i32>} : memref<10000xf32, #tpu.memory_space<vmem>>, vector<16xf32>,
    }
    %scan3A_189 = arith.constant 5 : i32
    %dma_wait3A_190 = arith.constant 122 : i32
    %dma_wait3A_191 = arith.constant 2 : i32
    %dma_wait3A_192 = arith.constant 0 : i32
    %dma_wait3A_193 = arith.constant 0 : i32
    %dma_wait3A_194 = tpu.memref_slice %arg9[%dma_wait3A_191, %dma_wait3A_192, %dma_wait3A_193] : memref<5x80x64xi32, #tpu.memory_space<vmem>> -> memref<1x80x64xi32, #tpu.memory_space<vmem>>
    %dma_wait3A_195 = tpu.memref_squeeze %dma_wait3A_194 : memref<1x80x64xi32, #tpu.memory_space<vmem>> -> memref<80x64xi32, #tpu.memory_space<vmem>>
    %dma_wait3A_196 = arith.constant 0 : i32
    %dma_wait3A_197 = tpu.memref_slice %arg7[%dma_wait3A_190, %dma_wait3A_196] : memref<125x80xi32, #tpu.memory_space<vmem>> -> memref<1x80xi32, #tpu.memory_space<vmem>>
    %dma_wait3A_198 = tpu.memref_squeeze %dma_wait3A_197 : memref<1x80xi32, #tpu.memory_space<vmem>> -> memref<80xi32, #tpu.memory_space<vmem>>
    %dma_wait3A_199 = arith.constant 0 : i32
    %dma_wait3A_200 = arith.constant 0 : i32
    %dma_wait3A_201 = tpu.memref_slice %arg2[%dma_wait3A_199, %dma_wait3A_200] : memref<10000x64xi32, #tpu.memory_space<hbm>> -> memref<10000x64xi32, #tpu.memory_space<hbm>>
    tpu.wait_indirect_dma semaphore(%arg14 : memref<!tpu.dma_semaphore, #tpu.memory_space<semaphore_mem>>) src(%dma_wait3A_201 : memref<10000x64xi32, #tpu.memory_space<hbm>>) dst(%dma_wait3A_195 : memref<80x64xi32, #tpu.memory_space<vmem>>)
    %dma_wait3A_202 = arith.constant 122 : i32
    %dma_wait3A_203 = arith.constant 2 : i32
    %dma_wait3A_204 = arith.constant 0 : i32
    %dma_wait3A_205 = arith.constant 0 : i32
    %dma_wait3A_206 = tpu.memref_slice %arg10[%dma_wait3A_203, %dma_wait3A_204, %dma_wait3A_205] : memref<5x80x64xi32, #tpu.memory_space<vmem>> -> memref<1x80x64xi32, #tpu.memory_space<vmem>>
    %dma_wait3A_207 = tpu.memref_squeeze %dma_wait3A_206 : memref<1x80x64xi32, #tpu.memory_space<vmem>> -> memref<80x64xi32, #tpu.memory_space<vmem>>
    %dma_wait3A_208 = arith.constant 0 : i32
    %dma_wait3A_209 = tpu.memref_slice %arg8[%dma_wait3A_202, %dma_wait3A_208] : memref<125x80xi32, #tpu.memory_space<vmem>> -> memref<1x80xi32, #tpu.memory_space<vmem>>
    %dma_wait3A_210 = tpu.memref_squeeze %dma_wait3A_209 : memref<1x80xi32, #tpu.memory_space<vmem>> -> memref<80xi32, #tpu.memory_space<vmem>>
    %dma_wait3A_211 = arith.constant 0 : i32
    %dma_wait3A_212 = arith.constant 0 : i32
    %dma_wait3A_213 = tpu.memref_slice %arg3[%dma_wait3A_211, %dma_wait3A_212] : memref<10000x64xi32, #tpu.memory_space<hbm>> -> memref<10000x64xi32, #tpu.memory_space<hbm>>
    tpu.wait_indirect_dma semaphore(%arg14 : memref<!tpu.dma_semaphore, #tpu.memory_space<semaphore_mem>>) src(%dma_wait3A_213 : memref<10000x64xi32, #tpu.memory_space<hbm>>) dst(%dma_wait3A_207 : memref<80x64xi32, #tpu.memory_space<vmem>>)
    %scan3A_214 = arith.constant 2 : i32
    %scan3A_215 = arith.constant 2 : i32
    %scan3A_216 = arith.constant 0 : i32
    %scan3A_217 = arith.constant 5 : i32
    %scan3A_218 = arith.addi %scan3A_216, %scan3A_217 : i32
    %scan3A_219 = arith.constant 1 : i32
    scf.for %scan3A_283 = %scan3A_216 to %scan3A_218 step %scan3A_219  : i32 {
      %mul3A_284 = arith.constant 16 : i32
      %mul3A_285 = arith.muli %scan3A_283, %mul3A_284 : i32
      %add3A_286 = arith.constant 0 : i32
      %add3A_287 = arith.addi %add3A_286, %mul3A_285 : i32
      %add3A_288 = vector.broadcast %add3A_287 : i32 to vector<16xi32>
      %add3A_289 = arith.addi %add3A_288, %iota3A : vector<16xi32>
      %parallel_loop3A = arith.constant 0 : i32
      %parallel_loop3A_290 = arith.constant 64 : i32
      %parallel_loop3A_291 = arith.constant 2 : i32
      %parallel_loop3A_292:5 = scf.for %parallel_loop3A_299 = %parallel_loop3A to %parallel_loop3A_290 step %parallel_loop3A_291 iter_args(%parallel_loop3A_300 = %broadcast_in_dim3A_3, %parallel_loop3A_301 = %broadcast_in_dim3A_3, %parallel_loop3A_302 = %broadcast_in_dim3A_3, %parallel_loop3A_303 = %broadcast_in_dim3A_3, %parallel_loop3A_304 = %broadcast_in_dim3A_5) -> (vector<16xf32>, vector<16xf32>, vector<16xf32>, vector<16xf32>, vector<16xi32>)  : i32 {
        %parallel_loop3A_305 = arith.constant 0 : i32
        %parallel_loop3A_306 = vector.broadcast %parallel_loop3A_305 : i32 to vector<16xi32>
        %parallel_loop3A_307 = arith.addi %parallel_loop3A_304, %parallel_loop3A_306 : vector<16xi32>
        %parallel_loop3A_308 = arith.constant 0 : i32
        %parallel_loop3A_309 = arith.constant 0 : i32
        %parallel_loop3A_310 = tpu.memref_slice %arg9[%scan3A_214, %parallel_loop3A_308, %parallel_loop3A_309] : memref<5x80x64xi32, #tpu.memory_space<vmem>> -> memref<1x80x64xi32, #tpu.memory_space<vmem>>
        %parallel_loop3A_311 = tpu.memref_squeeze %parallel_loop3A_310 : memref<1x80x64xi32, #tpu.memory_space<vmem>> -> memref<80x64xi32, #tpu.memory_space<vmem>>
        %parallel_loop3A_312 = tpu.vector_load_idx %parallel_loop3A_311[%add3A_289, %parallel_loop3A_307] : memref<80x64xi32, #tpu.memory_space<vmem>>[vector<16xi32>, vector<16xi32>], vector<16xi32>,
        %parallel_loop3A_313 = arith.constant 0 : i32
        %parallel_loop3A_314 = arith.constant 0 : i32
        %parallel_loop3A_315 = tpu.memref_slice %arg10[%scan3A_215, %parallel_loop3A_313, %parallel_loop3A_314] : memref<5x80x64xi32, #tpu.memory_space<vmem>> -> memref<1x80x64xi32, #tpu.memory_space<vmem>>
        %parallel_loop3A_316 = tpu.memref_squeeze %parallel_loop3A_315 : memref<1x80x64xi32, #tpu.memory_space<vmem>> -> memref<80x64xi32, #tpu.memory_space<vmem>>
        %parallel_loop3A_317 = tpu.vector_load_idx %parallel_loop3A_316[%add3A_289, %parallel_loop3A_307] : memref<80x64xi32, #tpu.memory_space<vmem>>[vector<16xi32>, vector<16xi32>], vector<16xi32>,
        %parallel_loop3A_318 = vector.bitcast %parallel_loop3A_312 : vector<16xi32> to vector<32xbf16>
        %parallel_loop3A_319 = vector.bitcast %parallel_loop3A_317 : vector<16xi32> to vector<32xbf16>
        %parallel_loop3A_320 = arith.mulf %parallel_loop3A_318, %parallel_loop3A_319 : vector<32xbf16>
        %parallel_loop3A_321 = tpu.unpack_subelements %parallel_loop3A_320, 0 {pack_format = #tpu.pack_format<interleaved>} : vector<32xbf16> -> vector<16xf32>
        %parallel_loop3A_322 = tpu.unpack_subelements %parallel_loop3A_320, 1 {pack_format = #tpu.pack_format<interleaved>} : vector<32xbf16> -> vector<16xf32>
        %parallel_loop3A_323 = arith.addf %parallel_loop3A_300, %parallel_loop3A_321 : vector<16xf32>
        %parallel_loop3A_324 = arith.addf %parallel_loop3A_301, %parallel_loop3A_322 : vector<16xf32>
        %parallel_loop3A_325 = arith.constant 1 : i32
        %parallel_loop3A_326 = vector.broadcast %parallel_loop3A_325 : i32 to vector<16xi32>
        %parallel_loop3A_327 = arith.addi %parallel_loop3A_304, %parallel_loop3A_326 : vector<16xi32>
        %parallel_loop3A_328 = arith.constant 0 : i32
        %parallel_loop3A_329 = arith.constant 0 : i32
        %parallel_loop3A_330 = tpu.memref_slice %arg9[%scan3A_214, %parallel_loop3A_328, %parallel_loop3A_329] : memref<5x80x64xi32, #tpu.memory_space<vmem>> -> memref<1x80x64xi32, #tpu.memory_space<vmem>>
        %parallel_loop3A_331 = tpu.memref_squeeze %parallel_loop3A_330 : memref<1x80x64xi32, #tpu.memory_space<vmem>> -> memref<80x64xi32, #tpu.memory_space<vmem>>
        %parallel_loop3A_332 = tpu.vector_load_idx %parallel_loop3A_331[%add3A_289, %parallel_loop3A_327] : memref<80x64xi32, #tpu.memory_space<vmem>>[vector<16xi32>, vector<16xi32>], vector<16xi32>,
        %parallel_loop3A_333 = arith.constant 0 : i32
        %parallel_loop3A_334 = arith.constant 0 : i32
        %parallel_loop3A_335 = tpu.memref_slice %arg10[%scan3A_215, %parallel_loop3A_333, %parallel_loop3A_334] : memref<5x80x64xi32, #tpu.memory_space<vmem>> -> memref<1x80x64xi32, #tpu.memory_space<vmem>>
        %parallel_loop3A_336 = tpu.memref_squeeze %parallel_loop3A_335 : memref<1x80x64xi32, #tpu.memory_space<vmem>> -> memref<80x64xi32, #tpu.memory_space<vmem>>
        %parallel_loop3A_337 = tpu.vector_load_idx %parallel_loop3A_336[%add3A_289, %parallel_loop3A_327] : memref<80x64xi32, #tpu.memory_space<vmem>>[vector<16xi32>, vector<16xi32>], vector<16xi32>,
        %parallel_loop3A_338 = vector.bitcast %parallel_loop3A_332 : vector<16xi32> to vector<32xbf16>
        %parallel_loop3A_339 = vector.bitcast %parallel_loop3A_337 : vector<16xi32> to vector<32xbf16>
        %parallel_loop3A_340 = arith.mulf %parallel_loop3A_338, %parallel_loop3A_339 : vector<32xbf16>
        %parallel_loop3A_341 = tpu.unpack_subelements %parallel_loop3A_340, 0 {pack_format = #tpu.pack_format<interleaved>} : vector<32xbf16> -> vector<16xf32>
        %parallel_loop3A_342 = tpu.unpack_subelements %parallel_loop3A_340, 1 {pack_format = #tpu.pack_format<interleaved>} : vector<32xbf16> -> vector<16xf32>
        %parallel_loop3A_343 = arith.addf %parallel_loop3A_302, %parallel_loop3A_341 : vector<16xf32>
        %parallel_loop3A_344 = arith.addf %parallel_loop3A_303, %parallel_loop3A_342 : vector<16xf32>
        %parallel_loop3A_345 = arith.constant 2 : i32
        %parallel_loop3A_346 = vector.broadcast %parallel_loop3A_345 : i32 to vector<16xi32>
        %parallel_loop3A_347 = arith.addi %parallel_loop3A_304, %parallel_loop3A_346 : vector<16xi32>
        scf.yield %parallel_loop3A_323, %parallel_loop3A_324, %parallel_loop3A_343, %parallel_loop3A_344, %parallel_loop3A_347 : vector<16xf32>, vector<16xf32>, vector<16xf32>, vector<16xf32>, vector<16xi32>
      } {sc.loop_unroll_factor = 2 : i64, sc.parallel_access}
      %add3A_293 = arith.addf %parallel_loop3A_292#0, %parallel_loop3A_292#1 : vector<16xf32>
      %add3A_294 = arith.addf %parallel_loop3A_292#2, %parallel_loop3A_292#3 : vector<16xf32>
      %add3A_295 = arith.addf %add3A_293, %add3A_294 : vector<16xf32>
      %add3A_296 = arith.constant 9760 : i32
      %add3A_297 = arith.addi %add3A_296, %add3A_287 : i32
      %swap3A = arith.index_cast %add3A_297 : i32 to index
      %swap3A_298 = tpu.vector_load %arg11[%swap3A] {strides = array<i32>} : memref<10000xf32, #tpu.memory_space<vmem>>, vector<16xf32>,
      tpu.vector_store %arg11[%swap3A], %add3A_295 {strides = array<i32>} : memref<10000xf32, #tpu.memory_space<vmem>>, vector<16xf32>,
    }
    %scan3A_220 = arith.constant 5 : i32
    %dma_wait3A_221 = arith.constant 123 : i32
    %dma_wait3A_222 = arith.constant 3 : i32
    %dma_wait3A_223 = arith.constant 0 : i32
    %dma_wait3A_224 = arith.constant 0 : i32
    %dma_wait3A_225 = tpu.memref_slice %arg9[%dma_wait3A_222, %dma_wait3A_223, %dma_wait3A_224] : memref<5x80x64xi32, #tpu.memory_space<vmem>> -> memref<1x80x64xi32, #tpu.memory_space<vmem>>
    %dma_wait3A_226 = tpu.memref_squeeze %dma_wait3A_225 : memref<1x80x64xi32, #tpu.memory_space<vmem>> -> memref<80x64xi32, #tpu.memory_space<vmem>>
    %dma_wait3A_227 = arith.constant 0 : i32
    %dma_wait3A_228 = tpu.memref_slice %arg7[%dma_wait3A_221, %dma_wait3A_227] : memref<125x80xi32, #tpu.memory_space<vmem>> -> memref<1x80xi32, #tpu.memory_space<vmem>>
    %dma_wait3A_229 = tpu.memref_squeeze %dma_wait3A_228 : memref<1x80xi32, #tpu.memory_space<vmem>> -> memref<80xi32, #tpu.memory_space<vmem>>
    %dma_wait3A_230 = arith.constant 0 : i32
    %dma_wait3A_231 = arith.constant 0 : i32
    %dma_wait3A_232 = tpu.memref_slice %arg2[%dma_wait3A_230, %dma_wait3A_231] : memref<10000x64xi32, #tpu.memory_space<hbm>> -> memref<10000x64xi32, #tpu.memory_space<hbm>>
    tpu.wait_indirect_dma semaphore(%arg15 : memref<!tpu.dma_semaphore, #tpu.memory_space<semaphore_mem>>) src(%dma_wait3A_232 : memref<10000x64xi32, #tpu.memory_space<hbm>>) dst(%dma_wait3A_226 : memref<80x64xi32, #tpu.memory_space<vmem>>)
    %dma_wait3A_233 = arith.constant 123 : i32
    %dma_wait3A_234 = arith.constant 3 : i32
    %dma_wait3A_235 = arith.constant 0 : i32
    %dma_wait3A_236 = arith.constant 0 : i32
    %dma_wait3A_237 = tpu.memref_slice %arg10[%dma_wait3A_234, %dma_wait3A_235, %dma_wait3A_236] : memref<5x80x64xi32, #tpu.memory_space<vmem>> -> memref<1x80x64xi32, #tpu.memory_space<vmem>>
    %dma_wait3A_238 = tpu.memref_squeeze %dma_wait3A_237 : memref<1x80x64xi32, #tpu.memory_space<vmem>> -> memref<80x64xi32, #tpu.memory_space<vmem>>
    %dma_wait3A_239 = arith.constant 0 : i32
    %dma_wait3A_240 = tpu.memref_slice %arg8[%dma_wait3A_233, %dma_wait3A_239] : memref<125x80xi32, #tpu.memory_space<vmem>> -> memref<1x80xi32, #tpu.memory_space<vmem>>
    %dma_wait3A_241 = tpu.memref_squeeze %dma_wait3A_240 : memref<1x80xi32, #tpu.memory_space<vmem>> -> memref<80xi32, #tpu.memory_space<vmem>>
    %dma_wait3A_242 = arith.constant 0 : i32
    %dma_wait3A_243 = arith.constant 0 : i32
    %dma_wait3A_244 = tpu.memref_slice %arg3[%dma_wait3A_242, %dma_wait3A_243] : memref<10000x64xi32, #tpu.memory_space<hbm>> -> memref<10000x64xi32, #tpu.memory_space<hbm>>
    tpu.wait_indirect_dma semaphore(%arg15 : memref<!tpu.dma_semaphore, #tpu.memory_space<semaphore_mem>>) src(%dma_wait3A_244 : memref<10000x64xi32, #tpu.memory_space<hbm>>) dst(%dma_wait3A_238 : memref<80x64xi32, #tpu.memory_space<vmem>>)
    %scan3A_245 = arith.constant 3 : i32
    %scan3A_246 = arith.constant 3 : i32
    %scan3A_247 = arith.constant 0 : i32
    %scan3A_248 = arith.constant 5 : i32
    %scan3A_249 = arith.addi %scan3A_247, %scan3A_248 : i32
    %scan3A_250 = arith.constant 1 : i32
    scf.for %scan3A_283 = %scan3A_247 to %scan3A_249 step %scan3A_250  : i32 {
      %mul3A_284 = arith.constant 16 : i32
      %mul3A_285 = arith.muli %scan3A_283, %mul3A_284 : i32
      %add3A_286 = arith.constant 0 : i32
      %add3A_287 = arith.addi %add3A_286, %mul3A_285 : i32
      %add3A_288 = vector.broadcast %add3A_287 : i32 to vector<16xi32>
      %add3A_289 = arith.addi %add3A_288, %iota3A : vector<16xi32>
      %parallel_loop3A = arith.constant 0 : i32
      %parallel_loop3A_290 = arith.constant 64 : i32
      %parallel_loop3A_291 = arith.constant 2 : i32
      %parallel_loop3A_292:5 = scf.for %parallel_loop3A_299 = %parallel_loop3A to %parallel_loop3A_290 step %parallel_loop3A_291 iter_args(%parallel_loop3A_300 = %broadcast_in_dim3A_3, %parallel_loop3A_301 = %broadcast_in_dim3A_3, %parallel_loop3A_302 = %broadcast_in_dim3A_3, %parallel_loop3A_303 = %broadcast_in_dim3A_3, %parallel_loop3A_304 = %broadcast_in_dim3A_5) -> (vector<16xf32>, vector<16xf32>, vector<16xf32>, vector<16xf32>, vector<16xi32>)  : i32 {
        %parallel_loop3A_305 = arith.constant 0 : i32
        %parallel_loop3A_306 = vector.broadcast %parallel_loop3A_305 : i32 to vector<16xi32>
        %parallel_loop3A_307 = arith.addi %parallel_loop3A_304, %parallel_loop3A_306 : vector<16xi32>
        %parallel_loop3A_308 = arith.constant 0 : i32
        %parallel_loop3A_309 = arith.constant 0 : i32
        %parallel_loop3A_310 = tpu.memref_slice %arg9[%scan3A_245, %parallel_loop3A_308, %parallel_loop3A_309] : memref<5x80x64xi32, #tpu.memory_space<vmem>> -> memref<1x80x64xi32, #tpu.memory_space<vmem>>
        %parallel_loop3A_311 = tpu.memref_squeeze %parallel_loop3A_310 : memref<1x80x64xi32, #tpu.memory_space<vmem>> -> memref<80x64xi32, #tpu.memory_space<vmem>>
        %parallel_loop3A_312 = tpu.vector_load_idx %parallel_loop3A_311[%add3A_289, %parallel_loop3A_307] : memref<80x64xi32, #tpu.memory_space<vmem>>[vector<16xi32>, vector<16xi32>], vector<16xi32>,
        %parallel_loop3A_313 = arith.constant 0 : i32
        %parallel_loop3A_314 = arith.constant 0 : i32
        %parallel_loop3A_315 = tpu.memref_slice %arg10[%scan3A_246, %parallel_loop3A_313, %parallel_loop3A_314] : memref<5x80x64xi32, #tpu.memory_space<vmem>> -> memref<1x80x64xi32, #tpu.memory_space<vmem>>
        %parallel_loop3A_316 = tpu.memref_squeeze %parallel_loop3A_315 : memref<1x80x64xi32, #tpu.memory_space<vmem>> -> memref<80x64xi32, #tpu.memory_space<vmem>>
        %parallel_loop3A_317 = tpu.vector_load_idx %parallel_loop3A_316[%add3A_289, %parallel_loop3A_307] : memref<80x64xi32, #tpu.memory_space<vmem>>[vector<16xi32>, vector<16xi32>], vector<16xi32>,
        %parallel_loop3A_318 = vector.bitcast %parallel_loop3A_312 : vector<16xi32> to vector<32xbf16>
        %parallel_loop3A_319 = vector.bitcast %parallel_loop3A_317 : vector<16xi32> to vector<32xbf16>
        %parallel_loop3A_320 = arith.mulf %parallel_loop3A_318, %parallel_loop3A_319 : vector<32xbf16>
        %parallel_loop3A_321 = tpu.unpack_subelements %parallel_loop3A_320, 0 {pack_format = #tpu.pack_format<interleaved>} : vector<32xbf16> -> vector<16xf32>
        %parallel_loop3A_322 = tpu.unpack_subelements %parallel_loop3A_320, 1 {pack_format = #tpu.pack_format<interleaved>} : vector<32xbf16> -> vector<16xf32>
        %parallel_loop3A_323 = arith.addf %parallel_loop3A_300, %parallel_loop3A_321 : vector<16xf32>
        %parallel_loop3A_324 = arith.addf %parallel_loop3A_301, %parallel_loop3A_322 : vector<16xf32>
        %parallel_loop3A_325 = arith.constant 1 : i32
        %parallel_loop3A_326 = vector.broadcast %parallel_loop3A_325 : i32 to vector<16xi32>
        %parallel_loop3A_327 = arith.addi %parallel_loop3A_304, %parallel_loop3A_326 : vector<16xi32>
        %parallel_loop3A_328 = arith.constant 0 : i32
        %parallel_loop3A_329 = arith.constant 0 : i32
        %parallel_loop3A_330 = tpu.memref_slice %arg9[%scan3A_245, %parallel_loop3A_328, %parallel_loop3A_329] : memref<5x80x64xi32, #tpu.memory_space<vmem>> -> memref<1x80x64xi32, #tpu.memory_space<vmem>>
        %parallel_loop3A_331 = tpu.memref_squeeze %parallel_loop3A_330 : memref<1x80x64xi32, #tpu.memory_space<vmem>> -> memref<80x64xi32, #tpu.memory_space<vmem>>
        %parallel_loop3A_332 = tpu.vector_load_idx %parallel_loop3A_331[%add3A_289, %parallel_loop3A_327] : memref<80x64xi32, #tpu.memory_space<vmem>>[vector<16xi32>, vector<16xi32>], vector<16xi32>,
        %parallel_loop3A_333 = arith.constant 0 : i32
        %parallel_loop3A_334 = arith.constant 0 : i32
        %parallel_loop3A_335 = tpu.memref_slice %arg10[%scan3A_246, %parallel_loop3A_333, %parallel_loop3A_334] : memref<5x80x64xi32, #tpu.memory_space<vmem>> -> memref<1x80x64xi32, #tpu.memory_space<vmem>>
        %parallel_loop3A_336 = tpu.memref_squeeze %parallel_loop3A_335 : memref<1x80x64xi32, #tpu.memory_space<vmem>> -> memref<80x64xi32, #tpu.memory_space<vmem>>
        %parallel_loop3A_337 = tpu.vector_load_idx %parallel_loop3A_336[%add3A_289, %parallel_loop3A_327] : memref<80x64xi32, #tpu.memory_space<vmem>>[vector<16xi32>, vector<16xi32>], vector<16xi32>,
        %parallel_loop3A_338 = vector.bitcast %parallel_loop3A_332 : vector<16xi32> to vector<32xbf16>
        %parallel_loop3A_339 = vector.bitcast %parallel_loop3A_337 : vector<16xi32> to vector<32xbf16>
        %parallel_loop3A_340 = arith.mulf %parallel_loop3A_338, %parallel_loop3A_339 : vector<32xbf16>
        %parallel_loop3A_341 = tpu.unpack_subelements %parallel_loop3A_340, 0 {pack_format = #tpu.pack_format<interleaved>} : vector<32xbf16> -> vector<16xf32>
        %parallel_loop3A_342 = tpu.unpack_subelements %parallel_loop3A_340, 1 {pack_format = #tpu.pack_format<interleaved>} : vector<32xbf16> -> vector<16xf32>
        %parallel_loop3A_343 = arith.addf %parallel_loop3A_302, %parallel_loop3A_341 : vector<16xf32>
        %parallel_loop3A_344 = arith.addf %parallel_loop3A_303, %parallel_loop3A_342 : vector<16xf32>
        %parallel_loop3A_345 = arith.constant 2 : i32
        %parallel_loop3A_346 = vector.broadcast %parallel_loop3A_345 : i32 to vector<16xi32>
        %parallel_loop3A_347 = arith.addi %parallel_loop3A_304, %parallel_loop3A_346 : vector<16xi32>
        scf.yield %parallel_loop3A_323, %parallel_loop3A_324, %parallel_loop3A_343, %parallel_loop3A_344, %parallel_loop3A_347 : vector<16xf32>, vector<16xf32>, vector<16xf32>, vector<16xf32>, vector<16xi32>
      } {sc.loop_unroll_factor = 2 : i64, sc.parallel_access}
      %add3A_293 = arith.addf %parallel_loop3A_292#0, %parallel_loop3A_292#1 : vector<16xf32>
      %add3A_294 = arith.addf %parallel_loop3A_292#2, %parallel_loop3A_292#3 : vector<16xf32>
      %add3A_295 = arith.addf %add3A_293, %add3A_294 : vector<16xf32>
      %add3A_296 = arith.constant 9840 : i32
      %add3A_297 = arith.addi %add3A_296, %add3A_287 : i32
      %swap3A = arith.index_cast %add3A_297 : i32 to index
      %swap3A_298 = tpu.vector_load %arg11[%swap3A] {strides = array<i32>} : memref<10000xf32, #tpu.memory_space<vmem>>, vector<16xf32>,
      tpu.vector_store %arg11[%swap3A], %add3A_295 {strides = array<i32>} : memref<10000xf32, #tpu.memory_space<vmem>>, vector<16xf32>,
    }
    %scan3A_251 = arith.constant 5 : i32
    %dma_wait3A_252 = arith.constant 124 : i32
    %dma_wait3A_253 = arith.constant 4 : i32
    %dma_wait3A_254 = arith.constant 0 : i32
    %dma_wait3A_255 = arith.constant 0 : i32
    %dma_wait3A_256 = tpu.memref_slice %arg9[%dma_wait3A_253, %dma_wait3A_254, %dma_wait3A_255] : memref<5x80x64xi32, #tpu.memory_space<vmem>> -> memref<1x80x64xi32, #tpu.memory_space<vmem>>
    %dma_wait3A_257 = tpu.memref_squeeze %dma_wait3A_256 : memref<1x80x64xi32, #tpu.memory_space<vmem>> -> memref<80x64xi32, #tpu.memory_space<vmem>>
    %dma_wait3A_258 = arith.constant 0 : i32
    %dma_wait3A_259 = tpu.memref_slice %arg7[%dma_wait3A_252, %dma_wait3A_258] : memref<125x80xi32, #tpu.memory_space<vmem>> -> memref<1x80xi32, #tpu.memory_space<vmem>>
    %dma_wait3A_260 = tpu.memref_squeeze %dma_wait3A_259 : memref<1x80xi32, #tpu.memory_space<vmem>> -> memref<80xi32, #tpu.memory_space<vmem>>
    %dma_wait3A_261 = arith.constant 0 : i32
    %dma_wait3A_262 = arith.constant 0 : i32
    %dma_wait3A_263 = tpu.memref_slice %arg2[%dma_wait3A_261, %dma_wait3A_262] : memref<10000x64xi32, #tpu.memory_space<hbm>> -> memref<10000x64xi32, #tpu.memory_space<hbm>>
    tpu.wait_indirect_dma semaphore(%arg16 : memref<!tpu.dma_semaphore, #tpu.memory_space<semaphore_mem>>) src(%dma_wait3A_263 : memref<10000x64xi32, #tpu.memory_space<hbm>>) dst(%dma_wait3A_257 : memref<80x64xi32, #tpu.memory_space<vmem>>)
    %dma_wait3A_264 = arith.constant 124 : i32
    %dma_wait3A_265 = arith.constant 4 : i32
    %dma_wait3A_266 = arith.constant 0 : i32
    %dma_wait3A_267 = arith.constant 0 : i32
    %dma_wait3A_268 = tpu.memref_slice %arg10[%dma_wait3A_265, %dma_wait3A_266, %dma_wait3A_267] : memref<5x80x64xi32, #tpu.memory_space<vmem>> -> memref<1x80x64xi32, #tpu.memory_space<vmem>>
    %dma_wait3A_269 = tpu.memref_squeeze %dma_wait3A_268 : memref<1x80x64xi32, #tpu.memory_space<vmem>> -> memref<80x64xi32, #tpu.memory_space<vmem>>
    %dma_wait3A_270 = arith.constant 0 : i32
    %dma_wait3A_271 = tpu.memref_slice %arg8[%dma_wait3A_264, %dma_wait3A_270] : memref<125x80xi32, #tpu.memory_space<vmem>> -> memref<1x80xi32, #tpu.memory_space<vmem>>
    %dma_wait3A_272 = tpu.memref_squeeze %dma_wait3A_271 : memref<1x80xi32, #tpu.memory_space<vmem>> -> memref<80xi32, #tpu.memory_space<vmem>>
    %dma_wait3A_273 = arith.constant 0 : i32
    %dma_wait3A_274 = arith.constant 0 : i32
    %dma_wait3A_275 = tpu.memref_slice %arg3[%dma_wait3A_273, %dma_wait3A_274] : memref<10000x64xi32, #tpu.memory_space<hbm>> -> memref<10000x64xi32, #tpu.memory_space<hbm>>
    tpu.wait_indirect_dma semaphore(%arg16 : memref<!tpu.dma_semaphore, #tpu.memory_space<semaphore_mem>>) src(%dma_wait3A_275 : memref<10000x64xi32, #tpu.memory_space<hbm>>) dst(%dma_wait3A_269 : memref<80x64xi32, #tpu.memory_space<vmem>>)
    %scan3A_276 = arith.constant 4 : i32
    %scan3A_277 = arith.constant 4 : i32
    %scan3A_278 = arith.constant 0 : i32
    %scan3A_279 = arith.constant 5 : i32
    %scan3A_280 = arith.addi %scan3A_278, %scan3A_279 : i32
    %scan3A_281 = arith.constant 1 : i32
    scf.for %scan3A_283 = %scan3A_278 to %scan3A_280 step %scan3A_281  : i32 {
      %mul3A_284 = arith.constant 16 : i32
      %mul3A_285 = arith.muli %scan3A_283, %mul3A_284 : i32
      %add3A_286 = arith.constant 0 : i32
      %add3A_287 = arith.addi %add3A_286, %mul3A_285 : i32
      %add3A_288 = vector.broadcast %add3A_287 : i32 to vector<16xi32>
      %add3A_289 = arith.addi %add3A_288, %iota3A : vector<16xi32>
      %parallel_loop3A = arith.constant 0 : i32
      %parallel_loop3A_290 = arith.constant 64 : i32
      %parallel_loop3A_291 = arith.constant 2 : i32
      %parallel_loop3A_292:5 = scf.for %parallel_loop3A_299 = %parallel_loop3A to %parallel_loop3A_290 step %parallel_loop3A_291 iter_args(%parallel_loop3A_300 = %broadcast_in_dim3A_3, %parallel_loop3A_301 = %broadcast_in_dim3A_3, %parallel_loop3A_302 = %broadcast_in_dim3A_3, %parallel_loop3A_303 = %broadcast_in_dim3A_3, %parallel_loop3A_304 = %broadcast_in_dim3A_5) -> (vector<16xf32>, vector<16xf32>, vector<16xf32>, vector<16xf32>, vector<16xi32>)  : i32 {
        %parallel_loop3A_305 = arith.constant 0 : i32
        %parallel_loop3A_306 = vector.broadcast %parallel_loop3A_305 : i32 to vector<16xi32>
        %parallel_loop3A_307 = arith.addi %parallel_loop3A_304, %parallel_loop3A_306 : vector<16xi32>
        %parallel_loop3A_308 = arith.constant 0 : i32
        %parallel_loop3A_309 = arith.constant 0 : i32
        %parallel_loop3A_310 = tpu.memref_slice %arg9[%scan3A_276, %parallel_loop3A_308, %parallel_loop3A_309] : memref<5x80x64xi32, #tpu.memory_space<vmem>> -> memref<1x80x64xi32, #tpu.memory_space<vmem>>
        %parallel_loop3A_311 = tpu.memref_squeeze %parallel_loop3A_310 : memref<1x80x64xi32, #tpu.memory_space<vmem>> -> memref<80x64xi32, #tpu.memory_space<vmem>>
        %parallel_loop3A_312 = tpu.vector_load_idx %parallel_loop3A_311[%add3A_289, %parallel_loop3A_307] : memref<80x64xi32, #tpu.memory_space<vmem>>[vector<16xi32>, vector<16xi32>], vector<16xi32>,
        %parallel_loop3A_313 = arith.constant 0 : i32
        %parallel_loop3A_314 = arith.constant 0 : i32
        %parallel_loop3A_315 = tpu.memref_slice %arg10[%scan3A_277, %parallel_loop3A_313, %parallel_loop3A_314] : memref<5x80x64xi32, #tpu.memory_space<vmem>> -> memref<1x80x64xi32, #tpu.memory_space<vmem>>
        %parallel_loop3A_316 = tpu.memref_squeeze %parallel_loop3A_315 : memref<1x80x64xi32, #tpu.memory_space<vmem>> -> memref<80x64xi32, #tpu.memory_space<vmem>>
        %parallel_loop3A_317 = tpu.vector_load_idx %parallel_loop3A_316[%add3A_289, %parallel_loop3A_307] : memref<80x64xi32, #tpu.memory_space<vmem>>[vector<16xi32>, vector<16xi32>], vector<16xi32>,
        %parallel_loop3A_318 = vector.bitcast %parallel_loop3A_312 : vector<16xi32> to vector<32xbf16>
        %parallel_loop3A_319 = vector.bitcast %parallel_loop3A_317 : vector<16xi32> to vector<32xbf16>
        %parallel_loop3A_320 = arith.mulf %parallel_loop3A_318, %parallel_loop3A_319 : vector<32xbf16>
        %parallel_loop3A_321 = tpu.unpack_subelements %parallel_loop3A_320, 0 {pack_format = #tpu.pack_format<interleaved>} : vector<32xbf16> -> vector<16xf32>
        %parallel_loop3A_322 = tpu.unpack_subelements %parallel_loop3A_320, 1 {pack_format = #tpu.pack_format<interleaved>} : vector<32xbf16> -> vector<16xf32>
        %parallel_loop3A_323 = arith.addf %parallel_loop3A_300, %parallel_loop3A_321 : vector<16xf32>
        %parallel_loop3A_324 = arith.addf %parallel_loop3A_301, %parallel_loop3A_322 : vector<16xf32>
        %parallel_loop3A_325 = arith.constant 1 : i32
        %parallel_loop3A_326 = vector.broadcast %parallel_loop3A_325 : i32 to vector<16xi32>
        %parallel_loop3A_327 = arith.addi %parallel_loop3A_304, %parallel_loop3A_326 : vector<16xi32>
        %parallel_loop3A_328 = arith.constant 0 : i32
        %parallel_loop3A_329 = arith.constant 0 : i32
        %parallel_loop3A_330 = tpu.memref_slice %arg9[%scan3A_276, %parallel_loop3A_328, %parallel_loop3A_329] : memref<5x80x64xi32, #tpu.memory_space<vmem>> -> memref<1x80x64xi32, #tpu.memory_space<vmem>>
        %parallel_loop3A_331 = tpu.memref_squeeze %parallel_loop3A_330 : memref<1x80x64xi32, #tpu.memory_space<vmem>> -> memref<80x64xi32, #tpu.memory_space<vmem>>
        %parallel_loop3A_332 = tpu.vector_load_idx %parallel_loop3A_331[%add3A_289, %parallel_loop3A_327] : memref<80x64xi32, #tpu.memory_space<vmem>>[vector<16xi32>, vector<16xi32>], vector<16xi32>,
        %parallel_loop3A_333 = arith.constant 0 : i32
        %parallel_loop3A_334 = arith.constant 0 : i32
        %parallel_loop3A_335 = tpu.memref_slice %arg10[%scan3A_277, %parallel_loop3A_333, %parallel_loop3A_334] : memref<5x80x64xi32, #tpu.memory_space<vmem>> -> memref<1x80x64xi32, #tpu.memory_space<vmem>>
        %parallel_loop3A_336 = tpu.memref_squeeze %parallel_loop3A_335 : memref<1x80x64xi32, #tpu.memory_space<vmem>> -> memref<80x64xi32, #tpu.memory_space<vmem>>
        %parallel_loop3A_337 = tpu.vector_load_idx %parallel_loop3A_336[%add3A_289, %parallel_loop3A_327] : memref<80x64xi32, #tpu.memory_space<vmem>>[vector<16xi32>, vector<16xi32>], vector<16xi32>,
        %parallel_loop3A_338 = vector.bitcast %parallel_loop3A_332 : vector<16xi32> to vector<32xbf16>
        %parallel_loop3A_339 = vector.bitcast %parallel_loop3A_337 : vector<16xi32> to vector<32xbf16>
        %parallel_loop3A_340 = arith.mulf %parallel_loop3A_338, %parallel_loop3A_339 : vector<32xbf16>
        %parallel_loop3A_341 = tpu.unpack_subelements %parallel_loop3A_340, 0 {pack_format = #tpu.pack_format<interleaved>} : vector<32xbf16> -> vector<16xf32>
        %parallel_loop3A_342 = tpu.unpack_subelements %parallel_loop3A_340, 1 {pack_format = #tpu.pack_format<interleaved>} : vector<32xbf16> -> vector<16xf32>
        %parallel_loop3A_343 = arith.addf %parallel_loop3A_302, %parallel_loop3A_341 : vector<16xf32>
        %parallel_loop3A_344 = arith.addf %parallel_loop3A_303, %parallel_loop3A_342 : vector<16xf32>
        %parallel_loop3A_345 = arith.constant 2 : i32
        %parallel_loop3A_346 = vector.broadcast %parallel_loop3A_345 : i32 to vector<16xi32>
        %parallel_loop3A_347 = arith.addi %parallel_loop3A_304, %parallel_loop3A_346 : vector<16xi32>
        scf.yield %parallel_loop3A_323, %parallel_loop3A_324, %parallel_loop3A_343, %parallel_loop3A_344, %parallel_loop3A_347 : vector<16xf32>, vector<16xf32>, vector<16xf32>, vector<16xf32>, vector<16xi32>
      } {sc.loop_unroll_factor = 2 : i64, sc.parallel_access}
      %add3A_293 = arith.addf %parallel_loop3A_292#0, %parallel_loop3A_292#1 : vector<16xf32>
      %add3A_294 = arith.addf %parallel_loop3A_292#2, %parallel_loop3A_292#3 : vector<16xf32>
      %add3A_295 = arith.addf %add3A_293, %add3A_294 : vector<16xf32>
      %add3A_296 = arith.constant 9920 : i32
      %add3A_297 = arith.addi %add3A_296, %add3A_287 : i32
      %swap3A = arith.index_cast %add3A_297 : i32 to index
      %swap3A_298 = tpu.vector_load %arg11[%swap3A] {strides = array<i32>} : memref<10000xf32, #tpu.memory_space<vmem>>, vector<16xf32>,
      tpu.vector_store %arg11[%swap3A], %add3A_295 {strides = array<i32>} : memref<10000xf32, #tpu.memory_space<vmem>>, vector<16xf32>,
    }
    %scan3A_282 = arith.constant 5 : i32
    "tpu.region"() ({
      %run_scoped3A = tpu.sem_alloc : memref<!tpu.dma_semaphore, #tpu.memory_space<semaphore_mem>>
      %dma_start3A_283 = tpu.memref_slice %arg6[%mul3A_2] : memref<320000xf32, #tpu.memory_space<hbm>> -> memref<10000xf32, #tpu.memory_space<hbm>>
      %dma_start3A_284 = tpu.memref_slice %arg6[%mul3A_2] : memref<320000xf32, #tpu.memory_space<hbm>> -> memref<10000xf32, #tpu.memory_space<hbm>>
      tpu.enqueue_dma source(%arg11 : memref<10000xf32, #tpu.memory_space<vmem>>) target(%dma_start3A_284 : memref<10000xf32, #tpu.memory_space<hbm>>) target_semaphore(%run_scoped3A : memref<!tpu.dma_semaphore, #tpu.memory_space<semaphore_mem>>)
      %dma_wait3A_285 = tpu.memref_slice %arg6[%mul3A_2] : memref<320000xf32, #tpu.memory_space<hbm>> -> memref<10000xf32, #tpu.memory_space<hbm>>
      %dma_wait3A_286 = tpu.memref_slice %arg6[%mul3A_2] : memref<320000xf32, #tpu.memory_space<hbm>> -> memref<10000xf32, #tpu.memory_space<hbm>>
      tpu.wait_dma2 semaphore(%run_scoped3A : memref<!tpu.dma_semaphore, #tpu.memory_space<semaphore_mem>>) src(%arg11 : memref<10000xf32, #tpu.memory_space<vmem>>) dst(%dma_wait3A_286 : memref<10000xf32, #tpu.memory_space<hbm>>)
      tpu.yield
    }) : () -> ()
    return
  }
}

</mosaic_0001>

<sc_bundles>
// kernel: kernel.3.cloned.1.call-start
scs
__scs_entry_jumppad:
0x0: {  	(pc) =	sbr.rel $0x88, $3  }
0x1: {  	(tag) =	ssettag $0x0;
	lr =	simm.s32 $0x1  }
0x2: {  	[smem:$0x3F9E] =	sst lr;
	_ =	strace $0xD0000000  }
0x3: {  	_ = 	snop  }
0x4: {  	_ = 	snop  }
0x5: {  	_ = 	snop  }
0x6: {  	_ = 	snop  }
0x7: {  	_ = 	snop  }
__scs_overlays_trampoline_lowered:
0x8: {  	[smem:$0x3FAD] =	sst s0  }
0x9: {  	[smem:$0x3FAE] =	sst s1  }
0xa: {  	[smem:$0x3FAF] =	sst s2  }
0xb: {  	[smem:$0x3FB0] =	sst s3  }
0xc: {  	[smem:$0x3FB1] =	sst s4  }
0xd: {  	[smem:$0x3FB2] =	sst s5  }
0xe: {  	[smem:$0x3FB3] =	sst s6  }
0xf: {  	[smem:$0x3FB4] =	sst s7  }
0x10: {  	[smem:$0x3FB5] =	sst s8  }
0x11: {  	[smem:$0x3FB6] =	sst s9;
	s0 =	simm.s32 @!p0 $0x0  }
0x12: {  	s1 =	sld [smem:$0x3F9C];
	s0 =	simm.s32 @p0 $0x1  }
0x13: {  	[smem:$0x3FB7] =	sst s0;
	s0 =	simm.s32 @!p1 $0x0  }
0x14: {  	s2 =	sld [smem:$0x3F9B];
	s0 =	simm.s32 @p1 $0x1  }
0x15: {  	[smem:$0x3FB8] =	sst s0;
	s0 =	simm.s32 @!p2 $0x0  }
0x16: {  	s3 =	sld [smem:$0x3FDB];
	s0 =	simm.s32 @p2 $0x1  }
0x17: {  	s4 =	simm.s32 $0x1BF5;
	[smem:$0x3FBA] =	sst s0  }
0x18: {  	s0 =	sld [smem:$0x3F9D];
	_ =	swait.ge [sflag:s4], $0x0  }
0x19: {  	s7 =	sld [smem:$0x3F9E]  }
0x1a: {  	s8 =	sadd.s32 $0xFFFFE003, lr  }
0x1b: {  	s9 =	sadd.s32 $0xFFFFFEF7, lr;
	s5 =	simm.s32 $0xFFFFFFFF;
	p2 =	slt.u32 s8, $0xFFFFF086  }
0x1c: {  	p1 =	slt.u32 s9, $0xF7A;
	s5 =	simm.s32 @!p2 $0x0  }
0x1d: {  	s5 =	simm.s32 @p1 $0x1;
	p0 =	seq.s32 s7, s2  }
0x1e: {  	s7 =	smul.u32 @!p0 $0xF7A, s2;
	p2 =	seq.s32 @!p0 s5, $0x0  }
0x1f: {  	s9 =	smul.u32 $0xF7A, s1;
	s8 =	simm.s32 @!p0 $0x1BF5;
	p2 =	por !p2, p0  }
0x20: {  	[sflag:s8] =	ssyncset.s32 @!p0 $0xFFFFF086;
	s6 =	sadd.s32 @!p0 s3, s7;
	s7 =	simm.s32 @!p0 $0x108  }
0x21: {  	s3 =	sadd.s32 s3, s9;
	s6 =	sadd.s32 @!p0 $0x88, s6;
	s7 =	simm.s32 @p2 $0x1082  }
0x22: {  	[simem:s7], [sflag:s8] =	dma.local @!p0 [hbm:s6], $0xF7A  }
0x23: {  	s9 =	sor.u32 $0xD0000000, s2;
	s6 =	simm.s32 $0x108;
	_ =	swait.ge @!p0 [sflag:s8], $0x0  }
0x24: {  	s3 =	sadd.s32 $0x88, s3;
	s6 =	simm.s32 @!p1 $0x1082;
	[sflag:s4] =	ssyncset.s32 $0xFFFFF086  }
0x25: {  	[simem:s6], [sflag:s4] =	dma.local [hbm:s3], $0xF7A  }
0x26: {  	[smem:$0x3F9E] =	sst s1;
	(tag) =	ssettag s2;
	_ =	strace s9  }
0x27: {  	s1 =	sld [smem:$0x3FAE]  }
0x28: {  	s2 =	sld [smem:$0x3FAF]  }
0x29: {  	s4 =	sld [smem:$0x3FB1]  }
0x2a: {  	p0 =	seq.s32 s5, $0x0;
	s5 =	sld [smem:$0x3FB2]  }
0x2b: {  	s6 =	sld [smem:$0x3FB3]  }
0x2c: {  	s7 =	sld [smem:$0x3FB4]  }
0x2d: {  	s3 =	simm.s32 $0x108;
	s8 =	sld [smem:$0x3FB5]  }
0x2e: {  	s3 =	simm.s32 @!p0 $0x1082;
	s9 =	sld [smem:$0x3FB6]  }
0x2f: {  	lr =	sadd.s32 s0, s3;
	s0 =	sld [smem:$0x3FAD]  }
0x30: {  	s3 =	sld [smem:$0x3FB0]  }
0x31: {  	[smem:$0x3FB9] =	sst s10  }
0x32: {  	s10 =	sld [smem:$0x3FB7];
	_ =	sdelay $0x3  }
0x33: {  	p0 =	seq.s32 s10, $0x1;
	s10 =	sld [smem:$0x3FB9];
	_ =	sdelay $0x3  }
0x34: {  	[smem:$0x3FB9] =	sst s10  }
0x35: {  	s10 =	sld [smem:$0x3FB8];
	_ =	sdelay $0x3  }
0x36: {  	p1 =	seq.s32 s10, $0x1;
	s10 =	sld [smem:$0x3FB9];
	_ =	sdelay $0x3  }
0x37: {  	[smem:$0x3FB9] =	sst s10  }
0x38: {  	s10 =	sld [smem:$0x3FBA]  }
0x39: {  	_ = 	snop;
	(pc) =	sbr.ind lr, $3  }
0x3a: {  	_ = 	snop  }
0x3b: {  	_ = 	snop  }
0x3c: {  	p2 =	seq.s32 s10, $0x1;
	s10 =	sld [smem:$0x3FB9]  }
0x3d: {  	_ =	shalt  }
0x3e: {  	_ =	shalt  }
0x3f: {  	_ =	shalt  }
0x40: {  	_ =	shalt  }
0x41: {  	_ =	shalt  }
0x42: {  	_ =	shalt  }
0x43: {  	_ =	shalt  }
0x44: {  	_ =	shalt  }
0x45: {  	_ =	shalt  }
0x46: {  	_ =	shalt  }
0x47: {  	_ =	shalt  }
0x48: {  	_ =	shalt  }
0x49: {  	_ =	shalt  }
0x4a: {  	_ =	shalt  }
0x4b: {  	_ =	shalt  }
0x4c: {  	_ =	shalt  }
0x4d: {  	_ =	shalt  }
0x4e: {  	_ =	shalt  }
0x4f: {  	_ =	shalt  }
0x50: {  	_ =	shalt  }
0x51: {  	_ =	shalt  }
0x52: {  	_ =	shalt  }
0x53: {  	_ =	shalt  }
0x54: {  	_ =	shalt  }
0x55: {  	_ =	shalt  }
0x56: {  	_ =	shalt  }
0x57: {  	_ =	shalt  }
0x58: {  	_ =	shalt  }
0x59: {  	_ =	shalt  }
0x5a: {  	_ =	shalt  }
0x5b: {  	_ =	shalt  }
0x5c: {  	_ =	shalt  }
0x5d: {  	_ =	shalt  }
0x5e: {  	_ =	shalt  }
0x5f: {  	_ =	shalt  }
0x60: {  	_ =	shalt  }
0x61: {  	_ =	shalt  }
0x62: {  	_ =	shalt  }
0x63: {  	_ =	shalt  }
0x64: {  	_ =	shalt  }
0x65: {  	_ =	shalt  }
0x66: {  	_ =	shalt  }
0x67: {  	_ =	shalt  }
0x68: {  	_ =	shalt  }
0x69: {  	_ =	shalt  }
0x6a: {  	_ =	shalt  }
0x6b: {  	_ =	shalt  }
0x6c: {  	_ =	shalt  }
0x6d: {  	_ =	shalt  }
0x6e: {  	_ =	shalt  }
0x6f: {  	_ =	shalt  }
0x70: {  	_ =	shalt  }
0x71: {  	_ =	shalt  }
0x72: {  	_ =	shalt  }
0x73: {  	_ =	shalt  }
0x74: {  	_ =	shalt  }
0x75: {  	_ =	shalt  }
0x76: {  	_ =	shalt  }
0x77: {  	_ =	shalt  }
0x78: {  	_ =	shalt  }
0x79: {  	_ =	shalt  }
0x7a: {  	_ =	shalt  }
0x7b: {  	_ =	shalt  }
0x7c: {  	_ =	shalt  }
0x7d: {  	_ =	shalt  }
0x7e: {  	_ =	shalt  }
0x7f: {  	_ =	shalt  }
0x80: {  	_ =	shalt  }
0x81: {  	_ =	shalt  }
0x82: {  	_ =	shalt  }
0x83: {  	_ =	shalt  }
0x84: {  	_ =	shalt  }
0x85: {  	_ =	shalt  }
0x86: {  	_ =	shalt  }
0x87: {  	_ =	shalt  }
.Lfunc_end0:
.L_simem_size_0:
called_computation_lowered:
.L_overlay_start_0:
0x88: {  	s2 =	sld [smem:$0x3FD9]  }
0x89: {  	s3 =	sld [smem:$0x3FFE];
	_ =	sdelay $0x1  }
0x8a: {  	s1 =	srdreg.scid  }
0x8b: {  	s0 =	sand.u32 $0x1, s1  }
0x8c: {  	s17 =	sshll.u32 s0, $0xA;
	s2 =	sadd.s32 s3, s2  }
0x8d: {  	s2 =	sadd.s32 s2, s17  }
0x8e: {  	[smem:$0x3FC5] =	sst s2  }
0x8f: {  	_ = 	snop  }
0x90: {  	s2 =	sld [smem:$0x3FD0];
	(tm) =	ssettm $0x1  }
0x91: {  	s18 =	sld [smem:$0x3FFB];
	_ =	sdelay $0x3  }
0x92: {  	_ =	strace s18  }
0x93: {  	s3 =	sld [smem:$0x3FFC];
	_ =	sdelay $0x3  }
0x94: {  	_ =	strace s3  }
0x95: {  	s3 =	sld [smem:$0x3FFD];
	_ =	sdelay $0x3  }
0x96: {  	_ =	strace s3  }
0x97: {  	_ =	strace $0x8FFFFFFF  }
0x98: {  	s19 =	sld [smem:$0x3FDB];
	_ =	sdelay $0x1  }
0x99: {  	s4 =	simm.s32 $_scs_section_size  }
0x9a: {  	s5 =	simm.s32 $_size__tile_overlayer_lowered;
	s6 =	simm.s32 $_tile_overlayer_lowered  }
0x9b: {  	s22 =	simm.s32 $0x1BFF;
	s21 =	sshll.u32 s6, $0x1;
	s3 =	sadd.s32 s4, s19  }
0x9c: {  	s7 =	simm.s32 $0x0;
	s20 =	sshll.u32 s5, $0x1;
	s5 =	sadd.s32 s21, s3  }
0x9d: {  	[timem:s7], [sflag:s22] =	dma.local [hbm:s5], s20  }
0x9e: {  	_ =	swait.ge [sflag:s22], s20  }
0x9f: {  	s4 =	ssub.s32 $0x0, s20;
	[sflag:s22] =	ssyncset.done $0x0  }
0xa0: {  	[sflag:s22] =	ssyncadd.s32 s4;
	_ =	sdelay $0x1  }
0xa1: {  	s23 =	simm.s32 $0x1B8B  }
0xa2: {  	_ =	swait.ge [sflag:s23], $0x1  }
0xa3: {  	[sflag:s23] =	ssyncset.done $0x0  }
0xa4: {  	s25 =	simm.s32 $0x1B8E;
	s24 =	sld [smem:$0x3FFE];
	[sflag:s23] =	ssyncadd.s32 $0xFFFFFFFF  }
0xa5: {  	s26 =	simm.s32 $execute0_lowered;
	[smem:$0x3FD2] =	sst s25  }
0xa6: {  	s5 =	sshll.u32 s26, $0x1;
	_ =	strace $0x80000046;
	[dreg:$0x1] =	wrdreg $0xFFFFFFFF  }
0xa7: {  	s28 =	simm.s32 $_size_execute0_lowered;
	s3 =	sadd.s32 s3, s5;
	[dreg:$0x0] =	wrdreg $0x0  }
0xa8: {  	s5 =	sshll.u32 s28, $0x1;
	[dreg:$0x2] =	wrdreg s3  }
0xa9: {  	[dreg:$0x3] =	wrdreg s5  }
0xaa: {  	[dreg:$0x4] =	wrdreg $0xC0  }
0xab: {  	_ =	task [dreg:s7], $0x5FFFF  }
0xac: {  	[dreg:$0x1] =	wrdreg $0xFFFFFFFF  }
0xad: {  	[dreg:$0x0] =	wrdreg $0x60  }
0xae: {  	[dreg:$0x2] =	wrdreg s24  }
0xaf: {  	[dreg:$0x3] =	wrdreg s2  }
0xb0: {  	[dreg:$0x4] =	wrdreg $0x9  }
0xb1: {  	_ =	task.clear_ibuf [dreg:s7], $0x5FFFF;
	_ =	strace $0x90000046  }
0xb2: {  	s29 =	simm.s32 $0x9;
	_ =	strace $0x80000048  }
0xb3: {  	_ =	swait.ge [sflag:s29], $0x1  }
0xb4: {  	[sflag:s29] =	ssyncadd.s32 $0xFFFFFFFF  }
0xb5: {  	_ =	strace $0x90000048  }
0xb6: {  	_ =	sfence  }
0xb7: {  	s30 =	sld [smem:$0x0];
	_ =	sdelay $0x2  }
0xb8: {  	s31 =	sshll.u32 s1, $0xD;
	s1 =	sshrl.u32 s1, $0x2  }
0xb9: {  	s3 =	sand.u32 $0x4000, s31;
	s1 =	sadd.s32 s1, s30  }
0xba: {  	s0 =	sor.u32 s3, s0;
	s1 =	sshll.u32 s1, $0x11  }
0xbb: {  	s0 =	sor.u32 s1, s0  }
0xbc: {  	s0 =	sadd.s32 $0x8F2B, s0  }
0xbd: {  	[sflag:s0] =	ssyncadd.remote.s32 $0x1  }
0xbe: {  	_ =	sfence.sel $0xFFFF  }
0xbf: {  	[dreg:$0x0] =	wrdreg $0xFFFFFFFF;
	(pc) =	sbr.abs _section_cstart, $3  }
0xc0: {  	[dreg:$0x1] =	wrdreg $0xFFFFFFFF  }
0xc1: {  	_ =	task.clear_ibuf [dreg:s7], $0x2FFFF;
	_ =	strace $0x9FFFFFFF  }
0xc2: {  	(tm) =	ssettm $0x7FFFFFFF  }
0xc3: {  	_ =	shalt  }
tec
execute0_lowered:
.L_overlay_start_1:
0x0: {  	(tag) =	ssettag $0x1  }
0x1: {  	s0 =	srdreg.scid  }
0x2: {  	s1 =	stileid.u32;
	s2 =	rddreg [dreg:$0x0]  }
0x3: {  	s5 =	rddreg [dreg:$0x1];
	s3 =	simm.s32 $0x0;
	s9 =	simm.s32 $0x6  }
0x4: {  	s11 =	simm.s32 $0x50;
	s12 =	simm.s32 $0x4E20;
	s13 =	simm.s32 $0xB220  }
0x5: {  	s14 =	simm.s32 $0x6220;
	s16 =	simm.s32 $0xC620;
	s18 =	simm.s32 $0x7620  }
0x6: {  	s20 =	simm.s32 $0xDA20;
	s22 =	simm.s32 $0x8A20;
	s24 =	simm.s32 $0xEE20  }
0x7: {  	s25 =	simm.s32 $0x9E20;
	s28 =	simm.s32 $0x1;
	s29 =	simm.s32 $0x2  }
0x8: {  	s30 =	simm.s32 $0x3;
	s0 =	sand.u32 $0x1, s0;
	s1 =	sshll.u32 s1, $0x1  }
0x9: {  	s31 =	simm.s32 $0x4;
	s19 =	simm.s32 $0x0;
	s1 =	sor.u32 s0, s1  }
0xa: {  	[smem:$0x7FF] =	sst s3;
	s0 =	ssub.s32 $0x2, s0;
	s1 =	smul.u32 $0x4E2, s1  }
0xb: {  	s4 =	sadd.s32 $0x13A00, s2;
	_ =	strace $0x80000047;
	s7 =	sshrl.u32 s0, $0x1  }
0xc: {  	s0 =	ssub.s32 s0, s7;
	s6 =	sadd.s32 s1, s2;
	s7 =	sadd.s32 s5, s1  }
0xd: {  	v0 =	vlaneseq.u32;
	s8 =	smax.u32 s0, $0x1;
	s1 =	simm.s32 $0x5;
	s26 =	sadd.s32 $0x31200, s6  }
0xe: {  	v0 =	vmul.u32 $0x40, v0;
	s6 =	sadd.s32 $0x27400, s6;
	[dreg:$0x3] =	wrdreg s26;
	s26 =	simm.s32 $0x10220  }
.LBB2_1:
0xf: {  	s0 =	rddreg [dreg:$0x3]  }
0x10: {  	[tilespmem:s3], [sflag:$0x6] =	stream.linear.gather [hbm4b:s0+s3], $0x2710, $0x38;
	[tilespmem:$0x13D30] =	vst v63  }
0x11: {  	_ =	swait.ge [sflag:s9], $0x2710  }
0x12: {  	[sflag:s9] =	ssyncset.done $0x0  }
0x13: {  	s5 =	simm.s32 $0x2710;
	[sflag:s9] =	ssyncadd.s32 $0xFFFFD8F0  }
0x14: {  	[tilespmem:s5], [sflag:$0x6] =	stream.linear.gather [hbm4b:s6+s3], $0x2710, $0x38;
	[tilespmem:$0x13D30] =	vst v63  }
0x15: {  	_ =	swait.ge [sflag:s9], $0x2710  }
0x16: {  	[sflag:s9] =	ssyncset.done $0x0  }
0x17: {  	[sflag:s9] =	ssyncadd.s32 $0xFFFFD8F0  }
0x18: {  	[tilespmem:s12], [sflag:$0x1] =	stream.indirect.gather [hbm4b:s2+s11], $0x40, s3, s11, $0xb8;
	[tilespmem:$0x13D30] =	vst v63  }
0x19: {  	_ = 	snop  }
0x1a: {  	[tilespmem:s13], [sflag:$0x1] =	stream.indirect.gather [hbm4b:s4+s11], $0x40, s5, s11, $0xb8;
	[tilespmem:$0x13D30] =	vst v63  }
0x1b: {  	_ = 	snop  }
0x1c: {  	[tilespmem:s14], [sflag:$0x2] =	stream.indirect.gather [hbm4b:s2+s11], $0x40, s11, s11, $0xb8;
	[tilespmem:$0x13D30] =	vst v63  }
0x1d: {  	s10 =	simm.s32 $0x2760  }
0x1e: {  	[tilespmem:s16], [sflag:$0x2] =	stream.indirect.gather [hbm4b:s4+s11], $0x40, s10, s11, $0xb8;
	[tilespmem:$0x13D30] =	vst v63  }
0x1f: {  	s15 =	simm.s32 $0xA0  }
0x20: {  	[tilespmem:s18], [sflag:$0x3] =	stream.indirect.gather [hbm4b:s2+s11], $0x40, s15, s11, $0xb8;
	[tilespmem:$0x13D30] =	vst v63  }
0x21: {  	s17 =	simm.s32 $0x27B0  }
0x22: {  	[tilespmem:s20], [sflag:$0x3] =	stream.indirect.gather [hbm4b:s4+s11], $0x40, s17, s11, $0xb8;
	[tilespmem:$0x13D30] =	vst v63  }
0x23: {  	s21 =	simm.s32 $0xF0  }
0x24: {  	[tilespmem:s22], [sflag:$0x4] =	stream.indirect.gather [hbm4b:s2+s11], $0x40, s21, s11, $0xb8;
	[tilespmem:$0x13D30] =	vst v63  }
0x25: {  	s23 =	simm.s32 $0x2800;
	s21 =	simm.s32 $0x0  }
0x26: {  	[tilespmem:s24], [sflag:$0x4] =	stream.indirect.gather [hbm4b:s4+s11], $0x40, s23, s11, $0xb8;
	[tilespmem:$0x13D30] =	vst v63  }
.LBB2_2:
0x27: {  	s0 =	smul.u32 $0x190, s21;
	_ =	sdelay $0x1  }
0x28: {  	s23 =	sadd.s32 $0x140, s0  }
0x29: {  	[tilespmem:s25], [sflag:$0x5] =	stream.indirect.gather [hbm4b:s2+s11], $0x40, s23, s11, $0xb8;
	[tilespmem:$0x13D30] =	vst v63  }
0x2a: {  	s5 =	sadd.s32 $0x2850, s0  }
0x2b: {  	[tilespmem:s26], [sflag:$0x5] =	stream.indirect.gather [hbm4b:s4+s11], $0x40, s5, s11, $0xb8;
	[tilespmem:$0x13D30] =	vst v63  }
0x2c: {  	_ =	swait.ge [sflag:s28], $0x1400  }
0x2d: {  	s17 =	smul.u32 $0x640, s21;
	[sflag:s28] =	ssyncset.done $0x0  }
0x2e: {  	[sflag:s28] =	ssyncadd.s32 $0xFFFFEC00  }
0x2f: {  	s15 =	sshra.s32 s17, $0x2;
	_ =	swait.ge [sflag:s28], $0x1400  }
0x30: {  	s5 =	sadd.s32 $0x11620, s15;
	[sflag:s28] =	ssyncset.done $0x0  }
0x31: {  	s17 =	simm.s32 $0x0;
	v1 =	vmov s5;
	[sflag:s28] =	ssyncadd.s32 $0xFFFFEC00  }
.LBB2_3:
0x32: {  	s10 =	sshll.u32 s17, $0x4  }
0x33: {  	v2 =	vmov s10  }
0x34: {  	v3 =	vimm.s32 $0x0;
	v2 =	vshll.u32 v2, $0x6  }
0x35: {  	v4 =	vand.u32 $0xFFFFFFF8, v3;
	v2 =	vor.u32 v0, v2  }
0x36: {  	v5 =	vand.u32 $0x4, v3;
	v4 =	vadd.s32 v2, v4  }
0x37: {  	v5 =	vor.u32 v5, v4;
	_ =	sdelay $0x1  }
0x38: {  	v6 =	vor.u32 $0x3, v5;
	_ =	sdelay $0x1  }
0x39: {  	v11 =	vor.u32 $0x2, v5  }
0x3a: {  	v7 =	vor.u32 $0x1, v5;
	v9 =	vld.idx.msk [tilespmem:v5+s12+$0x0], $0xffff  }
0x3b: {  	v4 =	vadd.s32 $0x4, v3;
	v5 =	vld.idx.msk [tilespmem:v5+s13+$0x0], $0xffff  }
0x3c: {  	v3 =	vand.u32 $0xFFFFFFF8, v4;
	v12 =	vld.idx.msk [tilespmem:v6+s13+$0x0], $0xffff  }
0x3d: {  	v8 =	vand.u32 $0x4, v4;
	v3 =	vadd.s32 v2, v3;
	v13 =	vld.idx.msk [tilespmem:v6+s12+$0x0], $0xffff  }
0x3e: {  	v8 =	vor.u32 v8, v3;
	v15 =	vld.idx.msk [tilespmem:v11+s13+$0x0], $0xffff  }
0x3f: {  	v3 =	vor.u32 $0x2, v8;
	v10 =	vld.idx.msk [tilespmem:v7+s13+$0x0], $0xffff  }
0x40: {  	v16 =	vld.idx.msk [tilespmem:v7+s12+$0x0], $0xffff;
	v5 =	vmul.bf16 v5, v9;
	v9 =	vor.u32 $0x3, v8  }
0x41: {  	v17 =	vld.idx.msk [tilespmem:v11+s12+$0x0], $0xffff  }
0x42: {  	v19 =	vimm.f32 $0.0e+00;
	v7 =	vor.u32 $0x1, v8  }
0x43: {  	v14 =	vimm.f32 $0.0e+00;
	v6 =	vld.idx.msk [tilespmem:v8+s12+$0x0], $0xffff;
	v18 =	vmul.bf16 v12, v13;
	v12 =	vimm.f32 $0.0e+00  }
0x44: {  	s5 =	simm.s32 $0x4;
	v13 =	vimm.f32 $0.0e+00;
	v20 =	vunpack.i.u.bf16.f32 v5;
	v11 =	vunpack.i.l.bf16.f32 v5;
	v5 =	vld.idx.msk [tilespmem:v3+s13+$0x0], $0xffff  }
.LBB2_4:
0x45: {  	s5 =	sadd.s32 $0x4, s5;
	v21 =	vld.idx.msk [tilespmem:v9+s13+$0x0], $0xffff;
	v4 =	vadd.s32 $0x4, v4;
	v16 =	vmul.bf16 v10, v16  }
0x46: {  	v19 =	vadd.f32 v20, v19;
	v15 =	vmul.bf16 v15, v17;
	v10 =	vand.u32 $0xFFFFFFF8, v4;
	p0 =	slt.u32 s5, $0x3C;
	v22 =	vld.idx.msk [tilespmem:v8+s13+$0x0], $0xffff  }
0x47: {  	v8 =	vand.u32 $0x4, v4;
	v17 =	vadd.s32 v2, v10;
	v10 =	vld.idx.msk [tilespmem:v7+s13+$0x0], $0xffff;
	v20 =	vunpack.i.l.bf16.f32 v16  }
0x48: {  	v25 =	vunpack.i.l.bf16.f32 v18;
	v24 =	vunpack.i.u.bf16.f32 v16;
	v8 =	vor.u32 v8, v17;
	v23 =	vld.idx.msk [tilespmem:v9+s12+$0x0], $0xffff  }
0x49: {  	v18 =	vunpack.i.u.bf16.f32 v18;
	v26 =	vor.u32 $0x2, v8;
	v16 =	vld.idx.msk [tilespmem:v7+s12+$0x0], $0xffff;
	v7 =	vor.u32 $0x1, v8  }
.Ltmp0:
0x4a: {  	v14 =	vadd.f32 v20, v14;
	v12 =	vadd.f32 v24, v12;
	v9 =	vor.u32 $0x3, v8;
	v17 =	vld.idx.msk [tilespmem:v3+s12+$0x0], $0xffff;
	v3 =	vmovc v26;
	(pc) =	sbr.rel @p0 .LBB2_4-.Ltmp0, $4  }
0x4b: {  	v11 =	vadd.f32 v11, v13;
	v13 =	vunpack.i.l.bf16.f32 v15;
	v20 =	vunpack.i.u.bf16.f32 v15;
	v15 =	vmovc v5  }
0x4c: {  	v14 =	vadd.f32 v25, v14;
	v12 =	vadd.f32 v18, v12;
	v22 =	vmul.bf16 v22, v6  }
0x4d: {  	v13 =	vadd.f32 v13, v11;
	v19 =	vadd.f32 v20, v19;
	v6 =	vld.idx.msk [tilespmem:v8+s12+$0x0], $0xffff  }
0x4e: {  	v20 =	vunpack.i.u.bf16.f32 v22;
	v11 =	vunpack.i.l.bf16.f32 v22;
	v18 =	vmul.bf16 v21, v23;
	v5 =	vld.idx.msk [tilespmem:v26+s13+$0x0], $0xffff  }
0x4f: {  	_ =	sdelay $0x3  }
0x50: {  	v2 =	vld.idx.msk [tilespmem:v9+s13+$0x0], $0xffff  }
0x51: {  	v8 =	vld.idx.msk [tilespmem:v8+s13+$0x0], $0xffff  }
0x52: {  	v48 =	vld.idx.msk [tilespmem:v7+s13+$0x0], $0xffff  }
0x53: {  	v4 =	vmul.bf16 v10, v16;
	v51 =	vld.idx.msk [tilespmem:v7+s12+$0x0], $0xffff  }
0x54: {  	v49 =	vadd.f32 v20, v19;
	v15 =	vmul.bf16 v15, v17;
	v52 =	vld.idx.msk [tilespmem:v9+s12+$0x0], $0xffff;
	v11 =	vadd.f32 v11, v13  }
0x55: {  	v3 =	vld.idx.msk [tilespmem:v3+s12+$0x0], $0xffff;
	v53 =	vunpack.i.l.bf16.f32 v18;
	v54 =	vunpack.i.u.bf16.f32 v18;
	v50 =	vunpack.i.l.bf16.f32 v4  }
0x56: {  	v4 =	vunpack.i.u.bf16.f32 v4;
	v55 =	vunpack.i.u.bf16.f32 v15;
	v14 =	vadd.f32 v50, v14  }
0x57: {  	v57 =	vunpack.i.l.bf16.f32 v15;
	v4 =	vadd.f32 v4, v12;
	v12 =	vadd.f32 v55, v49  }
0x58: {  	v11 =	vadd.f32 v57, v11;
	v6 =	vmul.bf16 v8, v6;
	v56 =	vadd.f32 v53, v14  }
0x59: {  	v4 =	vadd.f32 v54, v4;
	v7 =	vmul.bf16 v48, v51;
	v2 =	vmul.bf16 v2, v52  }
0x5a: {  	v3 =	vmul.bf16 v5, v3;
	v58 =	vunpack.i.u.bf16.f32 v6;
	v6 =	vunpack.i.l.bf16.f32 v6  }
0x5b: {  	v60 =	vunpack.i.l.bf16.f32 v7;
	v7 =	vunpack.i.u.bf16.f32 v7;
	v61 =	vunpack.i.l.bf16.f32 v2  }
0x5c: {  	v2 =	vunpack.i.u.bf16.f32 v2;
	v5 =	vadd.f32 v60, v56;
	v4 =	vadd.f32 v7, v4  }
0x5d: {  	v62 =	vunpack.i.u.bf16.f32 v3;
	v59 =	vadd.f32 v58, v12;
	v6 =	vadd.f32 v6, v11  }
0x5e: {  	v3 =	vunpack.i.l.bf16.f32 v3;
	v5 =	vadd.f32 v61, v5;
	v2 =	vadd.f32 v2, v4  }
0x5f: {  	s17 =	sadd.s32 $0x1, s17;
	v3 =	vadd.f32 v3, v6;
	v63 =	vadd.f32 v62, v59  }
0x60: {  	p0 =	sne.s32 s17, $0x5  }
.Ltmp1:
0x61: {  	v3 =	vadd.f32 v63, v3;
	v2 =	vadd.f32 v2, v5;
	(pc) =	sbr.rel @p0 .LBB2_3-.Ltmp1, $3  }
0x62: {  	_ = 	snop  }
0x63: {  	v2 =	vadd.f32 v2, v3;
	_ =	sdelay $0x1  }
0x64: {  	[tilespmem:v1+s10+$0x0 ss:$0x1] =	vst.idx.msk $0xffff, v2  }
0x65: {  	s5 =	sadd.s32 $0x190, s0  }
0x66: {  	[tilespmem:s12], [sflag:$0x1] =	stream.indirect.gather [hbm4b:s2+s11], $0x40, s5, s11, $0xb8;
	[tilespmem:$0x13D30] =	vst v63  }
0x67: {  	s17 =	sadd.s32 $0x28A0, s0  }
0x68: {  	[tilespmem:s13], [sflag:$0x1] =	stream.indirect.gather [hbm4b:s4+s11], $0x40, s17, s11, $0xb8;
	[tilespmem:$0x13D30] =	vst v63  }
0x69: {  	_ =	swait.ge [sflag:s29], $0x1400  }
0x6a: {  	[sflag:s29] =	ssyncset.done $0x0  }
0x6b: {  	[sflag:s29] =	ssyncadd.s32 $0xFFFFEC00  }
0x6c: {  	_ =	swait.ge [sflag:s29], $0x1400  }
0x6d: {  	s10 =	sadd.s32 $0x11670, s15;
	[sflag:s29] =	ssyncset.done $0x0  }
0x6e: {  	v1 =	vmov s10;
	s17 =	simm.s32 $0x0;
	[sflag:s29] =	ssyncadd.s32 $0xFFFFEC00  }
.LBB2_7:
0x6f: {  	s10 =	sshll.u32 s17, $0x4  }
0x70: {  	v2 =	vmov s10  }
0x71: {  	v3 =	vimm.s32 $0x0;
	v2 =	vshll.u32 v2, $0x6  }
0x72: {  	v4 =	vand.u32 $0xFFFFFFF8, v3;
	v2 =	vor.u32 v0, v2  }
0x73: {  	v5 =	vand.u32 $0x4, v3;
	v4 =	vadd.s32 v2, v4  }
0x74: {  	v5 =	vor.u32 v5, v4;
	_ =	sdelay $0x1  }
0x75: {  	v6 =	vor.u32 $0x3, v5;
	_ =	sdelay $0x1  }
0x76: {  	v11 =	vor.u32 $0x2, v5  }
0x77: {  	v7 =	vor.u32 $0x1, v5;
	v9 =	vld.idx.msk [tilespmem:v5+s14+$0x0], $0xffff  }
0x78: {  	v4 =	vadd.s32 $0x4, v3;
	v5 =	vld.idx.msk [tilespmem:v5+s16+$0x0], $0xffff  }
0x79: {  	v3 =	vand.u32 $0xFFFFFFF8, v4;
	v12 =	vld.idx.msk [tilespmem:v6+s16+$0x0], $0xffff  }
0x7a: {  	v8 =	vand.u32 $0x4, v4;
	v3 =	vadd.s32 v2, v3;
	v13 =	vld.idx.msk [tilespmem:v6+s14+$0x0], $0xffff  }
0x7b: {  	v8 =	vor.u32 v8, v3;
	v15 =	vld.idx.msk [tilespmem:v11+s16+$0x0], $0xffff  }
0x7c: {  	v3 =	vor.u32 $0x2, v8;
	v10 =	vld.idx.msk [tilespmem:v7+s16+$0x0], $0xffff  }
0x7d: {  	v16 =	vld.idx.msk [tilespmem:v7+s14+$0x0], $0xffff;
	v5 =	vmul.bf16 v5, v9;
	v9 =	vor.u32 $0x3, v8  }
0x7e: {  	v17 =	vld.idx.msk [tilespmem:v11+s14+$0x0], $0xffff  }
0x7f: {  	v19 =	vimm.f32 $0.0e+00;
	v7 =	vor.u32 $0x1, v8  }
0x80: {  	v14 =	vimm.f32 $0.0e+00;
	v6 =	vld.idx.msk [tilespmem:v8+s14+$0x0], $0xffff;
	v18 =	vmul.bf16 v12, v13;
	v12 =	vimm.f32 $0.0e+00  }
0x81: {  	s5 =	simm.s32 $0x4;
	v13 =	vimm.f32 $0.0e+00;
	v20 =	vunpack.i.u.bf16.f32 v5;
	v11 =	vunpack.i.l.bf16.f32 v5;
	v5 =	vld.idx.msk [tilespmem:v3+s16+$0x0], $0xffff  }
.LBB2_8:
0x82: {  	s5 =	sadd.s32 $0x4, s5;
	v21 =	vld.idx.msk [tilespmem:v9+s16+$0x0], $0xffff;
	v4 =	vadd.s32 $0x4, v4;
	v16 =	vmul.bf16 v10, v16  }
0x83: {  	v19 =	vadd.f32 v20, v19;
	v15 =	vmul.bf16 v15, v17;
	v10 =	vand.u32 $0xFFFFFFF8, v4;
	p0 =	slt.u32 s5, $0x3C;
	v22 =	vld.idx.msk [tilespmem:v8+s16+$0x0], $0xffff  }
0x84: {  	v8 =	vand.u32 $0x4, v4;
	v17 =	vadd.s32 v2, v10;
	v10 =	vld.idx.msk [tilespmem:v7+s16+$0x0], $0xffff;
	v20 =	vunpack.i.l.bf16.f32 v16  }
0x85: {  	v25 =	vunpack.i.l.bf16.f32 v18;
	v24 =	vunpack.i.u.bf16.f32 v16;
	v8 =	vor.u32 v8, v17;
	v23 =	vld.idx.msk [tilespmem:v9+s14+$0x0], $0xffff  }
0x86: {  	v18 =	vunpack.i.u.bf16.f32 v18;
	v26 =	vor.u32 $0x2, v8;
	v16 =	vld.idx.msk [tilespmem:v7+s14+$0x0], $0xffff;
	v7 =	vor.u32 $0x1, v8  }
.Ltmp2:
0x87: {  	v14 =	vadd.f32 v20, v14;
	v12 =	vadd.f32 v24, v12;
	v9 =	vor.u32 $0x3, v8;
	v17 =	vld.idx.msk [tilespmem:v3+s14+$0x0], $0xffff;
	v3 =	vmovc v26;
	(pc) =	sbr.rel @p0 .LBB2_8-.Ltmp2, $4  }
0x88: {  	v11 =	vadd.f32 v11, v13;
	v13 =	vunpack.i.l.bf16.f32 v15;
	v20 =	vunpack.i.u.bf16.f32 v15;
	v15 =	vmovc v5  }
0x89: {  	v14 =	vadd.f32 v25, v14;
	v12 =	vadd.f32 v18, v12;
	v22 =	vmul.bf16 v22, v6  }
0x8a: {  	v13 =	vadd.f32 v13, v11;
	v19 =	vadd.f32 v20, v19;
	v6 =	vld.idx.msk [tilespmem:v8+s14+$0x0], $0xffff  }
0x8b: {  	v20 =	vunpack.i.u.bf16.f32 v22;
	v11 =	vunpack.i.l.bf16.f32 v22;
	v18 =	vmul.bf16 v21, v23;
	v5 =	vld.idx.msk [tilespmem:v26+s16+$0x0], $0xffff  }
0x8c: {  	_ =	sdelay $0x3  }
0x8d: {  	v2 =	vld.idx.msk [tilespmem:v9+s16+$0x0], $0xffff  }
0x8e: {  	v8 =	vld.idx.msk [tilespmem:v8+s16+$0x0], $0xffff  }
0x8f: {  	v48 =	vld.idx.msk [tilespmem:v7+s16+$0x0], $0xffff  }
0x90: {  	v4 =	vmul.bf16 v10, v16;
	v51 =	vld.idx.msk [tilespmem:v7+s14+$0x0], $0xffff  }
0x91: {  	v49 =	vadd.f32 v20, v19;
	v15 =	vmul.bf16 v15, v17;
	v52 =	vld.idx.msk [tilespmem:v9+s14+$0x0], $0xffff;
	v11 =	vadd.f32 v11, v13  }
0x92: {  	v3 =	vld.idx.msk [tilespmem:v3+s14+$0x0], $0xffff;
	v53 =	vunpack.i.l.bf16.f32 v18;
	v54 =	vunpack.i.u.bf16.f32 v18;
	v50 =	vunpack.i.l.bf16.f32 v4  }
0x93: {  	v4 =	vunpack.i.u.bf16.f32 v4;
	v55 =	vunpack.i.u.bf16.f32 v15;
	v14 =	vadd.f32 v50, v14  }
0x94: {  	v57 =	vunpack.i.l.bf16.f32 v15;
	v4 =	vadd.f32 v4, v12;
	v12 =	vadd.f32 v55, v49  }
0x95: {  	v11 =	vadd.f32 v57, v11;
	v6 =	vmul.bf16 v8, v6;
	v56 =	vadd.f32 v53, v14  }
0x96: {  	v4 =	vadd.f32 v54, v4;
	v7 =	vmul.bf16 v48, v51;
	v2 =	vmul.bf16 v2, v52  }
0x97: {  	v3 =	vmul.bf16 v5, v3;
	v58 =	vunpack.i.u.bf16.f32 v6;
	v6 =	vunpack.i.l.bf16.f32 v6  }
0x98: {  	v60 =	vunpack.i.l.bf16.f32 v7;
	v7 =	vunpack.i.u.bf16.f32 v7;
	v61 =	vunpack.i.l.bf16.f32 v2  }
0x99: {  	v2 =	vunpack.i.u.bf16.f32 v2;
	v5 =	vadd.f32 v60, v56;
	v4 =	vadd.f32 v7, v4  }
0x9a: {  	v62 =	vunpack.i.u.bf16.f32 v3;
	v59 =	vadd.f32 v58, v12;
	v6 =	vadd.f32 v6, v11  }
0x9b: {  	v3 =	vunpack.i.l.bf16.f32 v3;
	v5 =	vadd.f32 v61, v5;
	v2 =	vadd.f32 v2, v4  }
0x9c: {  	s17 =	sadd.s32 $0x1, s17;
	v3 =	vadd.f32 v3, v6;
	v63 =	vadd.f32 v62, v59  }
0x9d: {  	p0 =	sne.s32 s17, $0x5  }
.Ltmp3:
0x9e: {  	v3 =	vadd.f32 v63, v3;
	v2 =	vadd.f32 v2, v5;
	(pc) =	sbr.rel @p0 .LBB2_7-.Ltmp3, $3  }
0x9f: {  	_ = 	snop  }
0xa0: {  	v2 =	vadd.f32 v2, v3;
	_ =	sdelay $0x1  }
0xa1: {  	[tilespmem:v1+s10+$0x0 ss:$0x1] =	vst.idx.msk $0xffff, v2  }
0xa2: {  	s5 =	sadd.s32 $0x1E0, s0  }
0xa3: {  	[tilespmem:s14], [sflag:$0x2] =	stream.indirect.gather [hbm4b:s2+s11], $0x40, s5, s11, $0xb8;
	[tilespmem:$0x13D30] =	vst v63  }
0xa4: {  	s17 =	sadd.s32 $0x28F0, s0  }
0xa5: {  	[tilespmem:s16], [sflag:$0x2] =	stream.indirect.gather [hbm4b:s4+s11], $0x40, s17, s11, $0xb8;
	[tilespmem:$0x13D30] =	vst v63  }
0xa6: {  	_ =	swait.ge [sflag:s30], $0x1400  }
0xa7: {  	[sflag:s30] =	ssyncset.done $0x0  }
0xa8: {  	[sflag:s30] =	ssyncadd.s32 $0xFFFFEC00  }
0xa9: {  	_ =	swait.ge [sflag:s30], $0x1400  }
0xaa: {  	s10 =	sadd.s32 $0x116C0, s15;
	[sflag:s30] =	ssyncset.done $0x0  }
0xab: {  	v1 =	vmov s10;
	s17 =	simm.s32 $0x0;
	[sflag:s30] =	ssyncadd.s32 $0xFFFFEC00  }
.LBB2_11:
0xac: {  	s10 =	sshll.u32 s17, $0x4  }
0xad: {  	v2 =	vmov s10  }
0xae: {  	v3 =	vimm.s32 $0x0;
	v2 =	vshll.u32 v2, $0x6  }
0xaf: {  	v4 =	vand.u32 $0xFFFFFFF8, v3;
	v2 =	vor.u32 v0, v2  }
0xb0: {  	v5 =	vand.u32 $0x4, v3;
	v4 =	vadd.s32 v2, v4  }
0xb1: {  	v5 =	vor.u32 v5, v4;
	_ =	sdelay $0x1  }
0xb2: {  	v6 =	vor.u32 $0x3, v5;
	_ =	sdelay $0x1  }
0xb3: {  	v11 =	vor.u32 $0x2, v5  }
0xb4: {  	v7 =	vor.u32 $0x1, v5;
	v9 =	vld.idx.msk [tilespmem:v5+s18+$0x0], $0xffff  }
0xb5: {  	v4 =	vadd.s32 $0x4, v3;
	v5 =	vld.idx.msk [tilespmem:v5+s20+$0x0], $0xffff  }
0xb6: {  	v3 =	vand.u32 $0xFFFFFFF8, v4;
	v12 =	vld.idx.msk [tilespmem:v6+s20+$0x0], $0xffff  }
0xb7: {  	v8 =	vand.u32 $0x4, v4;
	v3 =	vadd.s32 v2, v3;
	v13 =	vld.idx.msk [tilespmem:v6+s18+$0x0], $0xffff  }
0xb8: {  	v8 =	vor.u32 v8, v3;
	v15 =	vld.idx.msk [tilespmem:v11+s20+$0x0], $0xffff  }
0xb9: {  	v3 =	vor.u32 $0x2, v8;
	v10 =	vld.idx.msk [tilespmem:v7+s20+$0x0], $0xffff  }
0xba: {  	v16 =	vld.idx.msk [tilespmem:v7+s18+$0x0], $0xffff;
	v5 =	vmul.bf16 v5, v9;
	v9 =	vor.u32 $0x3, v8  }
0xbb: {  	v17 =	vld.idx.msk [tilespmem:v11+s18+$0x0], $0xffff  }
0xbc: {  	v19 =	vimm.f32 $0.0e+00;
	v7 =	vor.u32 $0x1, v8  }
0xbd: {  	v14 =	vimm.f32 $0.0e+00;
	v6 =	vld.idx.msk [tilespmem:v8+s18+$0x0], $0xffff;
	v18 =	vmul.bf16 v12, v13;
	v12 =	vimm.f32 $0.0e+00  }
0xbe: {  	s5 =	simm.s32 $0x4;
	v13 =	vimm.f32 $0.0e+00;
	v20 =	vunpack.i.u.bf16.f32 v5;
	v11 =	vunpack.i.l.bf16.f32 v5;
	v5 =	vld.idx.msk [tilespmem:v3+s20+$0x0], $0xffff  }
.LBB2_12:
0xbf: {  	s5 =	sadd.s32 $0x4, s5;
	v21 =	vld.idx.msk [tilespmem:v9+s20+$0x0], $0xffff;
	v4 =	vadd.s32 $0x4, v4;
	v16 =	vmul.bf16 v10, v16  }
0xc0: {  	v19 =	vadd.f32 v20, v19;
	v15 =	vmul.bf16 v15, v17;
	v10 =	vand.u32 $0xFFFFFFF8, v4;
	p0 =	slt.u32 s5, $0x3C;
	v22 =	vld.idx.msk [tilespmem:v8+s20+$0x0], $0xffff  }
0xc1: {  	v8 =	vand.u32 $0x4, v4;
	v17 =	vadd.s32 v2, v10;
	v10 =	vld.idx.msk [tilespmem:v7+s20+$0x0], $0xffff;
	v20 =	vunpack.i.l.bf16.f32 v16  }
0xc2: {  	v25 =	vunpack.i.l.bf16.f32 v18;
	v24 =	vunpack.i.u.bf16.f32 v16;
	v8 =	vor.u32 v8, v17;
	v23 =	vld.idx.msk [tilespmem:v9+s18+$0x0], $0xffff  }
0xc3: {  	v18 =	vunpack.i.u.bf16.f32 v18;
	v26 =	vor.u32 $0x2, v8;
	v16 =	vld.idx.msk [tilespmem:v7+s18+$0x0], $0xffff;
	v7 =	vor.u32 $0x1, v8  }
.Ltmp4:
0xc4: {  	v14 =	vadd.f32 v20, v14;
	v12 =	vadd.f32 v24, v12;
	v9 =	vor.u32 $0x3, v8;
	v17 =	vld.idx.msk [tilespmem:v3+s18+$0x0], $0xffff;
	v3 =	vmovc v26;
	(pc) =	sbr.rel @p0 .LBB2_12-.Ltmp4, $4  }
0xc5: {  	v11 =	vadd.f32 v11, v13;
	v13 =	vunpack.i.l.bf16.f32 v15;
	v20 =	vunpack.i.u.bf16.f32 v15;
	v15 =	vmovc v5  }
0xc6: {  	v14 =	vadd.f32 v25, v14;
	v12 =	vadd.f32 v18, v12;
	v22 =	vmul.bf16 v22, v6  }
0xc7: {  	v13 =	vadd.f32 v13, v11;
	v19 =	vadd.f32 v20, v19;
	v6 =	vld.idx.msk [tilespmem:v8+s18+$0x0], $0xffff  }
0xc8: {  	v20 =	vunpack.i.u.bf16.f32 v22;
	v11 =	vunpack.i.l.bf16.f32 v22;
	v18 =	vmul.bf16 v21, v23;
	v5 =	vld.idx.msk [tilespmem:v26+s20+$0x0], $0xffff  }
0xc9: {  	_ =	sdelay $0x3  }
0xca: {  	v2 =	vld.idx.msk [tilespmem:v9+s20+$0x0], $0xffff  }
0xcb: {  	v8 =	vld.idx.msk [tilespmem:v8+s20+$0x0], $0xffff  }
0xcc: {  	v48 =	vld.idx.msk [tilespmem:v7+s20+$0x0], $0xffff  }
0xcd: {  	v4 =	vmul.bf16 v10, v16;
	v51 =	vld.idx.msk [tilespmem:v7+s18+$0x0], $0xffff  }
0xce: {  	v49 =	vadd.f32 v20, v19;
	v15 =	vmul.bf16 v15, v17;
	v52 =	vld.idx.msk [tilespmem:v9+s18+$0x0], $0xffff;
	v11 =	vadd.f32 v11, v13  }
0xcf: {  	v3 =	vld.idx.msk [tilespmem:v3+s18+$0x0], $0xffff;
	v53 =	vunpack.i.l.bf16.f32 v18;
	v54 =	vunpack.i.u.bf16.f32 v18;
	v50 =	vunpack.i.l.bf16.f32 v4  }
0xd0: {  	v4 =	vunpack.i.u.bf16.f32 v4;
	v55 =	vunpack.i.u.bf16.f32 v15;
	v14 =	vadd.f32 v50, v14  }
0xd1: {  	v57 =	vunpack.i.l.bf16.f32 v15;
	v4 =	vadd.f32 v4, v12;
	v12 =	vadd.f32 v55, v49  }
0xd2: {  	v11 =	vadd.f32 v57, v11;
	v6 =	vmul.bf16 v8, v6;
	v56 =	vadd.f32 v53, v14  }
0xd3: {  	v4 =	vadd.f32 v54, v4;
	v7 =	vmul.bf16 v48, v51;
	v2 =	vmul.bf16 v2, v52  }
0xd4: {  	v3 =	vmul.bf16 v5, v3;
	v58 =	vunpack.i.u.bf16.f32 v6;
	v6 =	vunpack.i.l.bf16.f32 v6  }
0xd5: {  	v60 =	vunpack.i.l.bf16.f32 v7;
	v7 =	vunpack.i.u.bf16.f32 v7;
	v61 =	vunpack.i.l.bf16.f32 v2  }
0xd6: {  	v2 =	vunpack.i.u.bf16.f32 v2;
	v5 =	vadd.f32 v60, v56;
	v4 =	vadd.f32 v7, v4  }
0xd7: {  	v62 =	vunpack.i.u.bf16.f32 v3;
	v59 =	vadd.f32 v58, v12;
	v6 =	vadd.f32 v6, v11  }
0xd8: {  	v3 =	vunpack.i.l.bf16.f32 v3;
	v5 =	vadd.f32 v61, v5;
	v2 =	vadd.f32 v2, v4  }
0xd9: {  	s17 =	sadd.s32 $0x1, s17;
	v3 =	vadd.f32 v3, v6;
	v63 =	vadd.f32 v62, v59  }
0xda: {  	p0 =	sne.s32 s17, $0x5  }
.Ltmp5:
0xdb: {  	v3 =	vadd.f32 v63, v3;
	v2 =	vadd.f32 v2, v5;
	(pc) =	sbr.rel @p0 .LBB2_11-.Ltmp5, $3  }
0xdc: {  	_ = 	snop  }
0xdd: {  	v2 =	vadd.f32 v2, v3;
	_ =	sdelay $0x1  }
0xde: {  	[tilespmem:v1+s10+$0x0 ss:$0x1] =	vst.idx.msk $0xffff, v2  }
0xdf: {  	s5 =	sadd.s32 $0x230, s0  }
0xe0: {  	[tilespmem:s18], [sflag:$0x3] =	stream.indirect.gather [hbm4b:s2+s11], $0x40, s5, s11, $0xb8;
	[tilespmem:$0x13D30] =	vst v63  }
0xe1: {  	s10 =	sadd.s32 $0x2940, s0  }
0xe2: {  	[tilespmem:s20], [sflag:$0x3] =	stream.indirect.gather [hbm4b:s4+s11], $0x40, s10, s11, $0xb8;
	[tilespmem:$0x13D30] =	vst v63  }
0xe3: {  	_ =	swait.ge [sflag:s31], $0x1400  }
0xe4: {  	[sflag:s31] =	ssyncset.done $0x0  }
0xe5: {  	[sflag:s31] =	ssyncadd.s32 $0xFFFFEC00  }
0xe6: {  	_ =	swait.ge [sflag:s31], $0x1400  }
0xe7: {  	s17 =	sadd.s32 $0x11710, s15;
	[sflag:s31] =	ssyncset.done $0x0  }
0xe8: {  	s15 =	simm.s32 $0x0;
	v1 =	vmov s17;
	[sflag:s31] =	ssyncadd.s32 $0xFFFFEC00  }
.LBB2_15:
0xe9: {  	s10 =	sshll.u32 s15, $0x4  }
0xea: {  	v2 =	vmov s10  }
0xeb: {  	v3 =	vimm.s32 $0x0;
	v2 =	vshll.u32 v2, $0x6  }
0xec: {  	v4 =	vand.u32 $0xFFFFFFF8, v3;
	v2 =	vor.u32 v0, v2  }
0xed: {  	v5 =	vand.u32 $0x4, v3;
	v4 =	vadd.s32 v2, v4  }
0xee: {  	v5 =	vor.u32 v5, v4;
	_ =	sdelay $0x1  }
0xef: {  	v6 =	vor.u32 $0x3, v5;
	_ =	sdelay $0x1  }
0xf0: {  	v11 =	vor.u32 $0x2, v5  }
0xf1: {  	v7 =	vor.u32 $0x1, v5;
	v9 =	vld.idx.msk [tilespmem:v5+s22+$0x0], $0xffff  }
0xf2: {  	v4 =	vadd.s32 $0x4, v3;
	v5 =	vld.idx.msk [tilespmem:v5+s24+$0x0], $0xffff  }
0xf3: {  	v3 =	vand.u32 $0xFFFFFFF8, v4;
	v12 =	vld.idx.msk [tilespmem:v6+s24+$0x0], $0xffff  }
0xf4: {  	v8 =	vand.u32 $0x4, v4;
	v3 =	vadd.s32 v2, v3;
	v13 =	vld.idx.msk [tilespmem:v6+s22+$0x0], $0xffff  }
0xf5: {  	v8 =	vor.u32 v8, v3;
	v15 =	vld.idx.msk [tilespmem:v11+s24+$0x0], $0xffff  }
0xf6: {  	v3 =	vor.u32 $0x2, v8;
	v10 =	vld.idx.msk [tilespmem:v7+s24+$0x0], $0xffff  }
0xf7: {  	v16 =	vld.idx.msk [tilespmem:v7+s22+$0x0], $0xffff;
	v5 =	vmul.bf16 v5, v9;
	v9 =	vor.u32 $0x3, v8  }
0xf8: {  	v17 =	vld.idx.msk [tilespmem:v11+s22+$0x0], $0xffff  }
0xf9: {  	v19 =	vimm.f32 $0.0e+00;
	v7 =	vor.u32 $0x1, v8  }
0xfa: {  	v14 =	vimm.f32 $0.0e+00;
	v6 =	vld.idx.msk [tilespmem:v8+s22+$0x0], $0xffff;
	v18 =	vmul.bf16 v12, v13;
	v12 =	vimm.f32 $0.0e+00  }
0xfb: {  	s5 =	simm.s32 $0x4;
	v13 =	vimm.f32 $0.0e+00;
	v20 =	vunpack.i.u.bf16.f32 v5;
	v11 =	vunpack.i.l.bf16.f32 v5;
	v5 =	vld.idx.msk [tilespmem:v3+s24+$0x0], $0xffff  }
.LBB2_16:
0xfc: {  	s5 =	sadd.s32 $0x4, s5;
	v21 =	vld.idx.msk [tilespmem:v9+s24+$0x0], $0xffff;
	v4 =	vadd.s32 $0x4, v4;
	v16 =	vmul.bf16 v10, v16  }
0xfd: {  	v19 =	vadd.f32 v20, v19;
	v15 =	vmul.bf16 v15, v17;
	v10 =	vand.u32 $0xFFFFFFF8, v4;
	p0 =	slt.u32 s5, $0x3C;
	v22 =	vld.idx.msk [tilespmem:v8+s24+$0x0], $0xffff  }
0xfe: {  	v8 =	vand.u32 $0x4, v4;
	v17 =	vadd.s32 v2, v10;
	v10 =	vld.idx.msk [tilespmem:v7+s24+$0x0], $0xffff;
	v20 =	vunpack.i.l.bf16.f32 v16  }
0xff: {  	v25 =	vunpack.i.l.bf16.f32 v18;
	v24 =	vunpack.i.u.bf16.f32 v16;
	v8 =	vor.u32 v8, v17;
	v23 =	vld.idx.msk [tilespmem:v9+s22+$0x0], $0xffff  }
0x100: {  	v18 =	vunpack.i.u.bf16.f32 v18;
	v26 =	vor.u32 $0x2, v8;
	v16 =	vld.idx.msk [tilespmem:v7+s22+$0x0], $0xffff;
	v7 =	vor.u32 $0x1, v8  }
.Ltmp6:
0x101: {  	v14 =	vadd.f32 v20, v14;
	v12 =	vadd.f32 v24, v12;
	v9 =	vor.u32 $0x3, v8;
	v17 =	vld.idx.msk [tilespmem:v3+s22+$0x0], $0xffff;
	v3 =	vmovc v26;
	(pc) =	sbr.rel @p0 .LBB2_16-.Ltmp6, $4  }
0x102: {  	v11 =	vadd.f32 v11, v13;
	v13 =	vunpack.i.l.bf16.f32 v15;
	v20 =	vunpack.i.u.bf16.f32 v15;
	v15 =	vmovc v5  }
0x103: {  	v14 =	vadd.f32 v25, v14;
	v12 =	vadd.f32 v18, v12;
	v22 =	vmul.bf16 v22, v6  }
0x104: {  	v13 =	vadd.f32 v13, v11;
	v19 =	vadd.f32 v20, v19;
	v6 =	vld.idx.msk [tilespmem:v8+s22+$0x0], $0xffff  }
0x105: {  	v20 =	vunpack.i.u.bf16.f32 v22;
	v11 =	vunpack.i.l.bf16.f32 v22;
	v18 =	vmul.bf16 v21, v23;
	v5 =	vld.idx.msk [tilespmem:v26+s24+$0x0], $0xffff  }
0x106: {  	_ =	sdelay $0x3  }
0x107: {  	v2 =	vld.idx.msk [tilespmem:v9+s24+$0x0], $0xffff  }
0x108: {  	v8 =	vld.idx.msk [tilespmem:v8+s24+$0x0], $0xffff  }
0x109: {  	v48 =	vld.idx.msk [tilespmem:v7+s24+$0x0], $0xffff  }
0x10a: {  	v4 =	vmul.bf16 v10, v16;
	v51 =	vld.idx.msk [tilespmem:v7+s22+$0x0], $0xffff  }
0x10b: {  	v49 =	vadd.f32 v20, v19;
	v15 =	vmul.bf16 v15, v17;
	v52 =	vld.idx.msk [tilespmem:v9+s22+$0x0], $0xffff;
	v11 =	vadd.f32 v11, v13  }
0x10c: {  	v3 =	vld.idx.msk [tilespmem:v3+s22+$0x0], $0xffff;
	v53 =	vunpack.i.l.bf16.f32 v18;
	v54 =	vunpack.i.u.bf16.f32 v18;
	v50 =	vunpack.i.l.bf16.f32 v4  }
0x10d: {  	v4 =	vunpack.i.u.bf16.f32 v4;
	v55 =	vunpack.i.u.bf16.f32 v15;
	v14 =	vadd.f32 v50, v14  }
0x10e: {  	v57 =	vunpack.i.l.bf16.f32 v15;
	v4 =	vadd.f32 v4, v12;
	v12 =	vadd.f32 v55, v49  }
0x10f: {  	v11 =	vadd.f32 v57, v11;
	v6 =	vmul.bf16 v8, v6;
	v56 =	vadd.f32 v53, v14  }
0x110: {  	v4 =	vadd.f32 v54, v4;
	v7 =	vmul.bf16 v48, v51;
	v2 =	vmul.bf16 v2, v52  }
0x111: {  	v3 =	vmul.bf16 v5, v3;
	v58 =	vunpack.i.u.bf16.f32 v6;
	v6 =	vunpack.i.l.bf16.f32 v6  }
0x112: {  	v60 =	vunpack.i.l.bf16.f32 v7;
	v7 =	vunpack.i.u.bf16.f32 v7;
	v61 =	vunpack.i.l.bf16.f32 v2  }
0x113: {  	v2 =	vunpack.i.u.bf16.f32 v2;
	v5 =	vadd.f32 v60, v56;
	v4 =	vadd.f32 v7, v4  }
0x114: {  	v62 =	vunpack.i.u.bf16.f32 v3;
	v59 =	vadd.f32 v58, v12;
	v6 =	vadd.f32 v6, v11  }
0x115: {  	v3 =	vunpack.i.l.bf16.f32 v3;
	v5 =	vadd.f32 v61, v5;
	v2 =	vadd.f32 v2, v4  }
0x116: {  	s15 =	sadd.s32 $0x1, s15;
	v3 =	vadd.f32 v3, v6;
	v63 =	vadd.f32 v62, v59  }
0x117: {  	p0 =	sne.s32 s15, $0x5  }
.Ltmp7:
0x118: {  	v3 =	vadd.f32 v63, v3;
	v2 =	vadd.f32 v2, v5;
	(pc) =	sbr.rel @p0 .LBB2_15-.Ltmp7, $3  }
0x119: {  	_ = 	snop  }
0x11a: {  	v2 =	vadd.f32 v2, v3;
	_ =	sdelay $0x1  }
0x11b: {  	[tilespmem:v1+s10+$0x0 ss:$0x1] =	vst.idx.msk $0xffff, v2  }
0x11c: {  	s5 =	sadd.s32 $0x280, s0  }
0x11d: {  	[tilespmem:s22], [sflag:$0x4] =	stream.indirect.gather [hbm4b:s2+s11], $0x40, s5, s11, $0xb8;
	[tilespmem:$0x13D30] =	vst v63  }
0x11e: {  	s17 =	sadd.s32 $0x2990, s0  }
0x11f: {  	[tilespmem:s24], [sflag:$0x4] =	stream.indirect.gather [hbm4b:s4+s11], $0x40, s17, s11, $0xb8;
	[tilespmem:$0x13D30] =	vst v63  }
0x120: {  	_ =	swait.ge [sflag:s1], $0x1400  }
0x121: {  	[sflag:s1] =	ssyncset.done $0x0  }
0x122: {  	[sflag:s1] =	ssyncadd.s32 $0xFFFFEC00  }
0x123: {  	_ =	swait.ge [sflag:s1], $0x1400  }
0x124: {  	s23 =	sadd.s32 $0x11620, s23;
	[sflag:s1] =	ssyncset.done $0x0  }
0x125: {  	s0 =	simm.s32 $0x0;
	v1 =	vmov s23;
	[sflag:s1] =	ssyncadd.s32 $0xFFFFEC00  }
.LBB2_19:
0x126: {  	s10 =	sshll.u32 s0, $0x4  }
0x127: {  	v2 =	vmov s10  }
0x128: {  	v3 =	vimm.s32 $0x0;
	v2 =	vshll.u32 v2, $0x6  }
0x129: {  	v4 =	vand.u32 $0xFFFFFFF8, v3;
	v2 =	vor.u32 v0, v2  }
0x12a: {  	v5 =	vand.u32 $0x4, v3;
	v4 =	vadd.s32 v2, v4  }
0x12b: {  	v5 =	vor.u32 v5, v4;
	_ =	sdelay $0x1  }
0x12c: {  	v6 =	vor.u32 $0x3, v5;
	_ =	sdelay $0x1  }
0x12d: {  	v11 =	vor.u32 $0x2, v5  }
0x12e: {  	v7 =	vor.u32 $0x1, v5;
	v9 =	vld.idx.msk [tilespmem:v5+s25+$0x0], $0xffff  }
0x12f: {  	v4 =	vadd.s32 $0x4, v3;
	v5 =	vld.idx.msk [tilespmem:v5+s26+$0x0], $0xffff  }
0x130: {  	v3 =	vand.u32 $0xFFFFFFF8, v4;
	v12 =	vld.idx.msk [tilespmem:v6+s26+$0x0], $0xffff  }
0x131: {  	v8 =	vand.u32 $0x4, v4;
	v3 =	vadd.s32 v2, v3;
	v13 =	vld.idx.msk [tilespmem:v6+s25+$0x0], $0xffff  }
0x132: {  	v8 =	vor.u32 v8, v3;
	v15 =	vld.idx.msk [tilespmem:v11+s26+$0x0], $0xffff  }
0x133: {  	v3 =	vor.u32 $0x2, v8;
	v10 =	vld.idx.msk [tilespmem:v7+s26+$0x0], $0xffff  }
0x134: {  	v16 =	vld.idx.msk [tilespmem:v7+s25+$0x0], $0xffff;
	v5 =	vmul.bf16 v5, v9;
	v9 =	vor.u32 $0x3, v8  }
0x135: {  	v17 =	vld.idx.msk [tilespmem:v11+s25+$0x0], $0xffff  }
0x136: {  	v19 =	vimm.f32 $0.0e+00;
	v7 =	vor.u32 $0x1, v8  }
0x137: {  	v14 =	vimm.f32 $0.0e+00;
	v6 =	vld.idx.msk [tilespmem:v8+s25+$0x0], $0xffff;
	v18 =	vmul.bf16 v12, v13;
	v12 =	vimm.f32 $0.0e+00  }
0x138: {  	s5 =	simm.s32 $0x4;
	v13 =	vimm.f32 $0.0e+00;
	v20 =	vunpack.i.u.bf16.f32 v5;
	v11 =	vunpack.i.l.bf16.f32 v5;
	v5 =	vld.idx.msk [tilespmem:v3+s26+$0x0], $0xffff  }
.LBB2_20:
0x139: {  	s5 =	sadd.s32 $0x4, s5;
	v21 =	vld.idx.msk [tilespmem:v9+s26+$0x0], $0xffff;
	v4 =	vadd.s32 $0x4, v4;
	v16 =	vmul.bf16 v10, v16  }
0x13a: {  	v19 =	vadd.f32 v20, v19;
	v15 =	vmul.bf16 v15, v17;
	v10 =	vand.u32 $0xFFFFFFF8, v4;
	p0 =	slt.u32 s5, $0x3C;
	v22 =	vld.idx.msk [tilespmem:v8+s26+$0x0], $0xffff  }
0x13b: {  	v8 =	vand.u32 $0x4, v4;
	v17 =	vadd.s32 v2, v10;
	v10 =	vld.idx.msk [tilespmem:v7+s26+$0x0], $0xffff;
	v20 =	vunpack.i.l.bf16.f32 v16  }
0x13c: {  	v25 =	vunpack.i.l.bf16.f32 v18;
	v24 =	vunpack.i.u.bf16.f32 v16;
	v8 =	vor.u32 v8, v17;
	v23 =	vld.idx.msk [tilespmem:v9+s25+$0x0], $0xffff  }
0x13d: {  	v18 =	vunpack.i.u.bf16.f32 v18;
	v26 =	vor.u32 $0x2, v8;
	v16 =	vld.idx.msk [tilespmem:v7+s25+$0x0], $0xffff;
	v7 =	vor.u32 $0x1, v8  }
.Ltmp8:
0x13e: {  	v14 =	vadd.f32 v20, v14;
	v12 =	vadd.f32 v24, v12;
	v9 =	vor.u32 $0x3, v8;
	v17 =	vld.idx.msk [tilespmem:v3+s25+$0x0], $0xffff;
	v3 =	vmovc v26;
	(pc) =	sbr.rel @p0 .LBB2_20-.Ltmp8, $4  }
0x13f: {  	v11 =	vadd.f32 v11, v13;
	v13 =	vunpack.i.l.bf16.f32 v15;
	v20 =	vunpack.i.u.bf16.f32 v15;
	v15 =	vmovc v5  }
0x140: {  	v14 =	vadd.f32 v25, v14;
	v12 =	vadd.f32 v18, v12;
	v22 =	vmul.bf16 v22, v6  }
0x141: {  	v13 =	vadd.f32 v13, v11;
	v19 =	vadd.f32 v20, v19;
	v6 =	vld.idx.msk [tilespmem:v8+s25+$0x0], $0xffff  }
0x142: {  	v20 =	vunpack.i.u.bf16.f32 v22;
	v11 =	vunpack.i.l.bf16.f32 v22;
	v18 =	vmul.bf16 v21, v23;
	v5 =	vld.idx.msk [tilespmem:v26+s26+$0x0], $0xffff  }
0x143: {  	_ =	sdelay $0x3  }
0x144: {  	v2 =	vld.idx.msk [tilespmem:v9+s26+$0x0], $0xffff  }
0x145: {  	v8 =	vld.idx.msk [tilespmem:v8+s26+$0x0], $0xffff  }
0x146: {  	v48 =	vld.idx.msk [tilespmem:v7+s26+$0x0], $0xffff  }
0x147: {  	v4 =	vmul.bf16 v10, v16;
	v51 =	vld.idx.msk [tilespmem:v7+s25+$0x0], $0xffff  }
0x148: {  	v49 =	vadd.f32 v20, v19;
	v15 =	vmul.bf16 v15, v17;
	v52 =	vld.idx.msk [tilespmem:v9+s25+$0x0], $0xffff;
	v11 =	vadd.f32 v11, v13  }
0x149: {  	v3 =	vld.idx.msk [tilespmem:v3+s25+$0x0], $0xffff;
	v53 =	vunpack.i.l.bf16.f32 v18;
	v54 =	vunpack.i.u.bf16.f32 v18;
	v50 =	vunpack.i.l.bf16.f32 v4  }
0x14a: {  	v4 =	vunpack.i.u.bf16.f32 v4;
	v55 =	vunpack.i.u.bf16.f32 v15;
	v14 =	vadd.f32 v50, v14  }
0x14b: {  	v57 =	vunpack.i.l.bf16.f32 v15;
	v4 =	vadd.f32 v4, v12;
	v12 =	vadd.f32 v55, v49  }
0x14c: {  	v11 =	vadd.f32 v57, v11;
	v6 =	vmul.bf16 v8, v6;
	v56 =	vadd.f32 v53, v14  }
0x14d: {  	v4 =	vadd.f32 v54, v4;
	v7 =	vmul.bf16 v48, v51;
	v2 =	vmul.bf16 v2, v52  }
0x14e: {  	v3 =	vmul.bf16 v5, v3;
	v58 =	vunpack.i.u.bf16.f32 v6;
	v6 =	vunpack.i.l.bf16.f32 v6  }
0x14f: {  	v60 =	vunpack.i.l.bf16.f32 v7;
	v7 =	vunpack.i.u.bf16.f32 v7;
	v61 =	vunpack.i.l.bf16.f32 v2  }
0x150: {  	v2 =	vunpack.i.u.bf16.f32 v2;
	v5 =	vadd.f32 v60, v56;
	v4 =	vadd.f32 v7, v4  }
0x151: {  	v62 =	vunpack.i.u.bf16.f32 v3;
	v59 =	vadd.f32 v58, v12;
	v6 =	vadd.f32 v6, v11  }
0x152: {  	v3 =	vunpack.i.l.bf16.f32 v3;
	v5 =	vadd.f32 v61, v5;
	v2 =	vadd.f32 v2, v4  }
0x153: {  	s0 =	sadd.s32 $0x1, s0;
	v3 =	vadd.f32 v3, v6;
	v63 =	vadd.f32 v62, v59  }
0x154: {  	p0 =	sne.s32 s0, $0x5  }
.Ltmp9:
0x155: {  	v3 =	vadd.f32 v63, v3;
	v2 =	vadd.f32 v2, v5;
	(pc) =	sbr.rel @p0 .LBB2_19-.Ltmp9, $3  }
0x156: {  	_ = 	snop  }
0x157: {  	v2 =	vadd.f32 v2, v3;
	_ =	sdelay $0x1  }
0x158: {  	[tilespmem:v1+s10+$0x0 ss:$0x1] =	vst.idx.msk $0xffff, v2  }
0x159: {  	s21 =	sadd.s32 $0x1, s21  }
0x15a: {  	p0 =	sne.s32 s21, $0x18  }
.Ltmp10:
0x15b: {  	_ = 	snop;
	(pc) =	sbr.rel @p0 .LBB2_2-.Ltmp10, $1  }
0x15c: {  	_ =	sdelay $0x3  }
0x15d: {  	s0 =	simm.s32 $0x26C0  }
0x15e: {  	[tilespmem:s25], [sflag:$0x5] =	stream.indirect.gather [hbm4b:s2+s11], $0x40, s0, s11, $0xb8;
	[tilespmem:$0x13D30] =	vst v63  }
0x15f: {  	s23 =	simm.s32 $0x4DD0  }
0x160: {  	[tilespmem:s26], [sflag:$0x5] =	stream.indirect.gather [hbm4b:s4+s11], $0x40, s23, s11, $0xb8;
	[tilespmem:$0x13D30] =	vst v63  }
0x161: {  	_ =	swait.ge [sflag:s28], $0x1400  }
0x162: {  	[sflag:s28] =	ssyncset.done $0x0  }
0x163: {  	[sflag:s28] =	ssyncadd.s32 $0xFFFFEC00  }
0x164: {  	_ =	swait.ge [sflag:s28], $0x1400  }
0x165: {  	[sflag:s28] =	ssyncset.done $0x0  }
0x166: {  	s0 =	simm.s32 $0x0;
	[sflag:s28] =	ssyncadd.s32 $0xFFFFEC00  }
.LBB2_24:
0x167: {  	s10 =	sshll.u32 s0, $0x4  }
0x168: {  	v1 =	vmov s10  }
0x169: {  	v2 =	vimm.s32 $0x0;
	v1 =	vshll.u32 v1, $0x6  }
0x16a: {  	v3 =	vand.u32 $0xFFFFFFF8, v2;
	v1 =	vor.u32 v0, v1  }
0x16b: {  	v4 =	vand.u32 $0x4, v2;
	v3 =	vadd.s32 v1, v3  }
0x16c: {  	v4 =	vor.u32 v4, v3;
	_ =	sdelay $0x1  }
0x16d: {  	v5 =	vor.u32 $0x3, v4;
	_ =	sdelay $0x1  }
0x16e: {  	v10 =	vor.u32 $0x2, v4  }
0x16f: {  	v6 =	vor.u32 $0x1, v4;
	v8 =	vld.idx.msk [tilespmem:v4+s12+$0x0], $0xffff  }
0x170: {  	v3 =	vadd.s32 $0x4, v2;
	v4 =	vld.idx.msk [tilespmem:v4+s13+$0x0], $0xffff  }
0x171: {  	v2 =	vand.u32 $0xFFFFFFF8, v3;
	v11 =	vld.idx.msk [tilespmem:v5+s13+$0x0], $0xffff  }
0x172: {  	v7 =	vand.u32 $0x4, v3;
	v2 =	vadd.s32 v1, v2;
	v12 =	vld.idx.msk [tilespmem:v5+s12+$0x0], $0xffff  }
0x173: {  	v7 =	vor.u32 v7, v2;
	v14 =	vld.idx.msk [tilespmem:v10+s13+$0x0], $0xffff  }
0x174: {  	v2 =	vor.u32 $0x2, v7;
	v9 =	vld.idx.msk [tilespmem:v6+s13+$0x0], $0xffff  }
0x175: {  	v15 =	vld.idx.msk [tilespmem:v6+s12+$0x0], $0xffff;
	v4 =	vmul.bf16 v4, v8;
	v8 =	vor.u32 $0x3, v7  }
0x176: {  	v16 =	vld.idx.msk [tilespmem:v10+s12+$0x0], $0xffff  }
0x177: {  	v18 =	vimm.f32 $0.0e+00;
	v6 =	vor.u32 $0x1, v7  }
0x178: {  	v13 =	vimm.f32 $0.0e+00;
	v5 =	vld.idx.msk [tilespmem:v7+s12+$0x0], $0xffff;
	v17 =	vmul.bf16 v11, v12;
	v11 =	vimm.f32 $0.0e+00  }
0x179: {  	s5 =	simm.s32 $0x4;
	v12 =	vimm.f32 $0.0e+00;
	v19 =	vunpack.i.u.bf16.f32 v4;
	v10 =	vunpack.i.l.bf16.f32 v4;
	v4 =	vld.idx.msk [tilespmem:v2+s13+$0x0], $0xffff  }
.LBB2_25:
0x17a: {  	s5 =	sadd.s32 $0x4, s5;
	v20 =	vld.idx.msk [tilespmem:v8+s13+$0x0], $0xffff;
	v3 =	vadd.s32 $0x4, v3;
	v15 =	vmul.bf16 v9, v15  }
0x17b: {  	v18 =	vadd.f32 v19, v18;
	v14 =	vmul.bf16 v14, v16;
	v9 =	vand.u32 $0xFFFFFFF8, v3;
	p0 =	slt.u32 s5, $0x3C;
	v21 =	vld.idx.msk [tilespmem:v7+s13+$0x0], $0xffff  }
0x17c: {  	v7 =	vand.u32 $0x4, v3;
	v16 =	vadd.s32 v1, v9;
	v9 =	vld.idx.msk [tilespmem:v6+s13+$0x0], $0xffff;
	v19 =	vunpack.i.l.bf16.f32 v15  }
0x17d: {  	v24 =	vunpack.i.l.bf16.f32 v17;
	v23 =	vunpack.i.u.bf16.f32 v15;
	v7 =	vor.u32 v7, v16;
	v22 =	vld.idx.msk [tilespmem:v8+s12+$0x0], $0xffff  }
0x17e: {  	v17 =	vunpack.i.u.bf16.f32 v17;
	v25 =	vor.u32 $0x2, v7;
	v15 =	vld.idx.msk [tilespmem:v6+s12+$0x0], $0xffff;
	v6 =	vor.u32 $0x1, v7  }
.Ltmp11:
0x17f: {  	v13 =	vadd.f32 v19, v13;
	v11 =	vadd.f32 v23, v11;
	v8 =	vor.u32 $0x3, v7;
	v16 =	vld.idx.msk [tilespmem:v2+s12+$0x0], $0xffff;
	v2 =	vmovc v25;
	(pc) =	sbr.rel @p0 .LBB2_25-.Ltmp11, $4  }
0x180: {  	v10 =	vadd.f32 v10, v12;
	v12 =	vunpack.i.l.bf16.f32 v14;
	v19 =	vunpack.i.u.bf16.f32 v14;
	v14 =	vmovc v4  }
0x181: {  	v13 =	vadd.f32 v24, v13;
	v11 =	vadd.f32 v17, v11;
	v21 =	vmul.bf16 v21, v5  }
0x182: {  	v12 =	vadd.f32 v12, v10;
	v18 =	vadd.f32 v19, v18;
	v5 =	vld.idx.msk [tilespmem:v7+s12+$0x0], $0xffff  }
0x183: {  	v19 =	vunpack.i.u.bf16.f32 v21;
	v10 =	vunpack.i.l.bf16.f32 v21;
	v17 =	vmul.bf16 v20, v22;
	v4 =	vld.idx.msk [tilespmem:v25+s13+$0x0], $0xffff  }
0x184: {  	_ =	sdelay $0x3  }
0x185: {  	v1 =	vld.idx.msk [tilespmem:v8+s13+$0x0], $0xffff  }
0x186: {  	v7 =	vld.idx.msk [tilespmem:v7+s13+$0x0], $0xffff  }
0x187: {  	v49 =	vld.idx.msk [tilespmem:v6+s13+$0x0], $0xffff  }
0x188: {  	v3 =	vmul.bf16 v9, v15;
	v52 =	vld.idx.msk [tilespmem:v6+s12+$0x0], $0xffff  }
0x189: {  	v50 =	vadd.f32 v19, v18;
	v14 =	vmul.bf16 v14, v16;
	v53 =	vld.idx.msk [tilespmem:v8+s12+$0x0], $0xffff;
	v10 =	vadd.f32 v10, v12  }
0x18a: {  	v2 =	vld.idx.msk [tilespmem:v2+s12+$0x0], $0xffff;
	v54 =	vunpack.i.l.bf16.f32 v17;
	v55 =	vunpack.i.u.bf16.f32 v17;
	v51 =	vunpack.i.l.bf16.f32 v3  }
0x18b: {  	v3 =	vunpack.i.u.bf16.f32 v3;
	v56 =	vunpack.i.u.bf16.f32 v14;
	v13 =	vadd.f32 v51, v13  }
0x18c: {  	v58 =	vunpack.i.l.bf16.f32 v14;
	v3 =	vadd.f32 v3, v11;
	v11 =	vadd.f32 v56, v50  }
0x18d: {  	v10 =	vadd.f32 v58, v10;
	v5 =	vmul.bf16 v7, v5;
	v57 =	vadd.f32 v54, v13  }
0x18e: {  	v3 =	vadd.f32 v55, v3;
	v6 =	vmul.bf16 v49, v52;
	v1 =	vmul.bf16 v1, v53  }
0x18f: {  	v2 =	vmul.bf16 v4, v2;
	v59 =	vunpack.i.u.bf16.f32 v5;
	v5 =	vunpack.i.l.bf16.f32 v5  }
0x190: {  	v61 =	vunpack.i.l.bf16.f32 v6;
	v6 =	vunpack.i.u.bf16.f32 v6;
	v62 =	vunpack.i.l.bf16.f32 v1  }
0x191: {  	v1 =	vunpack.i.u.bf16.f32 v1;
	v4 =	vadd.f32 v61, v57;
	v3 =	vadd.f32 v6, v3  }
0x192: {  	v63 =	vunpack.i.u.bf16.f32 v2;
	v60 =	vadd.f32 v59, v11;
	v5 =	vadd.f32 v5, v10  }
0x193: {  	v2 =	vunpack.i.l.bf16.f32 v2;
	v4 =	vadd.f32 v62, v4;
	v1 =	vadd.f32 v1, v3  }
0x194: {  	s0 =	sadd.s32 $0x1, s0;
	v2 =	vadd.f32 v2, v5;
	v3 =	vadd.f32 v63, v60  }
0x195: {  	p0 =	sne.s32 s0, $0x5  }
.Ltmp12:
0x196: {  	v2 =	vadd.f32 v3, v2;
	v1 =	vadd.f32 v1, v4;
	(pc) =	sbr.rel @p0 .LBB2_24-.Ltmp12, $3  }
0x197: {  	_ = 	snop  }
0x198: {  	v1 =	vadd.f32 v1, v2;
	_ =	sdelay $0x1  }
0x199: {  	[tilespmem:s10+$0x13BA0] =	vst v1  }
0x19a: {  	_ =	swait.ge [sflag:s29], $0x1400  }
0x19b: {  	[sflag:s29] =	ssyncset.done $0x0  }
0x19c: {  	[sflag:s29] =	ssyncadd.s32 $0xFFFFEC00  }
0x19d: {  	_ =	swait.ge [sflag:s29], $0x1400  }
0x19e: {  	[sflag:s29] =	ssyncset.done $0x0  }
0x19f: {  	s0 =	simm.s32 $0x0;
	[sflag:s29] =	ssyncadd.s32 $0xFFFFEC00  }
.LBB2_28:
0x1a0: {  	s10 =	sshll.u32 s0, $0x4  }
0x1a1: {  	v1 =	vmov s10  }
0x1a2: {  	v2 =	vimm.s32 $0x0;
	v1 =	vshll.u32 v1, $0x6  }
0x1a3: {  	v3 =	vand.u32 $0xFFFFFFF8, v2;
	v1 =	vor.u32 v0, v1  }
0x1a4: {  	v4 =	vand.u32 $0x4, v2;
	v3 =	vadd.s32 v1, v3  }
0x1a5: {  	v4 =	vor.u32 v4, v3;
	_ =	sdelay $0x1  }
0x1a6: {  	v5 =	vor.u32 $0x3, v4;
	_ =	sdelay $0x1  }
0x1a7: {  	v10 =	vor.u32 $0x2, v4  }
0x1a8: {  	v6 =	vor.u32 $0x1, v4;
	v8 =	vld.idx.msk [tilespmem:v4+s14+$0x0], $0xffff  }
0x1a9: {  	v3 =	vadd.s32 $0x4, v2;
	v4 =	vld.idx.msk [tilespmem:v4+s16+$0x0], $0xffff  }
0x1aa: {  	v2 =	vand.u32 $0xFFFFFFF8, v3;
	v11 =	vld.idx.msk [tilespmem:v5+s16+$0x0], $0xffff  }
0x1ab: {  	v7 =	vand.u32 $0x4, v3;
	v2 =	vadd.s32 v1, v2;
	v12 =	vld.idx.msk [tilespmem:v5+s14+$0x0], $0xffff  }
0x1ac: {  	v7 =	vor.u32 v7, v2;
	v14 =	vld.idx.msk [tilespmem:v10+s16+$0x0], $0xffff  }
0x1ad: {  	v2 =	vor.u32 $0x2, v7;
	v9 =	vld.idx.msk [tilespmem:v6+s16+$0x0], $0xffff  }
0x1ae: {  	v15 =	vld.idx.msk [tilespmem:v6+s14+$0x0], $0xffff;
	v4 =	vmul.bf16 v4, v8;
	v8 =	vor.u32 $0x3, v7  }
0x1af: {  	v16 =	vld.idx.msk [tilespmem:v10+s14+$0x0], $0xffff  }
0x1b0: {  	v18 =	vimm.f32 $0.0e+00;
	v6 =	vor.u32 $0x1, v7  }
0x1b1: {  	v13 =	vimm.f32 $0.0e+00;
	v5 =	vld.idx.msk [tilespmem:v7+s14+$0x0], $0xffff;
	v17 =	vmul.bf16 v11, v12;
	v11 =	vimm.f32 $0.0e+00  }
0x1b2: {  	s5 =	simm.s32 $0x4;
	v12 =	vimm.f32 $0.0e+00;
	v19 =	vunpack.i.u.bf16.f32 v4;
	v10 =	vunpack.i.l.bf16.f32 v4;
	v4 =	vld.idx.msk [tilespmem:v2+s16+$0x0], $0xffff  }
.LBB2_29:
0x1b3: {  	s5 =	sadd.s32 $0x4, s5;
	v20 =	vld.idx.msk [tilespmem:v8+s16+$0x0], $0xffff;
	v3 =	vadd.s32 $0x4, v3;
	v15 =	vmul.bf16 v9, v15  }
0x1b4: {  	v18 =	vadd.f32 v19, v18;
	v14 =	vmul.bf16 v14, v16;
	v9 =	vand.u32 $0xFFFFFFF8, v3;
	p0 =	slt.u32 s5, $0x3C;
	v21 =	vld.idx.msk [tilespmem:v7+s16+$0x0], $0xffff  }
0x1b5: {  	v7 =	vand.u32 $0x4, v3;
	v16 =	vadd.s32 v1, v9;
	v9 =	vld.idx.msk [tilespmem:v6+s16+$0x0], $0xffff;
	v19 =	vunpack.i.l.bf16.f32 v15  }
0x1b6: {  	v24 =	vunpack.i.l.bf16.f32 v17;
	v23 =	vunpack.i.u.bf16.f32 v15;
	v7 =	vor.u32 v7, v16;
	v22 =	vld.idx.msk [tilespmem:v8+s14+$0x0], $0xffff  }
0x1b7: {  	v17 =	vunpack.i.u.bf16.f32 v17;
	v25 =	vor.u32 $0x2, v7;
	v15 =	vld.idx.msk [tilespmem:v6+s14+$0x0], $0xffff;
	v6 =	vor.u32 $0x1, v7  }
.Ltmp13:
0x1b8: {  	v13 =	vadd.f32 v19, v13;
	v11 =	vadd.f32 v23, v11;
	v8 =	vor.u32 $0x3, v7;
	v16 =	vld.idx.msk [tilespmem:v2+s14+$0x0], $0xffff;
	v2 =	vmovc v25;
	(pc) =	sbr.rel @p0 .LBB2_29-.Ltmp13, $4  }
0x1b9: {  	v10 =	vadd.f32 v10, v12;
	v12 =	vunpack.i.l.bf16.f32 v14;
	v19 =	vunpack.i.u.bf16.f32 v14;
	v14 =	vmovc v4  }
0x1ba: {  	v13 =	vadd.f32 v24, v13;
	v11 =	vadd.f32 v17, v11;
	v21 =	vmul.bf16 v21, v5  }
0x1bb: {  	v12 =	vadd.f32 v12, v10;
	v18 =	vadd.f32 v19, v18;
	v5 =	vld.idx.msk [tilespmem:v7+s14+$0x0], $0xffff  }
0x1bc: {  	v19 =	vunpack.i.u.bf16.f32 v21;
	v10 =	vunpack.i.l.bf16.f32 v21;
	v17 =	vmul.bf16 v20, v22;
	v4 =	vld.idx.msk [tilespmem:v25+s16+$0x0], $0xffff  }
0x1bd: {  	_ =	sdelay $0x3  }
0x1be: {  	v1 =	vld.idx.msk [tilespmem:v8+s16+$0x0], $0xffff  }
0x1bf: {  	v7 =	vld.idx.msk [tilespmem:v7+s16+$0x0], $0xffff  }
0x1c0: {  	v49 =	vld.idx.msk [tilespmem:v6+s16+$0x0], $0xffff  }
0x1c1: {  	v3 =	vmul.bf16 v9, v15;
	v52 =	vld.idx.msk [tilespmem:v6+s14+$0x0], $0xffff  }
0x1c2: {  	v50 =	vadd.f32 v19, v18;
	v14 =	vmul.bf16 v14, v16;
	v53 =	vld.idx.msk [tilespmem:v8+s14+$0x0], $0xffff;
	v10 =	vadd.f32 v10, v12  }
0x1c3: {  	v2 =	vld.idx.msk [tilespmem:v2+s14+$0x0], $0xffff;
	v54 =	vunpack.i.l.bf16.f32 v17;
	v55 =	vunpack.i.u.bf16.f32 v17;
	v51 =	vunpack.i.l.bf16.f32 v3  }
0x1c4: {  	v3 =	vunpack.i.u.bf16.f32 v3;
	v56 =	vunpack.i.u.bf16.f32 v14;
	v13 =	vadd.f32 v51, v13  }
0x1c5: {  	v58 =	vunpack.i.l.bf16.f32 v14;
	v3 =	vadd.f32 v3, v11;
	v11 =	vadd.f32 v56, v50  }
0x1c6: {  	v10 =	vadd.f32 v58, v10;
	v5 =	vmul.bf16 v7, v5;
	v57 =	vadd.f32 v54, v13  }
0x1c7: {  	v3 =	vadd.f32 v55, v3;
	v6 =	vmul.bf16 v49, v52;
	v1 =	vmul.bf16 v1, v53  }
0x1c8: {  	v2 =	vmul.bf16 v4, v2;
	v59 =	vunpack.i.u.bf16.f32 v5;
	v5 =	vunpack.i.l.bf16.f32 v5  }
0x1c9: {  	v61 =	vunpack.i.l.bf16.f32 v6;
	v6 =	vunpack.i.u.bf16.f32 v6;
	v62 =	vunpack.i.l.bf16.f32 v1  }
0x1ca: {  	v1 =	vunpack.i.u.bf16.f32 v1;
	v4 =	vadd.f32 v61, v57;
	v3 =	vadd.f32 v6, v3  }
0x1cb: {  	v63 =	vunpack.i.u.bf16.f32 v2;
	v60 =	vadd.f32 v59, v11;
	v5 =	vadd.f32 v5, v10  }
0x1cc: {  	v2 =	vunpack.i.l.bf16.f32 v2;
	v4 =	vadd.f32 v62, v4;
	v1 =	vadd.f32 v1, v3  }
0x1cd: {  	s0 =	sadd.s32 $0x1, s0;
	v2 =	vadd.f32 v2, v5;
	v3 =	vadd.f32 v63, v60  }
0x1ce: {  	p0 =	sne.s32 s0, $0x5  }
.Ltmp14:
0x1cf: {  	v2 =	vadd.f32 v3, v2;
	v1 =	vadd.f32 v1, v4;
	(pc) =	sbr.rel @p0 .LBB2_28-.Ltmp14, $3  }
0x1d0: {  	_ = 	snop  }
0x1d1: {  	v1 =	vadd.f32 v1, v2;
	_ =	sdelay $0x1  }
0x1d2: {  	[tilespmem:s10+$0x13BF0] =	vst v1  }
0x1d3: {  	_ =	swait.ge [sflag:s30], $0x1400  }
0x1d4: {  	[sflag:s30] =	ssyncset.done $0x0  }
0x1d5: {  	[sflag:s30] =	ssyncadd.s32 $0xFFFFEC00  }
0x1d6: {  	_ =	swait.ge [sflag:s30], $0x1400  }
0x1d7: {  	[sflag:s30] =	ssyncset.done $0x0  }
0x1d8: {  	s0 =	simm.s32 $0x0;
	[sflag:s30] =	ssyncadd.s32 $0xFFFFEC00  }
.LBB2_32:
0x1d9: {  	s10 =	sshll.u32 s0, $0x4  }
0x1da: {  	v1 =	vmov s10  }
0x1db: {  	v2 =	vimm.s32 $0x0;
	v1 =	vshll.u32 v1, $0x6  }
0x1dc: {  	v3 =	vand.u32 $0xFFFFFFF8, v2;
	v1 =	vor.u32 v0, v1  }
0x1dd: {  	v4 =	vand.u32 $0x4, v2;
	v3 =	vadd.s32 v1, v3  }
0x1de: {  	v4 =	vor.u32 v4, v3;
	_ =	sdelay $0x1  }
0x1df: {  	v5 =	vor.u32 $0x3, v4;
	_ =	sdelay $0x1  }
0x1e0: {  	v10 =	vor.u32 $0x2, v4  }
0x1e1: {  	v6 =	vor.u32 $0x1, v4;
	v8 =	vld.idx.msk [tilespmem:v4+s18+$0x0], $0xffff  }
0x1e2: {  	v3 =	vadd.s32 $0x4, v2;
	v4 =	vld.idx.msk [tilespmem:v4+s20+$0x0], $0xffff  }
0x1e3: {  	v2 =	vand.u32 $0xFFFFFFF8, v3;
	v11 =	vld.idx.msk [tilespmem:v5+s20+$0x0], $0xffff  }
0x1e4: {  	v7 =	vand.u32 $0x4, v3;
	v2 =	vadd.s32 v1, v2;
	v12 =	vld.idx.msk [tilespmem:v5+s18+$0x0], $0xffff  }
0x1e5: {  	v7 =	vor.u32 v7, v2;
	v14 =	vld.idx.msk [tilespmem:v10+s20+$0x0], $0xffff  }
0x1e6: {  	v2 =	vor.u32 $0x2, v7;
	v9 =	vld.idx.msk [tilespmem:v6+s20+$0x0], $0xffff  }
0x1e7: {  	v15 =	vld.idx.msk [tilespmem:v6+s18+$0x0], $0xffff;
	v4 =	vmul.bf16 v4, v8;
	v8 =	vor.u32 $0x3, v7  }
0x1e8: {  	v16 =	vld.idx.msk [tilespmem:v10+s18+$0x0], $0xffff  }
0x1e9: {  	v18 =	vimm.f32 $0.0e+00;
	v6 =	vor.u32 $0x1, v7  }
0x1ea: {  	v13 =	vimm.f32 $0.0e+00;
	v5 =	vld.idx.msk [tilespmem:v7+s18+$0x0], $0xffff;
	v17 =	vmul.bf16 v11, v12;
	v11 =	vimm.f32 $0.0e+00  }
0x1eb: {  	s5 =	simm.s32 $0x4;
	v12 =	vimm.f32 $0.0e+00;
	v19 =	vunpack.i.u.bf16.f32 v4;
	v10 =	vunpack.i.l.bf16.f32 v4;
	v4 =	vld.idx.msk [tilespmem:v2+s20+$0x0], $0xffff  }
.LBB2_33:
0x1ec: {  	s5 =	sadd.s32 $0x4, s5;
	v20 =	vld.idx.msk [tilespmem:v8+s20+$0x0], $0xffff;
	v3 =	vadd.s32 $0x4, v3;
	v15 =	vmul.bf16 v9, v15  }
0x1ed: {  	v18 =	vadd.f32 v19, v18;
	v14 =	vmul.bf16 v14, v16;
	v9 =	vand.u32 $0xFFFFFFF8, v3;
	p0 =	slt.u32 s5, $0x3C;
	v21 =	vld.idx.msk [tilespmem:v7+s20+$0x0], $0xffff  }
0x1ee: {  	v7 =	vand.u32 $0x4, v3;
	v16 =	vadd.s32 v1, v9;
	v9 =	vld.idx.msk [tilespmem:v6+s20+$0x0], $0xffff;
	v19 =	vunpack.i.l.bf16.f32 v15  }
0x1ef: {  	v24 =	vunpack.i.l.bf16.f32 v17;
	v23 =	vunpack.i.u.bf16.f32 v15;
	v7 =	vor.u32 v7, v16;
	v22 =	vld.idx.msk [tilespmem:v8+s18+$0x0], $0xffff  }
0x1f0: {  	v17 =	vunpack.i.u.bf16.f32 v17;
	v25 =	vor.u32 $0x2, v7;
	v15 =	vld.idx.msk [tilespmem:v6+s18+$0x0], $0xffff;
	v6 =	vor.u32 $0x1, v7  }
.Ltmp15:
0x1f1: {  	v13 =	vadd.f32 v19, v13;
	v11 =	vadd.f32 v23, v11;
	v8 =	vor.u32 $0x3, v7;
	v16 =	vld.idx.msk [tilespmem:v2+s18+$0x0], $0xffff;
	v2 =	vmovc v25;
	(pc) =	sbr.rel @p0 .LBB2_33-.Ltmp15, $4  }
0x1f2: {  	v10 =	vadd.f32 v10, v12;
	v12 =	vunpack.i.l.bf16.f32 v14;
	v19 =	vunpack.i.u.bf16.f32 v14;
	v14 =	vmovc v4  }
0x1f3: {  	v13 =	vadd.f32 v24, v13;
	v11 =	vadd.f32 v17, v11;
	v21 =	vmul.bf16 v21, v5  }
0x1f4: {  	v12 =	vadd.f32 v12, v10;
	v18 =	vadd.f32 v19, v18;
	v5 =	vld.idx.msk [tilespmem:v7+s18+$0x0], $0xffff  }
0x1f5: {  	v19 =	vunpack.i.u.bf16.f32 v21;
	v10 =	vunpack.i.l.bf16.f32 v21;
	v17 =	vmul.bf16 v20, v22;
	v4 =	vld.idx.msk [tilespmem:v25+s20+$0x0], $0xffff  }
0x1f6: {  	_ =	sdelay $0x3  }
0x1f7: {  	v1 =	vld.idx.msk [tilespmem:v8+s20+$0x0], $0xffff  }
0x1f8: {  	v7 =	vld.idx.msk [tilespmem:v7+s20+$0x0], $0xffff  }
0x1f9: {  	v49 =	vld.idx.msk [tilespmem:v6+s20+$0x0], $0xffff  }
0x1fa: {  	v3 =	vmul.bf16 v9, v15;
	v52 =	vld.idx.msk [tilespmem:v6+s18+$0x0], $0xffff  }
0x1fb: {  	v50 =	vadd.f32 v19, v18;
	v14 =	vmul.bf16 v14, v16;
	v53 =	vld.idx.msk [tilespmem:v8+s18+$0x0], $0xffff;
	v10 =	vadd.f32 v10, v12  }
0x1fc: {  	v2 =	vld.idx.msk [tilespmem:v2+s18+$0x0], $0xffff;
	v54 =	vunpack.i.l.bf16.f32 v17;
	v55 =	vunpack.i.u.bf16.f32 v17;
	v51 =	vunpack.i.l.bf16.f32 v3  }
0x1fd: {  	v3 =	vunpack.i.u.bf16.f32 v3;
	v56 =	vunpack.i.u.bf16.f32 v14;
	v13 =	vadd.f32 v51, v13  }
0x1fe: {  	v58 =	vunpack.i.l.bf16.f32 v14;
	v3 =	vadd.f32 v3, v11;
	v11 =	vadd.f32 v56, v50  }
0x1ff: {  	v10 =	vadd.f32 v58, v10;
	v5 =	vmul.bf16 v7, v5;
	v57 =	vadd.f32 v54, v13  }
0x200: {  	v3 =	vadd.f32 v55, v3;
	v6 =	vmul.bf16 v49, v52;
	v1 =	vmul.bf16 v1, v53  }
0x201: {  	v2 =	vmul.bf16 v4, v2;
	v59 =	vunpack.i.u.bf16.f32 v5;
	v5 =	vunpack.i.l.bf16.f32 v5  }
0x202: {  	v61 =	vunpack.i.l.bf16.f32 v6;
	v6 =	vunpack.i.u.bf16.f32 v6;
	v62 =	vunpack.i.l.bf16.f32 v1  }
0x203: {  	v1 =	vunpack.i.u.bf16.f32 v1;
	v4 =	vadd.f32 v61, v57;
	v3 =	vadd.f32 v6, v3  }
0x204: {  	v63 =	vunpack.i.u.bf16.f32 v2;
	v60 =	vadd.f32 v59, v11;
	v5 =	vadd.f32 v5, v10  }
0x205: {  	v2 =	vunpack.i.l.bf16.f32 v2;
	v4 =	vadd.f32 v62, v4;
	v1 =	vadd.f32 v1, v3  }
0x206: {  	s0 =	sadd.s32 $0x1, s0;
	v2 =	vadd.f32 v2, v5;
	v3 =	vadd.f32 v63, v60  }
0x207: {  	p0 =	sne.s32 s0, $0x5  }
.Ltmp16:
0x208: {  	v2 =	vadd.f32 v3, v2;
	v1 =	vadd.f32 v1, v4;
	(pc) =	sbr.rel @p0 .LBB2_32-.Ltmp16, $3  }
0x209: {  	_ = 	snop  }
0x20a: {  	v1 =	vadd.f32 v1, v2;
	_ =	sdelay $0x1  }
0x20b: {  	[tilespmem:s10+$0x13C40] =	vst v1  }
0x20c: {  	_ =	swait.ge [sflag:s31], $0x1400  }
0x20d: {  	[sflag:s31] =	ssyncset.done $0x0  }
0x20e: {  	[sflag:s31] =	ssyncadd.s32 $0xFFFFEC00  }
0x20f: {  	_ =	swait.ge [sflag:s31], $0x1400  }
0x210: {  	[sflag:s31] =	ssyncset.done $0x0  }
0x211: {  	s0 =	simm.s32 $0x0;
	[sflag:s31] =	ssyncadd.s32 $0xFFFFEC00  }
.LBB2_36:
0x212: {  	s10 =	sshll.u32 s0, $0x4  }
0x213: {  	v1 =	vmov s10  }
0x214: {  	v2 =	vimm.s32 $0x0;
	v1 =	vshll.u32 v1, $0x6  }
0x215: {  	v3 =	vand.u32 $0xFFFFFFF8, v2;
	v1 =	vor.u32 v0, v1  }
0x216: {  	v4 =	vand.u32 $0x4, v2;
	v3 =	vadd.s32 v1, v3  }
0x217: {  	v4 =	vor.u32 v4, v3;
	_ =	sdelay $0x1  }
0x218: {  	v5 =	vor.u32 $0x3, v4;
	_ =	sdelay $0x1  }
0x219: {  	v10 =	vor.u32 $0x2, v4  }
0x21a: {  	v6 =	vor.u32 $0x1, v4;
	v8 =	vld.idx.msk [tilespmem:v4+s22+$0x0], $0xffff  }
0x21b: {  	v3 =	vadd.s32 $0x4, v2;
	v4 =	vld.idx.msk [tilespmem:v4+s24+$0x0], $0xffff  }
0x21c: {  	v2 =	vand.u32 $0xFFFFFFF8, v3;
	v11 =	vld.idx.msk [tilespmem:v5+s24+$0x0], $0xffff  }
0x21d: {  	v7 =	vand.u32 $0x4, v3;
	v2 =	vadd.s32 v1, v2;
	v12 =	vld.idx.msk [tilespmem:v5+s22+$0x0], $0xffff  }
0x21e: {  	v7 =	vor.u32 v7, v2;
	v14 =	vld.idx.msk [tilespmem:v10+s24+$0x0], $0xffff  }
0x21f: {  	v2 =	vor.u32 $0x2, v7;
	v9 =	vld.idx.msk [tilespmem:v6+s24+$0x0], $0xffff  }
0x220: {  	v15 =	vld.idx.msk [tilespmem:v6+s22+$0x0], $0xffff;
	v4 =	vmul.bf16 v4, v8;
	v8 =	vor.u32 $0x3, v7  }
0x221: {  	v16 =	vld.idx.msk [tilespmem:v10+s22+$0x0], $0xffff  }
0x222: {  	v18 =	vimm.f32 $0.0e+00;
	v6 =	vor.u32 $0x1, v7  }
0x223: {  	v13 =	vimm.f32 $0.0e+00;
	v5 =	vld.idx.msk [tilespmem:v7+s22+$0x0], $0xffff;
	v17 =	vmul.bf16 v11, v12;
	v11 =	vimm.f32 $0.0e+00  }
0x224: {  	s5 =	simm.s32 $0x4;
	v12 =	vimm.f32 $0.0e+00;
	v19 =	vunpack.i.u.bf16.f32 v4;
	v10 =	vunpack.i.l.bf16.f32 v4;
	v4 =	vld.idx.msk [tilespmem:v2+s24+$0x0], $0xffff  }
.LBB2_37:
0x225: {  	s5 =	sadd.s32 $0x4, s5;
	v20 =	vld.idx.msk [tilespmem:v8+s24+$0x0], $0xffff;
	v3 =	vadd.s32 $0x4, v3;
	v15 =	vmul.bf16 v9, v15  }
0x226: {  	v18 =	vadd.f32 v19, v18;
	v14 =	vmul.bf16 v14, v16;
	v9 =	vand.u32 $0xFFFFFFF8, v3;
	p0 =	slt.u32 s5, $0x3C;
	v21 =	vld.idx.msk [tilespmem:v7+s24+$0x0], $0xffff  }
0x227: {  	v7 =	vand.u32 $0x4, v3;
	v16 =	vadd.s32 v1, v9;
	v9 =	vld.idx.msk [tilespmem:v6+s24+$0x0], $0xffff;
	v19 =	vunpack.i.l.bf16.f32 v15  }
0x228: {  	v24 =	vunpack.i.l.bf16.f32 v17;
	v23 =	vunpack.i.u.bf16.f32 v15;
	v7 =	vor.u32 v7, v16;
	v22 =	vld.idx.msk [tilespmem:v8+s22+$0x0], $0xffff  }
0x229: {  	v17 =	vunpack.i.u.bf16.f32 v17;
	v25 =	vor.u32 $0x2, v7;
	v15 =	vld.idx.msk [tilespmem:v6+s22+$0x0], $0xffff;
	v6 =	vor.u32 $0x1, v7  }
.Ltmp17:
0x22a: {  	v13 =	vadd.f32 v19, v13;
	v11 =	vadd.f32 v23, v11;
	v8 =	vor.u32 $0x3, v7;
	v16 =	vld.idx.msk [tilespmem:v2+s22+$0x0], $0xffff;
	v2 =	vmovc v25;
	(pc) =	sbr.rel @p0 .LBB2_37-.Ltmp17, $4  }
0x22b: {  	v10 =	vadd.f32 v10, v12;
	v12 =	vunpack.i.l.bf16.f32 v14;
	v19 =	vunpack.i.u.bf16.f32 v14;
	v14 =	vmovc v4  }
0x22c: {  	v13 =	vadd.f32 v24, v13;
	v11 =	vadd.f32 v17, v11;
	v21 =	vmul.bf16 v21, v5  }
0x22d: {  	v12 =	vadd.f32 v12, v10;
	v18 =	vadd.f32 v19, v18;
	v5 =	vld.idx.msk [tilespmem:v7+s22+$0x0], $0xffff  }
0x22e: {  	v19 =	vunpack.i.u.bf16.f32 v21;
	v10 =	vunpack.i.l.bf16.f32 v21;
	v17 =	vmul.bf16 v20, v22;
	v4 =	vld.idx.msk [tilespmem:v25+s24+$0x0], $0xffff  }
0x22f: {  	_ =	sdelay $0x3  }
0x230: {  	v1 =	vld.idx.msk [tilespmem:v8+s24+$0x0], $0xffff  }
0x231: {  	v7 =	vld.idx.msk [tilespmem:v7+s24+$0x0], $0xffff  }
0x232: {  	v49 =	vld.idx.msk [tilespmem:v6+s24+$0x0], $0xffff  }
0x233: {  	v3 =	vmul.bf16 v9, v15;
	v52 =	vld.idx.msk [tilespmem:v6+s22+$0x0], $0xffff  }
0x234: {  	v50 =	vadd.f32 v19, v18;
	v14 =	vmul.bf16 v14, v16;
	v53 =	vld.idx.msk [tilespmem:v8+s22+$0x0], $0xffff;
	v10 =	vadd.f32 v10, v12  }
0x235: {  	v2 =	vld.idx.msk [tilespmem:v2+s22+$0x0], $0xffff;
	v54 =	vunpack.i.l.bf16.f32 v17;
	v55 =	vunpack.i.u.bf16.f32 v17;
	v51 =	vunpack.i.l.bf16.f32 v3  }
0x236: {  	v3 =	vunpack.i.u.bf16.f32 v3;
	v56 =	vunpack.i.u.bf16.f32 v14;
	v13 =	vadd.f32 v51, v13  }
0x237: {  	v58 =	vunpack.i.l.bf16.f32 v14;
	v3 =	vadd.f32 v3, v11;
	v11 =	vadd.f32 v56, v50  }
0x238: {  	v10 =	vadd.f32 v58, v10;
	v5 =	vmul.bf16 v7, v5;
	v57 =	vadd.f32 v54, v13  }
0x239: {  	v3 =	vadd.f32 v55, v3;
	v6 =	vmul.bf16 v49, v52;
	v1 =	vmul.bf16 v1, v53  }
0x23a: {  	v2 =	vmul.bf16 v4, v2;
	v59 =	vunpack.i.u.bf16.f32 v5;
	v5 =	vunpack.i.l.bf16.f32 v5  }
0x23b: {  	v61 =	vunpack.i.l.bf16.f32 v6;
	v6 =	vunpack.i.u.bf16.f32 v6;
	v62 =	vunpack.i.l.bf16.f32 v1  }
0x23c: {  	v1 =	vunpack.i.u.bf16.f32 v1;
	v4 =	vadd.f32 v61, v57;
	v3 =	vadd.f32 v6, v3  }
0x23d: {  	v63 =	vunpack.i.u.bf16.f32 v2;
	v60 =	vadd.f32 v59, v11;
	v5 =	vadd.f32 v5, v10  }
0x23e: {  	v2 =	vunpack.i.l.bf16.f32 v2;
	v4 =	vadd.f32 v62, v4;
	v1 =	vadd.f32 v1, v3  }
0x23f: {  	s0 =	sadd.s32 $0x1, s0;
	v2 =	vadd.f32 v2, v5;
	v3 =	vadd.f32 v63, v60  }
0x240: {  	p0 =	sne.s32 s0, $0x5  }
.Ltmp18:
0x241: {  	v2 =	vadd.f32 v3, v2;
	v1 =	vadd.f32 v1, v4;
	(pc) =	sbr.rel @p0 .LBB2_36-.Ltmp18, $3  }
0x242: {  	_ = 	snop  }
0x243: {  	v1 =	vadd.f32 v1, v2;
	_ =	sdelay $0x1  }
0x244: {  	[tilespmem:s10+$0x13C90] =	vst v1  }
0x245: {  	_ =	swait.ge [sflag:s1], $0x1400  }
0x246: {  	[sflag:s1] =	ssyncset.done $0x0  }
0x247: {  	[sflag:s1] =	ssyncadd.s32 $0xFFFFEC00  }
0x248: {  	_ =	swait.ge [sflag:s1], $0x1400  }
0x249: {  	[sflag:s1] =	ssyncset.done $0x0  }
0x24a: {  	s0 =	simm.s32 $0x0;
	[sflag:s1] =	ssyncadd.s32 $0xFFFFEC00  }
.LBB2_40:
0x24b: {  	s10 =	sshll.u32 s0, $0x4  }
0x24c: {  	v1 =	vmov s10  }
0x24d: {  	v2 =	vimm.s32 $0x0;
	v1 =	vshll.u32 v1, $0x6  }
0x24e: {  	v3 =	vand.u32 $0xFFFFFFF8, v2;
	v1 =	vor.u32 v0, v1  }
0x24f: {  	v4 =	vand.u32 $0x4, v2;
	v3 =	vadd.s32 v1, v3  }
0x250: {  	v4 =	vor.u32 v4, v3;
	_ =	sdelay $0x1  }
0x251: {  	v5 =	vor.u32 $0x3, v4;
	_ =	sdelay $0x1  }
0x252: {  	v10 =	vor.u32 $0x2, v4  }
0x253: {  	v6 =	vor.u32 $0x1, v4;
	v8 =	vld.idx.msk [tilespmem:v4+s25+$0x0], $0xffff  }
0x254: {  	v3 =	vadd.s32 $0x4, v2;
	v4 =	vld.idx.msk [tilespmem:v4+s26+$0x0], $0xffff  }
0x255: {  	v2 =	vand.u32 $0xFFFFFFF8, v3;
	v11 =	vld.idx.msk [tilespmem:v5+s26+$0x0], $0xffff  }
0x256: {  	v7 =	vand.u32 $0x4, v3;
	v2 =	vadd.s32 v1, v2;
	v12 =	vld.idx.msk [tilespmem:v5+s25+$0x0], $0xffff  }
0x257: {  	v7 =	vor.u32 v7, v2;
	v14 =	vld.idx.msk [tilespmem:v10+s26+$0x0], $0xffff  }
0x258: {  	v2 =	vor.u32 $0x2, v7;
	v9 =	vld.idx.msk [tilespmem:v6+s26+$0x0], $0xffff  }
0x259: {  	v15 =	vld.idx.msk [tilespmem:v6+s25+$0x0], $0xffff;
	v4 =	vmul.bf16 v4, v8;
	v8 =	vor.u32 $0x3, v7  }
0x25a: {  	v16 =	vld.idx.msk [tilespmem:v10+s25+$0x0], $0xffff  }
0x25b: {  	v18 =	vimm.f32 $0.0e+00;
	v6 =	vor.u32 $0x1, v7  }
0x25c: {  	v13 =	vimm.f32 $0.0e+00;
	v5 =	vld.idx.msk [tilespmem:v7+s25+$0x0], $0xffff;
	v17 =	vmul.bf16 v11, v12;
	v11 =	vimm.f32 $0.0e+00  }
0x25d: {  	s5 =	simm.s32 $0x4;
	v12 =	vimm.f32 $0.0e+00;
	v19 =	vunpack.i.u.bf16.f32 v4;
	v10 =	vunpack.i.l.bf16.f32 v4;
	v4 =	vld.idx.msk [tilespmem:v2+s26+$0x0], $0xffff  }
.LBB2_41:
0x25e: {  	s5 =	sadd.s32 $0x4, s5;
	v20 =	vld.idx.msk [tilespmem:v8+s26+$0x0], $0xffff;
	v3 =	vadd.s32 $0x4, v3;
	v15 =	vmul.bf16 v9, v15  }
0x25f: {  	v18 =	vadd.f32 v19, v18;
	v14 =	vmul.bf16 v14, v16;
	v9 =	vand.u32 $0xFFFFFFF8, v3;
	p0 =	slt.u32 s5, $0x3C;
	v21 =	vld.idx.msk [tilespmem:v7+s26+$0x0], $0xffff  }
0x260: {  	v7 =	vand.u32 $0x4, v3;
	v16 =	vadd.s32 v1, v9;
	v9 =	vld.idx.msk [tilespmem:v6+s26+$0x0], $0xffff;
	v19 =	vunpack.i.l.bf16.f32 v15  }
0x261: {  	v24 =	vunpack.i.l.bf16.f32 v17;
	v23 =	vunpack.i.u.bf16.f32 v15;
	v7 =	vor.u32 v7, v16;
	v22 =	vld.idx.msk [tilespmem:v8+s25+$0x0], $0xffff  }
0x262: {  	v17 =	vunpack.i.u.bf16.f32 v17;
	v25 =	vor.u32 $0x2, v7;
	v15 =	vld.idx.msk [tilespmem:v6+s25+$0x0], $0xffff;
	v6 =	vor.u32 $0x1, v7  }
.Ltmp19:
0x263: {  	v13 =	vadd.f32 v19, v13;
	v11 =	vadd.f32 v23, v11;
	v8 =	vor.u32 $0x3, v7;
	v16 =	vld.idx.msk [tilespmem:v2+s25+$0x0], $0xffff;
	v2 =	vmovc v25;
	(pc) =	sbr.rel @p0 .LBB2_41-.Ltmp19, $4  }
0x264: {  	v10 =	vadd.f32 v10, v12;
	v12 =	vunpack.i.l.bf16.f32 v14;
	v19 =	vunpack.i.u.bf16.f32 v14;
	v14 =	vmovc v4  }
0x265: {  	v13 =	vadd.f32 v24, v13;
	v11 =	vadd.f32 v17, v11;
	v21 =	vmul.bf16 v21, v5  }
0x266: {  	v12 =	vadd.f32 v12, v10;
	v18 =	vadd.f32 v19, v18;
	v5 =	vld.idx.msk [tilespmem:v7+s25+$0x0], $0xffff  }
0x267: {  	v19 =	vunpack.i.u.bf16.f32 v21;
	v10 =	vunpack.i.l.bf16.f32 v21;
	v17 =	vmul.bf16 v20, v22;
	v4 =	vld.idx.msk [tilespmem:v25+s26+$0x0], $0xffff  }
0x268: {  	_ =	sdelay $0x3  }
0x269: {  	v1 =	vld.idx.msk [tilespmem:v8+s26+$0x0], $0xffff  }
0x26a: {  	v7 =	vld.idx.msk [tilespmem:v7+s26+$0x0], $0xffff  }
0x26b: {  	v49 =	vld.idx.msk [tilespmem:v6+s26+$0x0], $0xffff  }
0x26c: {  	v3 =	vmul.bf16 v9, v15;
	v52 =	vld.idx.msk [tilespmem:v6+s25+$0x0], $0xffff  }
0x26d: {  	v50 =	vadd.f32 v19, v18;
	v14 =	vmul.bf16 v14, v16;
	v53 =	vld.idx.msk [tilespmem:v8+s25+$0x0], $0xffff;
	v10 =	vadd.f32 v10, v12  }
0x26e: {  	v2 =	vld.idx.msk [tilespmem:v2+s25+$0x0], $0xffff;
	v54 =	vunpack.i.l.bf16.f32 v17;
	v55 =	vunpack.i.u.bf16.f32 v17;
	v51 =	vunpack.i.l.bf16.f32 v3  }
0x26f: {  	v3 =	vunpack.i.u.bf16.f32 v3;
	v56 =	vunpack.i.u.bf16.f32 v14;
	v13 =	vadd.f32 v51, v13  }
0x270: {  	v58 =	vunpack.i.l.bf16.f32 v14;
	v3 =	vadd.f32 v3, v11;
	v11 =	vadd.f32 v56, v50  }
0x271: {  	v10 =	vadd.f32 v58, v10;
	v5 =	vmul.bf16 v7, v5;
	v57 =	vadd.f32 v54, v13  }
0x272: {  	v3 =	vadd.f32 v55, v3;
	v6 =	vmul.bf16 v49, v52;
	v1 =	vmul.bf16 v1, v53  }
0x273: {  	v2 =	vmul.bf16 v4, v2;
	v59 =	vunpack.i.u.bf16.f32 v5;
	v5 =	vunpack.i.l.bf16.f32 v5  }
0x274: {  	v61 =	vunpack.i.l.bf16.f32 v6;
	v6 =	vunpack.i.u.bf16.f32 v6;
	v62 =	vunpack.i.l.bf16.f32 v1  }
0x275: {  	v1 =	vunpack.i.u.bf16.f32 v1;
	v4 =	vadd.f32 v61, v57;
	v3 =	vadd.f32 v6, v3  }
0x276: {  	v63 =	vunpack.i.u.bf16.f32 v2;
	v60 =	vadd.f32 v59, v11;
	v5 =	vadd.f32 v5, v10  }
0x277: {  	v2 =	vunpack.i.l.bf16.f32 v2;
	v4 =	vadd.f32 v62, v4;
	v1 =	vadd.f32 v1, v3  }
0x278: {  	s0 =	sadd.s32 $0x1, s0;
	v2 =	vadd.f32 v2, v5;
	v3 =	vadd.f32 v63, v60  }
0x279: {  	p0 =	sne.s32 s0, $0x5  }
.Ltmp20:
0x27a: {  	v2 =	vadd.f32 v3, v2;
	v1 =	vadd.f32 v1, v4;
	(pc) =	sbr.rel @p0 .LBB2_40-.Ltmp20, $3  }
0x27b: {  	_ = 	snop  }
0x27c: {  	v1 =	vadd.f32 v1, v2;
	_ =	sdelay $0x1  }
0x27d: {  	[tilespmem:s10+$0x13CE0] =	vst v1  }
0x27e: {  	s19 =	sadd.s32 $0x1, s19  }
0x27f: {  	p0 =	sne.s32 s19, s8  }
.Ltmp21:
0x280: {  	s0 =	simm.s32 $0x11620;
	(pc) =	sbr.rel @p0 .LBB2_1-.Ltmp21, $4  }
0x281: {  	[hbm4b:s7+s3] =	stream.linear.scatter [tilespmem:s0], [sflag:$0x6], $0x2710, $0x38;
	[tilespmem:$0x13D30] =	vst v63  }
0x282: {  	_ =	swait.ge [sflag:s9], $0x2710  }
0x283: {  	[sflag:s9] =	ssyncset.done $0x0  }
0x284: {  	[sflag:s9] =	ssyncadd.s32 $0xFFFFD8F0  }
0x285: {  	_ =	sfence.sel $0x180000  }
0x286: {  	[bflag:$0x0] =	sbarrier.arrive $0xFFFF  }
0x287: {  	_ =	strace $0x90000047  }
0x288: {  	s0 =	stileid.u32;
	[bflag:$0x2] =	sbarrier.arrive $0xFFFF  }
0x289: {  	p0 =	sne.s32 s0, $0x0;
	s0 =	rddreg [dreg:$0x2]  }
0x28a: {  	s0 =	sadd.s32 @!p0 $0x100000, s0  }
0x28b: {  	[sflag:s0] =	ssyncadd.tile.s32 @!p0 $0x1;
	_ =	shalt  }
.Lfunc_end2:
_tile_overlayer_lowered:
.L_overlay_start_2:
0x28c: {  	(tag) =	ssettag $0x2  }
0x28d: {  	s0 =	rddreg [dreg:$0x0];
	s2 =	stileid.u32  }
0x28e: {  	s1 =	rddreg [dreg:$0x1];
	p0 =	sne.s32 s2, $0x0  }
0x28f: {  	s3 =	rddreg [dreg:$0x2];
	[bflag:$0x3] =	sbarrier.arrive $0xFFFF;
	s2 =	simm.s32 @!p0 $0x1C06  }
0x290: {  	[timem:s3], [sflag:s2] =	dma.local @!p0 [hbm:s0], s1  }
0x291: {  	s0 =	simm.s32 @!p0 $0x6  }
0x292: {  	_ =	swait.ge @!p0 [sflag:s0], s1  }
0x293: {  	s1 =	ssub.s32 @!p0 $0x0, s1;
	[sflag:s0] =	ssyncset.done @!p0 $0x0  }
0x294: {  	[sflag:s0] =	ssyncadd.s32 @!p0 s1  }
0x295: {  	[bflag:$0x3] =	sbarrier.arrive $0xFFFF  }
0x296: {  	_ =	shalt  }

</sc_bundles>
